<compile_context>
chip_gen: v7x
topology: tpu7x:2x2x1
jax: 0.10.2.dev20260603
libtpu: 0.0.44.dev20260713+nightly
codegen_flags: <defaults>
</compile_context>

<pallas_src>
import functools

import jax
import jax.numpy as jnp
from jax import lax
from jax.experimental import pallas as pl
from jax.experimental.pallas import tpu as pltpu
from jax.experimental.pallas import tpu_sc as plsc

B, H, W, C = 4, 112, 112, 192
OUT_H, OUT_W = H * 2, W * 2
TOTAL = B * OUT_H * OUT_W * C
N = B * H * W * C
CHUNK = 917_504
NCHUNK = TOTAL // CHUNK
NSUB = 16
PASSES = NCHUNK // 2
PER_TILE = N // NSUB
WIN = 6144
WROWS = WIN // 128
NWIN = PER_TILE // WIN
C16 = CHUNK // NSUB
RBLK = 128
CBUF = WIN + RBLK + 16


STG = 14336
NPIECE = C16 // STG


def _body(idx_hbm, upd_hbm, out_hbm, idxa, vala, idxb, valb, cidx, cval,
          zbuf, obuf, acc, sema, semb, semz):
    c = lax.axis_index("c")
    s = lax.axis_index("s")

    def zrow(i, carry):
        zbuf[pl.ds(i * 16, 16)] = jnp.zeros((16,), jnp.float32)
        return carry

    lax.fori_loop(0, STG // 16, zrow, 0, unroll=False)

    def _pass(p, carry):
            k = c * PASSES + p
            lo = k * CHUNK
            hi = lo + CHUNK

            for q in range(NPIECE):
                pltpu.async_copy(zbuf, acc.at[pl.ds(s * C16 + q * STG, STG)],
                                 semz)
            for q in range(NPIECE):
                pltpu.make_async_copy(
                    zbuf, acc.at[pl.ds(s * C16 + q * STG, STG)], semz).wait()
            plsc.subcore_barrier()

            def compact(iv, v, inr, fill):
                plsc.store_compressed(cidx.at[pl.ds(fill, 16)], iv - lo,
                                      mask=inr)
                plsc.store_compressed(cval.at[pl.ds(fill, 16)], v, mask=inr)
                pc = plsc.all_reduce_population_count(inr)
                return fill + pc[0]

            def drain(fill):
                fb = fill >> 7

                def fbody(fl):
                    pltpu.sync_copy(
                        cval.at[pl.ds(fl * RBLK, RBLK)],
                        acc.at[cidx.at[pl.ds(fl * RBLK, RBLK)]], add=True)
                    return fl + 1

                lax.while_loop(lambda fl: fl < fb, fbody, 0)
                for t in range(RBLK // 16):
                    src = fb * RBLK + t * 16
                    cidx[pl.ds(t * 16, 16)] = cidx[pl.ds(src, 16)]
                    cval[pl.ds(t * 16, 16)] = cval[pl.ds(src, 16)]
                return fill - fb * RBLK

            def start(w, ib, vb, sem):
                base = s * PER_TILE + w * WIN
                pltpu.async_copy(idx_hbm.at[pl.ds(base, WIN)], ib, sem)
                pltpu.async_copy(upd_hbm.at[pl.ds(base, WIN)], vb, sem)

            def wait(w, ib, vb, sem):
                base = s * PER_TILE + w * WIN
                pltpu.make_async_copy(
                    idx_hbm.at[pl.ds(base, WIN)], ib, sem).wait()
                pltpu.make_async_copy(
                    upd_hbm.at[pl.ds(base, WIN)], vb, sem).wait()

            def process(ib, vb, fill):
                def vrow(r, f2):
                    for cc in range(0, 128, 16):
                        off = r * 128 + cc
                        iv = ib[pl.ds(off, 16)]
                        v = vb[pl.ds(off, 16)]
                        inr = (iv >= lo) & (iv < hi)
                        f2 = compact(iv, v, inr, f2)
                    return f2

                fill = lax.fori_loop(0, WROWS, vrow, fill, unroll=False)
                return drain(fill)

            start(0, idxa, vala, sema)
            start(1, idxb, valb, semb)

            def dbl(t, fill):
                w = 2 * t
                wait(w, idxa, vala, sema)
                fill = process(idxa, vala, fill)

                @pl.when(w + 2 < NWIN)
                def _():
                    start(w + 2, idxa, vala, sema)

                wait(w + 1, idxb, valb, semb)
                fill = process(idxb, valb, fill)

                @pl.when(w + 3 < NWIN)
                def _():
                    start(w + 3, idxb, valb, semb)

                return fill

            fill = lax.fori_loop(0, NWIN // 2, dbl, 0, unroll=False)

            zi = jnp.zeros((16,), jnp.int32)
            zf = jnp.zeros((16,), jnp.float32)
            ones = jnp.ones((16,), jnp.bool_)
            for _ in range(RBLK // 16):
                fill = compact(lo + zi, zf, ones, fill)
            drain(fill)

            plsc.subcore_barrier()
            for q in range(NPIECE):
                off = s * C16 + q * STG
                pltpu.sync_copy(acc.at[pl.ds(off, STG)], obuf)
                pltpu.sync_copy(obuf, out_hbm.at[pl.ds(lo + off, STG)])
            return carry

    lax.fori_loop(0, PASSES, _pass, 0, unroll=False)


_scatter = functools.partial(
    pl.kernel,
    out_type=jax.ShapeDtypeStruct((TOTAL,), jnp.float32),
    mesh=plsc.VectorSubcoreMesh(core_axis_name="c", subcore_axis_name="s"),
    compiler_params=pltpu.CompilerParams(needs_layout_passes=False),
    scratch_types=[
        pltpu.VMEM((WIN,), jnp.int32),
        pltpu.VMEM((WIN,), jnp.float32),
        pltpu.VMEM((WIN,), jnp.int32),
        pltpu.VMEM((WIN,), jnp.float32),
        pltpu.VMEM((CBUF,), jnp.int32),
        pltpu.VMEM((CBUF,), jnp.float32),
        pltpu.VMEM((STG,), jnp.float32),
        pltpu.VMEM((STG,), jnp.float32),
        pltpu.VMEM_SHARED((CHUNK,), jnp.float32),
        pltpu.SemaphoreType.DMA,
        pltpu.SemaphoreType.DMA,
        pltpu.SemaphoreType.DMA,
    ],
)(_body)


@jax.jit
def kernel(updates, mask):
    idx = mask.astype(jnp.int32).reshape(N)
    upd = updates.reshape(N)
    out = _scatter(idx, upd)
    return out.reshape(-1, OUT_H, OUT_W, C)

# --- scband reference (transcript-rebuilt; emitter-appended) ---
"""Pipeline reference for scband-max-unpooling2-d-3977139716198 (READ-ONLY COPY).

The authoritative reference and input builder live on the scoring server;
editing this copy changes nothing except your own understanding.
"""

import jax, jax.numpy as jnp
import numpy as np

SIZE = (2, 2)


def setup_inputs(seed: int = 0) -> dict:
    key = jax.random.key(seed)
    k1, k2 = jax.random.split(key)
    B, H, W, C = 4, 112, 112, 192
    updates = jax.random.normal(k1, (B, H, W, C), dtype=jnp.float32)
    total = B * (H * SIZE[0]) * (W * SIZE[1]) * C
    mask = jax.random.randint(k2, (B, H, W, C), 0, total, dtype=jnp.int64)
    return {"updates": updates, "mask": mask}


def reference(updates, mask):
    # Faithful translation of keras MaxUnpooling2D.call with output_shape=None:
    #   output_shape = (B, H*size0, W*size1, C)
    #   ret = tf.scatter_nd(expand_dims(flatten(mask)), flatten(updates), [prod(output_shape)])
    #   (tf.scatter_nd sums duplicate indices -> use .at[].add)
    #   reshape to [-1, H*size0, W*size1, C]
    B, H, W, C = updates.shape
    out_h = H * SIZE[0]
    out_w = W * SIZE[1]
    total = B * out_h * out_w * C
    mask_flat = mask.reshape(-1).astype(jnp.int32)
    upd_flat = updates.reshape(-1)
    ret = jnp.zeros((total,), dtype=updates.dtype).at[mask_flat].add(upd_flat)
    return ret.reshape(-1, out_h, out_w, C)

if __name__ == "__main__":
    import jax
    _d = setup_inputs()
    print(jax.jit(kernel)(*tuple(_d.values())))

</pallas_src>

<mosaic_0001>
#map = affine_map<(d0, d1) -> (0)>
module attributes {stable_mosaic.version = 14 : i64} {
  func.func @_body(%arg0: i32, %arg1: i32, %arg2: memref<9633792xi32, #tpu.memory_space<hbm>>, %arg3: memref<9633792xf32, #tpu.memory_space<hbm>>, %arg4: memref<38535168xf32, #tpu.memory_space<hbm>>, %arg5: memref<6144xi32, #tpu.memory_space<vmem>>, %arg6: memref<6144xf32, #tpu.memory_space<vmem>>, %arg7: memref<6144xi32, #tpu.memory_space<vmem>>, %arg8: memref<6144xf32, #tpu.memory_space<vmem>>, %arg9: memref<6288xi32, #tpu.memory_space<vmem>>, %arg10: memref<6288xf32, #tpu.memory_space<vmem>>, %arg11: memref<14336xf32, #tpu.memory_space<vmem>>, %arg12: memref<14336xf32, #tpu.memory_space<vmem>>, %arg13: memref<917504xf32, #tpu.memory_space<vmem_shared>>, %arg14: memref<!tpu.dma_semaphore, #tpu.memory_space<semaphore_mem>>, %arg15: memref<!tpu.dma_semaphore, #tpu.memory_space<semaphore_mem>>, %arg16: memref<!tpu.dma_semaphore, #tpu.memory_space<semaphore_mem>>) attributes {dimension_semantics = [#tpu.dimension_semantics<core_parallel>, #tpu.dimension_semantics<subcore_parallel>], iteration_bounds = array<i64: 2, 16>, scalar_prefetch = 0 : i64, scratch_operands = 12 : i64, tpu.core_type = #tpu.core_type<sc_vector_subcore>, window_params = [{transform_indices = #map}, {transform_indices = #map}, {transform_indices = #map}]} {
    %scan3A = arith.constant 0 : i32
    %scan3A_0 = arith.constant 0 : i32
    %scan3A_1 = arith.constant 896 : i32
    %scan3A_2 = arith.addi %scan3A_0, %scan3A_1 : i32
    %scan3A_3 = arith.constant 1 : i32
    scf.for %scan3A_11 = %scan3A_0 to %scan3A_2 step %scan3A_3  : i32 {
      %broadcast_in_dim3A = arith.constant 0.000000e+00 : f32
      %broadcast_in_dim3A_12 = vector.broadcast %broadcast_in_dim3A : f32 to vector<16xf32>
      %mul3A = arith.constant 16 : i32
      %mul3A_13 = arith.muli %scan3A_11, %mul3A : i32
      %swap3A = arith.index_cast %mul3A_13 : i32 to index
      %swap3A_14 = tpu.vector_load %arg11[%swap3A] {strides = array<i32>} : memref<14336xf32, #tpu.memory_space<vmem>>, vector<16xf32>,
      tpu.vector_store %arg11[%swap3A], %broadcast_in_dim3A_12 {strides = array<i32>} : memref<14336xf32, #tpu.memory_space<vmem>>, vector<16xf32>,
    }
    %scan3A_4 = arith.constant 896 : i32
    %scan3A_5 = arith.constant 0 : i32
    %scan3A_6 = arith.constant 0 : i32
    %scan3A_7 = arith.constant 21 : i32
    %scan3A_8 = arith.addi %scan3A_6, %scan3A_7 : i32
    %scan3A_9 = arith.constant 1 : i32
    scf.for %scan3A_11 = %scan3A_6 to %scan3A_8 step %scan3A_9  : i32 {
      %mul3A = arith.constant 21 : i32
      %mul3A_12 = arith.muli %arg0, %mul3A : i32
      %add3A = arith.addi %mul3A_12, %scan3A_11 : i32
      %mul3A_13 = arith.constant 917504 : i32
      %mul3A_14 = arith.muli %add3A, %mul3A_13 : i32
      %add3A_15 = arith.constant 917504 : i32
      %add3A_16 = arith.addi %mul3A_14, %add3A_15 : i32
      %mul3A_17 = arith.constant 57344 : i32
      %mul3A_18 = arith.muli %arg1, %mul3A_17 : i32
      %add3A_19 = arith.constant 0 : i32
      %add3A_20 = arith.addi %mul3A_18, %add3A_19 : i32
      %dma_start3A = tpu.memref_slice %arg13[%add3A_20] : memref<917504xf32, #tpu.memory_space<vmem_shared>> -> memref<14336xf32, #tpu.memory_space<vmem_shared>>
      %dma_start3A_21 = tpu.memref_slice %arg13[%add3A_20] : memref<917504xf32, #tpu.memory_space<vmem_shared>> -> memref<14336xf32, #tpu.memory_space<vmem_shared>>
      tpu.enqueue_dma source(%arg11 : memref<14336xf32, #tpu.memory_space<vmem>>) target(%dma_start3A_21 : memref<14336xf32, #tpu.memory_space<vmem_shared>>) target_semaphore(%arg16 : memref<!tpu.dma_semaphore, #tpu.memory_space<semaphore_mem>>)
      %mul3A_22 = arith.constant 57344 : i32
      %mul3A_23 = arith.muli %arg1, %mul3A_22 : i32
      %add3A_24 = arith.constant 14336 : i32
      %add3A_25 = arith.addi %mul3A_23, %add3A_24 : i32
      %dma_start3A_26 = tpu.memref_slice %arg13[%add3A_25] : memref<917504xf32, #tpu.memory_space<vmem_shared>> -> memref<14336xf32, #tpu.memory_space<vmem_shared>>
      %dma_start3A_27 = tpu.memref_slice %arg13[%add3A_25] : memref<917504xf32, #tpu.memory_space<vmem_shared>> -> memref<14336xf32, #tpu.memory_space<vmem_shared>>
      tpu.enqueue_dma source(%arg11 : memref<14336xf32, #tpu.memory_space<vmem>>) target(%dma_start3A_27 : memref<14336xf32, #tpu.memory_space<vmem_shared>>) target_semaphore(%arg16 : memref<!tpu.dma_semaphore, #tpu.memory_space<semaphore_mem>>)
      %mul3A_28 = arith.constant 57344 : i32
      %mul3A_29 = arith.muli %arg1, %mul3A_28 : i32
      %add3A_30 = arith.constant 28672 : i32
      %add3A_31 = arith.addi %mul3A_29, %add3A_30 : i32
      %dma_start3A_32 = tpu.memref_slice %arg13[%add3A_31] : memref<917504xf32, #tpu.memory_space<vmem_shared>> -> memref<14336xf32, #tpu.memory_space<vmem_shared>>
      %dma_start3A_33 = tpu.memref_slice %arg13[%add3A_31] : memref<917504xf32, #tpu.memory_space<vmem_shared>> -> memref<14336xf32, #tpu.memory_space<vmem_shared>>
      tpu.enqueue_dma source(%arg11 : memref<14336xf32, #tpu.memory_space<vmem>>) target(%dma_start3A_33 : memref<14336xf32, #tpu.memory_space<vmem_shared>>) target_semaphore(%arg16 : memref<!tpu.dma_semaphore, #tpu.memory_space<semaphore_mem>>)
      %mul3A_34 = arith.constant 57344 : i32
      %mul3A_35 = arith.muli %arg1, %mul3A_34 : i32
      %add3A_36 = arith.constant 43008 : i32
      %add3A_37 = arith.addi %mul3A_35, %add3A_36 : i32
      %dma_start3A_38 = tpu.memref_slice %arg13[%add3A_37] : memref<917504xf32, #tpu.memory_space<vmem_shared>> -> memref<14336xf32, #tpu.memory_space<vmem_shared>>
      %dma_start3A_39 = tpu.memref_slice %arg13[%add3A_37] : memref<917504xf32, #tpu.memory_space<vmem_shared>> -> memref<14336xf32, #tpu.memory_space<vmem_shared>>
      tpu.enqueue_dma source(%arg11 : memref<14336xf32, #tpu.memory_space<vmem>>) target(%dma_start3A_39 : memref<14336xf32, #tpu.memory_space<vmem_shared>>) target_semaphore(%arg16 : memref<!tpu.dma_semaphore, #tpu.memory_space<semaphore_mem>>)
      %mul3A_40 = arith.constant 57344 : i32
      %mul3A_41 = arith.muli %arg1, %mul3A_40 : i32
      %add3A_42 = arith.constant 0 : i32
      %add3A_43 = arith.addi %mul3A_41, %add3A_42 : i32
      %dma_wait3A = tpu.memref_slice %arg13[%add3A_43] : memref<917504xf32, #tpu.memory_space<vmem_shared>> -> memref<14336xf32, #tpu.memory_space<vmem_shared>>
      %dma_wait3A_44 = tpu.memref_slice %arg13[%add3A_43] : memref<917504xf32, #tpu.memory_space<vmem_shared>> -> memref<14336xf32, #tpu.memory_space<vmem_shared>>
      tpu.wait_dma2 semaphore(%arg16 : memref<!tpu.dma_semaphore, #tpu.memory_space<semaphore_mem>>) src(%arg11 : memref<14336xf32, #tpu.memory_space<vmem>>) dst(%dma_wait3A_44 : memref<14336xf32, #tpu.memory_space<vmem_shared>>)
      %mul3A_45 = arith.constant 57344 : i32
      %mul3A_46 = arith.muli %arg1, %mul3A_45 : i32
      %add3A_47 = arith.constant 14336 : i32
      %add3A_48 = arith.addi %mul3A_46, %add3A_47 : i32
      %dma_wait3A_49 = tpu.memref_slice %arg13[%add3A_48] : memref<917504xf32, #tpu.memory_space<vmem_shared>> -> memref<14336xf32, #tpu.memory_space<vmem_shared>>
      %dma_wait3A_50 = tpu.memref_slice %arg13[%add3A_48] : memref<917504xf32, #tpu.memory_space<vmem_shared>> -> memref<14336xf32, #tpu.memory_space<vmem_shared>>
      tpu.wait_dma2 semaphore(%arg16 : memref<!tpu.dma_semaphore, #tpu.memory_space<semaphore_mem>>) src(%arg11 : memref<14336xf32, #tpu.memory_space<vmem>>) dst(%dma_wait3A_50 : memref<14336xf32, #tpu.memory_space<vmem_shared>>)
      %mul3A_51 = arith.constant 57344 : i32
      %mul3A_52 = arith.muli %arg1, %mul3A_51 : i32
      %add3A_53 = arith.constant 28672 : i32
      %add3A_54 = arith.addi %mul3A_52, %add3A_53 : i32
      %dma_wait3A_55 = tpu.memref_slice %arg13[%add3A_54] : memref<917504xf32, #tpu.memory_space<vmem_shared>> -> memref<14336xf32, #tpu.memory_space<vmem_shared>>
      %dma_wait3A_56 = tpu.memref_slice %arg13[%add3A_54] : memref<917504xf32, #tpu.memory_space<vmem_shared>> -> memref<14336xf32, #tpu.memory_space<vmem_shared>>
      tpu.wait_dma2 semaphore(%arg16 : memref<!tpu.dma_semaphore, #tpu.memory_space<semaphore_mem>>) src(%arg11 : memref<14336xf32, #tpu.memory_space<vmem>>) dst(%dma_wait3A_56 : memref<14336xf32, #tpu.memory_space<vmem_shared>>)
      %mul3A_57 = arith.constant 57344 : i32
      %mul3A_58 = arith.muli %arg1, %mul3A_57 : i32
      %add3A_59 = arith.constant 43008 : i32
      %add3A_60 = arith.addi %mul3A_58, %add3A_59 : i32
      %dma_wait3A_61 = tpu.memref_slice %arg13[%add3A_60] : memref<917504xf32, #tpu.memory_space<vmem_shared>> -> memref<14336xf32, #tpu.memory_space<vmem_shared>>
      %dma_wait3A_62 = tpu.memref_slice %arg13[%add3A_60] : memref<917504xf32, #tpu.memory_space<vmem_shared>> -> memref<14336xf32, #tpu.memory_space<vmem_shared>>
      tpu.wait_dma2 semaphore(%arg16 : memref<!tpu.dma_semaphore, #tpu.memory_space<semaphore_mem>>) src(%arg11 : memref<14336xf32, #tpu.memory_space<vmem>>) dst(%dma_wait3A_62 : memref<14336xf32, #tpu.memory_space<vmem_shared>>)
      %barrier3A = arith.constant 0 : index
      tpu.barrier barrier_id(%barrier3A)
      %mul3A_63 = arith.constant 602112 : i32
      %mul3A_64 = arith.muli %arg1, %mul3A_63 : i32
      %add3A_65 = arith.constant 0 : i32
      %add3A_66 = arith.addi %mul3A_64, %add3A_65 : i32
      %dma_start3A_67 = tpu.memref_slice %arg2[%add3A_66] : memref<9633792xi32, #tpu.memory_space<hbm>> -> memref<6144xi32, #tpu.memory_space<hbm>>
      %dma_start3A_68 = tpu.memref_slice %arg2[%add3A_66] : memref<9633792xi32, #tpu.memory_space<hbm>> -> memref<6144xi32, #tpu.memory_space<hbm>>
      tpu.enqueue_dma source(%dma_start3A_68 : memref<6144xi32, #tpu.memory_space<hbm>>) target(%arg5 : memref<6144xi32, #tpu.memory_space<vmem>>) target_semaphore(%arg14 : memref<!tpu.dma_semaphore, #tpu.memory_space<semaphore_mem>>)
      %dma_start3A_69 = tpu.memref_slice %arg3[%add3A_66] : memref<9633792xf32, #tpu.memory_space<hbm>> -> memref<6144xf32, #tpu.memory_space<hbm>>
      %dma_start3A_70 = tpu.memref_slice %arg3[%add3A_66] : memref<9633792xf32, #tpu.memory_space<hbm>> -> memref<6144xf32, #tpu.memory_space<hbm>>
      tpu.enqueue_dma source(%dma_start3A_70 : memref<6144xf32, #tpu.memory_space<hbm>>) target(%arg6 : memref<6144xf32, #tpu.memory_space<vmem>>) target_semaphore(%arg14 : memref<!tpu.dma_semaphore, #tpu.memory_space<semaphore_mem>>)
      %mul3A_71 = arith.constant 602112 : i32
      %mul3A_72 = arith.muli %arg1, %mul3A_71 : i32
      %add3A_73 = arith.constant 6144 : i32
      %add3A_74 = arith.addi %mul3A_72, %add3A_73 : i32
      %dma_start3A_75 = tpu.memref_slice %arg2[%add3A_74] : memref<9633792xi32, #tpu.memory_space<hbm>> -> memref<6144xi32, #tpu.memory_space<hbm>>
      %dma_start3A_76 = tpu.memref_slice %arg2[%add3A_74] : memref<9633792xi32, #tpu.memory_space<hbm>> -> memref<6144xi32, #tpu.memory_space<hbm>>
      tpu.enqueue_dma source(%dma_start3A_76 : memref<6144xi32, #tpu.memory_space<hbm>>) target(%arg7 : memref<6144xi32, #tpu.memory_space<vmem>>) target_semaphore(%arg15 : memref<!tpu.dma_semaphore, #tpu.memory_space<semaphore_mem>>)
      %dma_start3A_77 = tpu.memref_slice %arg3[%add3A_74] : memref<9633792xf32, #tpu.memory_space<hbm>> -> memref<6144xf32, #tpu.memory_space<hbm>>
      %dma_start3A_78 = tpu.memref_slice %arg3[%add3A_74] : memref<9633792xf32, #tpu.memory_space<hbm>> -> memref<6144xf32, #tpu.memory_space<hbm>>
      tpu.enqueue_dma source(%dma_start3A_78 : memref<6144xf32, #tpu.memory_space<hbm>>) target(%arg8 : memref<6144xf32, #tpu.memory_space<vmem>>) target_semaphore(%arg15 : memref<!tpu.dma_semaphore, #tpu.memory_space<semaphore_mem>>)
      %scan3A_79 = arith.constant 0 : i32
      %scan3A_80 = arith.constant 0 : i32
      %scan3A_81 = arith.constant 49 : i32
      %scan3A_82 = arith.addi %scan3A_80, %scan3A_81 : i32
      %scan3A_83 = arith.constant 1 : i32
      %scan3A_84 = scf.for %scan3A_303 = %scan3A_80 to %scan3A_82 step %scan3A_83 iter_args(%scan3A_304 = %scan3A_79) -> (i32)  : i32 {
        %mul3A_305 = arith.constant 2 : i32
        %mul3A_306 = arith.muli %mul3A_305, %scan3A_303 : i32
        %mul3A_307 = arith.constant 602112 : i32
        %mul3A_308 = arith.muli %arg1, %mul3A_307 : i32
        %mul3A_309 = arith.constant 6144 : i32
        %mul3A_310 = arith.muli %mul3A_306, %mul3A_309 : i32
        %add3A_311 = arith.addi %mul3A_308, %mul3A_310 : i32
        %dma_wait3A_312 = tpu.memref_slice %arg2[%add3A_311] : memref<9633792xi32, #tpu.memory_space<hbm>> -> memref<6144xi32, #tpu.memory_space<hbm>>
        %dma_wait3A_313 = tpu.memref_slice %arg2[%add3A_311] : memref<9633792xi32, #tpu.memory_space<hbm>> -> memref<6144xi32, #tpu.memory_space<hbm>>
        tpu.wait_dma2 semaphore(%arg14 : memref<!tpu.dma_semaphore, #tpu.memory_space<semaphore_mem>>) src(%dma_wait3A_313 : memref<6144xi32, #tpu.memory_space<hbm>>) dst(%arg5 : memref<6144xi32, #tpu.memory_space<vmem>>)
        %dma_wait3A_314 = tpu.memref_slice %arg3[%add3A_311] : memref<9633792xf32, #tpu.memory_space<hbm>> -> memref<6144xf32, #tpu.memory_space<hbm>>
        %dma_wait3A_315 = tpu.memref_slice %arg3[%add3A_311] : memref<9633792xf32, #tpu.memory_space<hbm>> -> memref<6144xf32, #tpu.memory_space<hbm>>
        tpu.wait_dma2 semaphore(%arg14 : memref<!tpu.dma_semaphore, #tpu.memory_space<semaphore_mem>>) src(%dma_wait3A_315 : memref<6144xf32, #tpu.memory_space<hbm>>) dst(%arg6 : memref<6144xf32, #tpu.memory_space<vmem>>)
        %scan3A_316 = arith.constant 0 : i32
        %scan3A_317 = arith.constant 48 : i32
        %scan3A_318 = arith.addi %scan3A_316, %scan3A_317 : i32
        %scan3A_319 = arith.constant 1 : i32
        %scan3A_320 = scf.for %scan3A_556 = %scan3A_316 to %scan3A_318 step %scan3A_319 iter_args(%scan3A_557 = %scan3A_304) -> (i32)  : i32 {
          %mul3A_558 = arith.constant 128 : i32
          %mul3A_559 = arith.muli %scan3A_556, %mul3A_558 : i32
          %add3A_560 = arith.constant 0 : i32
          %add3A_561 = arith.addi %mul3A_559, %add3A_560 : i32
          %get3A_562 = arith.index_cast %add3A_561 : i32 to index
          %get3A_563 = tpu.vector_load %arg5[%get3A_562] {strides = array<i32>} : memref<6144xi32, #tpu.memory_space<vmem>>, vector<16xi32>,
          %get3A_564 = arith.index_cast %add3A_561 : i32 to index
          %get3A_565 = tpu.vector_load %arg6[%get3A_564] {strides = array<i32>} : memref<6144xf32, #tpu.memory_space<vmem>>, vector<16xf32>,
          %ge3A = vector.broadcast %mul3A_14 : i32 to vector<16xi32>
          %ge3A_566 = arith.cmpi sge, %get3A_563, %ge3A : vector<16xi32>
          %lt3A_567 = vector.broadcast %add3A_16 : i32 to vector<16xi32>
          %lt3A_568 = arith.cmpi slt, %get3A_563, %lt3A_567 : vector<16xi32>
          %and3A = arith.andi %ge3A_566, %lt3A_568 : vector<16xi1>
          %sub3A_569 = vector.broadcast %mul3A_14 : i32 to vector<16xi32>
          %sub3A_570 = arith.subi %get3A_563, %sub3A_569 : vector<16xi32>
          %swap3A_571 = arith.index_cast %scan3A_557 : i32 to index
          %swap3A_572 = tpu.vector_load %arg9[%swap3A_571] masked %and3A {strides = array<i32>} : memref<6288xi32, #tpu.memory_space<vmem>>, vector<16xi32>, vector<16xi1>
          tpu.vector_store %arg9[%swap3A_571], %sub3A_570 masked %and3A {strides = array<i32>} : memref<6288xi32, #tpu.memory_space<vmem>>, vector<16xi32>, vector<16xi1>
          %swap3A_573 = arith.index_cast %scan3A_557 : i32 to index
          %swap3A_574 = tpu.vector_load %arg10[%swap3A_573] masked %and3A {strides = array<i32>} : memref<6288xf32, #tpu.memory_space<vmem>>, vector<16xf32>, vector<16xi1>
          tpu.vector_store %arg10[%swap3A_573], %get3A_565 masked %and3A {strides = array<i32>} : memref<6288xf32, #tpu.memory_space<vmem>>, vector<16xf32>, vector<16xi1>
          %all_reduce_population_count3A_575 = tpu.all_reduce %and3A {dim = 0 : i64, kind = #tpu.reduction_kind<sum>} : vector<16xi1> -> vector<16xi32>
          %slice3A_576 = vector.extract_strided_slice %all_reduce_population_count3A_575 {offsets = [0], sizes = [1], strides = [1]} : vector<16xi32> to vector<1xi32>
          %squeeze3A_577 = vector.extract %slice3A_576[0] : i32 from vector<1xi32>
          %add3A_578 = arith.addi %scan3A_557, %squeeze3A_577 : i32
          %mul3A_579 = arith.constant 128 : i32
          %mul3A_580 = arith.muli %scan3A_556, %mul3A_579 : i32
          %add3A_581 = arith.constant 16 : i32
          %add3A_582 = arith.addi %mul3A_580, %add3A_581 : i32
          %get3A_583 = arith.index_cast %add3A_582 : i32 to index
          %get3A_584 = tpu.vector_load %arg5[%get3A_583] {strides = array<i32>} : memref<6144xi32, #tpu.memory_space<vmem>>, vector<16xi32>,
          %get3A_585 = arith.index_cast %add3A_582 : i32 to index
          %get3A_586 = tpu.vector_load %arg6[%get3A_585] {strides = array<i32>} : memref<6144xf32, #tpu.memory_space<vmem>>, vector<16xf32>,
          %ge3A_587 = vector.broadcast %mul3A_14 : i32 to vector<16xi32>
          %ge3A_588 = arith.cmpi sge, %get3A_584, %ge3A_587 : vector<16xi32>
          %lt3A_589 = vector.broadcast %add3A_16 : i32 to vector<16xi32>
          %lt3A_590 = arith.cmpi slt, %get3A_584, %lt3A_589 : vector<16xi32>
          %and3A_591 = arith.andi %ge3A_588, %lt3A_590 : vector<16xi1>
          %sub3A_592 = vector.broadcast %mul3A_14 : i32 to vector<16xi32>
          %sub3A_593 = arith.subi %get3A_584, %sub3A_592 : vector<16xi32>
          %swap3A_594 = arith.index_cast %add3A_578 : i32 to index
          %swap3A_595 = tpu.vector_load %arg9[%swap3A_594] masked %and3A_591 {strides = array<i32>} : memref<6288xi32, #tpu.memory_space<vmem>>, vector<16xi32>, vector<16xi1>
          tpu.vector_store %arg9[%swap3A_594], %sub3A_593 masked %and3A_591 {strides = array<i32>} : memref<6288xi32, #tpu.memory_space<vmem>>, vector<16xi32>, vector<16xi1>
          %swap3A_596 = arith.index_cast %add3A_578 : i32 to index
          %swap3A_597 = tpu.vector_load %arg10[%swap3A_596] masked %and3A_591 {strides = array<i32>} : memref<6288xf32, #tpu.memory_space<vmem>>, vector<16xf32>, vector<16xi1>
          tpu.vector_store %arg10[%swap3A_596], %get3A_586 masked %and3A_591 {strides = array<i32>} : memref<6288xf32, #tpu.memory_space<vmem>>, vector<16xf32>, vector<16xi1>
          %all_reduce_population_count3A_598 = tpu.all_reduce %and3A_591 {dim = 0 : i64, kind = #tpu.reduction_kind<sum>} : vector<16xi1> -> vector<16xi32>
          %slice3A_599 = vector.extract_strided_slice %all_reduce_population_count3A_598 {offsets = [0], sizes = [1], strides = [1]} : vector<16xi32> to vector<1xi32>
          %squeeze3A_600 = vector.extract %slice3A_599[0] : i32 from vector<1xi32>
          %add3A_601 = arith.addi %add3A_578, %squeeze3A_600 : i32
          %mul3A_602 = arith.constant 128 : i32
          %mul3A_603 = arith.muli %scan3A_556, %mul3A_602 : i32
          %add3A_604 = arith.constant 32 : i32
          %add3A_605 = arith.addi %mul3A_603, %add3A_604 : i32
          %get3A_606 = arith.index_cast %add3A_605 : i32 to index
          %get3A_607 = tpu.vector_load %arg5[%get3A_606] {strides = array<i32>} : memref<6144xi32, #tpu.memory_space<vmem>>, vector<16xi32>,
          %get3A_608 = arith.index_cast %add3A_605 : i32 to index
          %get3A_609 = tpu.vector_load %arg6[%get3A_608] {strides = array<i32>} : memref<6144xf32, #tpu.memory_space<vmem>>, vector<16xf32>,
          %ge3A_610 = vector.broadcast %mul3A_14 : i32 to vector<16xi32>
          %ge3A_611 = arith.cmpi sge, %get3A_607, %ge3A_610 : vector<16xi32>
          %lt3A_612 = vector.broadcast %add3A_16 : i32 to vector<16xi32>
          %lt3A_613 = arith.cmpi slt, %get3A_607, %lt3A_612 : vector<16xi32>
          %and3A_614 = arith.andi %ge3A_611, %lt3A_613 : vector<16xi1>
          %sub3A_615 = vector.broadcast %mul3A_14 : i32 to vector<16xi32>
          %sub3A_616 = arith.subi %get3A_607, %sub3A_615 : vector<16xi32>
          %swap3A_617 = arith.index_cast %add3A_601 : i32 to index
          %swap3A_618 = tpu.vector_load %arg9[%swap3A_617] masked %and3A_614 {strides = array<i32>} : memref<6288xi32, #tpu.memory_space<vmem>>, vector<16xi32>, vector<16xi1>
          tpu.vector_store %arg9[%swap3A_617], %sub3A_616 masked %and3A_614 {strides = array<i32>} : memref<6288xi32, #tpu.memory_space<vmem>>, vector<16xi32>, vector<16xi1>
          %swap3A_619 = arith.index_cast %add3A_601 : i32 to index
          %swap3A_620 = tpu.vector_load %arg10[%swap3A_619] masked %and3A_614 {strides = array<i32>} : memref<6288xf32, #tpu.memory_space<vmem>>, vector<16xf32>, vector<16xi1>
          tpu.vector_store %arg10[%swap3A_619], %get3A_609 masked %and3A_614 {strides = array<i32>} : memref<6288xf32, #tpu.memory_space<vmem>>, vector<16xf32>, vector<16xi1>
          %all_reduce_population_count3A_621 = tpu.all_reduce %and3A_614 {dim = 0 : i64, kind = #tpu.reduction_kind<sum>} : vector<16xi1> -> vector<16xi32>
          %slice3A_622 = vector.extract_strided_slice %all_reduce_population_count3A_621 {offsets = [0], sizes = [1], strides = [1]} : vector<16xi32> to vector<1xi32>
          %squeeze3A_623 = vector.extract %slice3A_622[0] : i32 from vector<1xi32>
          %add3A_624 = arith.addi %add3A_601, %squeeze3A_623 : i32
          %mul3A_625 = arith.constant 128 : i32
          %mul3A_626 = arith.muli %scan3A_556, %mul3A_625 : i32
          %add3A_627 = arith.constant 48 : i32
          %add3A_628 = arith.addi %mul3A_626, %add3A_627 : i32
          %get3A_629 = arith.index_cast %add3A_628 : i32 to index
          %get3A_630 = tpu.vector_load %arg5[%get3A_629] {strides = array<i32>} : memref<6144xi32, #tpu.memory_space<vmem>>, vector<16xi32>,
          %get3A_631 = arith.index_cast %add3A_628 : i32 to index
          %get3A_632 = tpu.vector_load %arg6[%get3A_631] {strides = array<i32>} : memref<6144xf32, #tpu.memory_space<vmem>>, vector<16xf32>,
          %ge3A_633 = vector.broadcast %mul3A_14 : i32 to vector<16xi32>
          %ge3A_634 = arith.cmpi sge, %get3A_630, %ge3A_633 : vector<16xi32>
          %lt3A_635 = vector.broadcast %add3A_16 : i32 to vector<16xi32>
          %lt3A_636 = arith.cmpi slt, %get3A_630, %lt3A_635 : vector<16xi32>
          %and3A_637 = arith.andi %ge3A_634, %lt3A_636 : vector<16xi1>
          %sub3A_638 = vector.broadcast %mul3A_14 : i32 to vector<16xi32>
          %sub3A_639 = arith.subi %get3A_630, %sub3A_638 : vector<16xi32>
          %swap3A_640 = arith.index_cast %add3A_624 : i32 to index
          %swap3A_641 = tpu.vector_load %arg9[%swap3A_640] masked %and3A_637 {strides = array<i32>} : memref<6288xi32, #tpu.memory_space<vmem>>, vector<16xi32>, vector<16xi1>
          tpu.vector_store %arg9[%swap3A_640], %sub3A_639 masked %and3A_637 {strides = array<i32>} : memref<6288xi32, #tpu.memory_space<vmem>>, vector<16xi32>, vector<16xi1>
          %swap3A_642 = arith.index_cast %add3A_624 : i32 to index
          %swap3A_643 = tpu.vector_load %arg10[%swap3A_642] masked %and3A_637 {strides = array<i32>} : memref<6288xf32, #tpu.memory_space<vmem>>, vector<16xf32>, vector<16xi1>
          tpu.vector_store %arg10[%swap3A_642], %get3A_632 masked %and3A_637 {strides = array<i32>} : memref<6288xf32, #tpu.memory_space<vmem>>, vector<16xf32>, vector<16xi1>
          %all_reduce_population_count3A_644 = tpu.all_reduce %and3A_637 {dim = 0 : i64, kind = #tpu.reduction_kind<sum>} : vector<16xi1> -> vector<16xi32>
          %slice3A_645 = vector.extract_strided_slice %all_reduce_population_count3A_644 {offsets = [0], sizes = [1], strides = [1]} : vector<16xi32> to vector<1xi32>
          %squeeze3A_646 = vector.extract %slice3A_645[0] : i32 from vector<1xi32>
          %add3A_647 = arith.addi %add3A_624, %squeeze3A_646 : i32
          %mul3A_648 = arith.constant 128 : i32
          %mul3A_649 = arith.muli %scan3A_556, %mul3A_648 : i32
          %add3A_650 = arith.constant 64 : i32
          %add3A_651 = arith.addi %mul3A_649, %add3A_650 : i32
          %get3A_652 = arith.index_cast %add3A_651 : i32 to index
          %get3A_653 = tpu.vector_load %arg5[%get3A_652] {strides = array<i32>} : memref<6144xi32, #tpu.memory_space<vmem>>, vector<16xi32>,
          %get3A_654 = arith.index_cast %add3A_651 : i32 to index
          %get3A_655 = tpu.vector_load %arg6[%get3A_654] {strides = array<i32>} : memref<6144xf32, #tpu.memory_space<vmem>>, vector<16xf32>,
          %ge3A_656 = vector.broadcast %mul3A_14 : i32 to vector<16xi32>
          %ge3A_657 = arith.cmpi sge, %get3A_653, %ge3A_656 : vector<16xi32>
          %lt3A_658 = vector.broadcast %add3A_16 : i32 to vector<16xi32>
          %lt3A_659 = arith.cmpi slt, %get3A_653, %lt3A_658 : vector<16xi32>
          %and3A_660 = arith.andi %ge3A_657, %lt3A_659 : vector<16xi1>
          %sub3A_661 = vector.broadcast %mul3A_14 : i32 to vector<16xi32>
          %sub3A_662 = arith.subi %get3A_653, %sub3A_661 : vector<16xi32>
          %swap3A_663 = arith.index_cast %add3A_647 : i32 to index
          %swap3A_664 = tpu.vector_load %arg9[%swap3A_663] masked %and3A_660 {strides = array<i32>} : memref<6288xi32, #tpu.memory_space<vmem>>, vector<16xi32>, vector<16xi1>
          tpu.vector_store %arg9[%swap3A_663], %sub3A_662 masked %and3A_660 {strides = array<i32>} : memref<6288xi32, #tpu.memory_space<vmem>>, vector<16xi32>, vector<16xi1>
          %swap3A_665 = arith.index_cast %add3A_647 : i32 to index
          %swap3A_666 = tpu.vector_load %arg10[%swap3A_665] masked %and3A_660 {strides = array<i32>} : memref<6288xf32, #tpu.memory_space<vmem>>, vector<16xf32>, vector<16xi1>
          tpu.vector_store %arg10[%swap3A_665], %get3A_655 masked %and3A_660 {strides = array<i32>} : memref<6288xf32, #tpu.memory_space<vmem>>, vector<16xf32>, vector<16xi1>
          %all_reduce_population_count3A_667 = tpu.all_reduce %and3A_660 {dim = 0 : i64, kind = #tpu.reduction_kind<sum>} : vector<16xi1> -> vector<16xi32>
          %slice3A_668 = vector.extract_strided_slice %all_reduce_population_count3A_667 {offsets = [0], sizes = [1], strides = [1]} : vector<16xi32> to vector<1xi32>
          %squeeze3A_669 = vector.extract %slice3A_668[0] : i32 from vector<1xi32>
          %add3A_670 = arith.addi %add3A_647, %squeeze3A_669 : i32
          %mul3A_671 = arith.constant 128 : i32
          %mul3A_672 = arith.muli %scan3A_556, %mul3A_671 : i32
          %add3A_673 = arith.constant 80 : i32
          %add3A_674 = arith.addi %mul3A_672, %add3A_673 : i32
          %get3A_675 = arith.index_cast %add3A_674 : i32 to index
          %get3A_676 = tpu.vector_load %arg5[%get3A_675] {strides = array<i32>} : memref<6144xi32, #tpu.memory_space<vmem>>, vector<16xi32>,
          %get3A_677 = arith.index_cast %add3A_674 : i32 to index
          %get3A_678 = tpu.vector_load %arg6[%get3A_677] {strides = array<i32>} : memref<6144xf32, #tpu.memory_space<vmem>>, vector<16xf32>,
          %ge3A_679 = vector.broadcast %mul3A_14 : i32 to vector<16xi32>
          %ge3A_680 = arith.cmpi sge, %get3A_676, %ge3A_679 : vector<16xi32>
          %lt3A_681 = vector.broadcast %add3A_16 : i32 to vector<16xi32>
          %lt3A_682 = arith.cmpi slt, %get3A_676, %lt3A_681 : vector<16xi32>
          %and3A_683 = arith.andi %ge3A_680, %lt3A_682 : vector<16xi1>
          %sub3A_684 = vector.broadcast %mul3A_14 : i32 to vector<16xi32>
          %sub3A_685 = arith.subi %get3A_676, %sub3A_684 : vector<16xi32>
          %swap3A_686 = arith.index_cast %add3A_670 : i32 to index
          %swap3A_687 = tpu.vector_load %arg9[%swap3A_686] masked %and3A_683 {strides = array<i32>} : memref<6288xi32, #tpu.memory_space<vmem>>, vector<16xi32>, vector<16xi1>
          tpu.vector_store %arg9[%swap3A_686], %sub3A_685 masked %and3A_683 {strides = array<i32>} : memref<6288xi32, #tpu.memory_space<vmem>>, vector<16xi32>, vector<16xi1>
          %swap3A_688 = arith.index_cast %add3A_670 : i32 to index
          %swap3A_689 = tpu.vector_load %arg10[%swap3A_688] masked %and3A_683 {strides = array<i32>} : memref<6288xf32, #tpu.memory_space<vmem>>, vector<16xf32>, vector<16xi1>
          tpu.vector_store %arg10[%swap3A_688], %get3A_678 masked %and3A_683 {strides = array<i32>} : memref<6288xf32, #tpu.memory_space<vmem>>, vector<16xf32>, vector<16xi1>
          %all_reduce_population_count3A_690 = tpu.all_reduce %and3A_683 {dim = 0 : i64, kind = #tpu.reduction_kind<sum>} : vector<16xi1> -> vector<16xi32>
          %slice3A_691 = vector.extract_strided_slice %all_reduce_population_count3A_690 {offsets = [0], sizes = [1], strides = [1]} : vector<16xi32> to vector<1xi32>
          %squeeze3A_692 = vector.extract %slice3A_691[0] : i32 from vector<1xi32>
          %add3A_693 = arith.addi %add3A_670, %squeeze3A_692 : i32
          %mul3A_694 = arith.constant 128 : i32
          %mul3A_695 = arith.muli %scan3A_556, %mul3A_694 : i32
          %add3A_696 = arith.constant 96 : i32
          %add3A_697 = arith.addi %mul3A_695, %add3A_696 : i32
          %get3A_698 = arith.index_cast %add3A_697 : i32 to index
          %get3A_699 = tpu.vector_load %arg5[%get3A_698] {strides = array<i32>} : memref<6144xi32, #tpu.memory_space<vmem>>, vector<16xi32>,
          %get3A_700 = arith.index_cast %add3A_697 : i32 to index
          %get3A_701 = tpu.vector_load %arg6[%get3A_700] {strides = array<i32>} : memref<6144xf32, #tpu.memory_space<vmem>>, vector<16xf32>,
          %ge3A_702 = vector.broadcast %mul3A_14 : i32 to vector<16xi32>
          %ge3A_703 = arith.cmpi sge, %get3A_699, %ge3A_702 : vector<16xi32>
          %lt3A_704 = vector.broadcast %add3A_16 : i32 to vector<16xi32>
          %lt3A_705 = arith.cmpi slt, %get3A_699, %lt3A_704 : vector<16xi32>
          %and3A_706 = arith.andi %ge3A_703, %lt3A_705 : vector<16xi1>
          %sub3A_707 = vector.broadcast %mul3A_14 : i32 to vector<16xi32>
          %sub3A_708 = arith.subi %get3A_699, %sub3A_707 : vector<16xi32>
          %swap3A_709 = arith.index_cast %add3A_693 : i32 to index
          %swap3A_710 = tpu.vector_load %arg9[%swap3A_709] masked %and3A_706 {strides = array<i32>} : memref<6288xi32, #tpu.memory_space<vmem>>, vector<16xi32>, vector<16xi1>
          tpu.vector_store %arg9[%swap3A_709], %sub3A_708 masked %and3A_706 {strides = array<i32>} : memref<6288xi32, #tpu.memory_space<vmem>>, vector<16xi32>, vector<16xi1>
          %swap3A_711 = arith.index_cast %add3A_693 : i32 to index
          %swap3A_712 = tpu.vector_load %arg10[%swap3A_711] masked %and3A_706 {strides = array<i32>} : memref<6288xf32, #tpu.memory_space<vmem>>, vector<16xf32>, vector<16xi1>
          tpu.vector_store %arg10[%swap3A_711], %get3A_701 masked %and3A_706 {strides = array<i32>} : memref<6288xf32, #tpu.memory_space<vmem>>, vector<16xf32>, vector<16xi1>
          %all_reduce_population_count3A_713 = tpu.all_reduce %and3A_706 {dim = 0 : i64, kind = #tpu.reduction_kind<sum>} : vector<16xi1> -> vector<16xi32>
          %slice3A_714 = vector.extract_strided_slice %all_reduce_population_count3A_713 {offsets = [0], sizes = [1], strides = [1]} : vector<16xi32> to vector<1xi32>
          %squeeze3A_715 = vector.extract %slice3A_714[0] : i32 from vector<1xi32>
          %add3A_716 = arith.addi %add3A_693, %squeeze3A_715 : i32
          %mul3A_717 = arith.constant 128 : i32
          %mul3A_718 = arith.muli %scan3A_556, %mul3A_717 : i32
          %add3A_719 = arith.constant 112 : i32
          %add3A_720 = arith.addi %mul3A_718, %add3A_719 : i32
          %get3A_721 = arith.index_cast %add3A_720 : i32 to index
          %get3A_722 = tpu.vector_load %arg5[%get3A_721] {strides = array<i32>} : memref<6144xi32, #tpu.memory_space<vmem>>, vector<16xi32>,
          %get3A_723 = arith.index_cast %add3A_720 : i32 to index
          %get3A_724 = tpu.vector_load %arg6[%get3A_723] {strides = array<i32>} : memref<6144xf32, #tpu.memory_space<vmem>>, vector<16xf32>,
          %ge3A_725 = vector.broadcast %mul3A_14 : i32 to vector<16xi32>
          %ge3A_726 = arith.cmpi sge, %get3A_722, %ge3A_725 : vector<16xi32>
          %lt3A_727 = vector.broadcast %add3A_16 : i32 to vector<16xi32>
          %lt3A_728 = arith.cmpi slt, %get3A_722, %lt3A_727 : vector<16xi32>
          %and3A_729 = arith.andi %ge3A_726, %lt3A_728 : vector<16xi1>
          %sub3A_730 = vector.broadcast %mul3A_14 : i32 to vector<16xi32>
          %sub3A_731 = arith.subi %get3A_722, %sub3A_730 : vector<16xi32>
          %swap3A_732 = arith.index_cast %add3A_716 : i32 to index
          %swap3A_733 = tpu.vector_load %arg9[%swap3A_732] masked %and3A_729 {strides = array<i32>} : memref<6288xi32, #tpu.memory_space<vmem>>, vector<16xi32>, vector<16xi1>
          tpu.vector_store %arg9[%swap3A_732], %sub3A_731 masked %and3A_729 {strides = array<i32>} : memref<6288xi32, #tpu.memory_space<vmem>>, vector<16xi32>, vector<16xi1>
          %swap3A_734 = arith.index_cast %add3A_716 : i32 to index
          %swap3A_735 = tpu.vector_load %arg10[%swap3A_734] masked %and3A_729 {strides = array<i32>} : memref<6288xf32, #tpu.memory_space<vmem>>, vector<16xf32>, vector<16xi1>
          tpu.vector_store %arg10[%swap3A_734], %get3A_724 masked %and3A_729 {strides = array<i32>} : memref<6288xf32, #tpu.memory_space<vmem>>, vector<16xf32>, vector<16xi1>
          %all_reduce_population_count3A_736 = tpu.all_reduce %and3A_729 {dim = 0 : i64, kind = #tpu.reduction_kind<sum>} : vector<16xi1> -> vector<16xi32>
          %slice3A_737 = vector.extract_strided_slice %all_reduce_population_count3A_736 {offsets = [0], sizes = [1], strides = [1]} : vector<16xi32> to vector<1xi32>
          %squeeze3A_738 = vector.extract %slice3A_737[0] : i32 from vector<1xi32>
          %add3A_739 = arith.addi %add3A_716, %squeeze3A_738 : i32
          scf.yield %add3A_739 : i32
        }
        %scan3A_321 = arith.constant 48 : i32
        %shift_right_arithmetic3A_322 = arith.constant 7 : i32
        %shift_right_arithmetic3A_323 = arith.shrsi %scan3A_320, %shift_right_arithmetic3A_322 : i32
        %while3A_324 = arith.constant 0 : i32
        %while3A_325 = scf.while (%while3A_556 = %while3A_324) : (i32) -> i32 {
          %lt3A_557 = arith.cmpi slt, %while3A_556, %shift_right_arithmetic3A_323 : i32
          scf.condition(%lt3A_557) %while3A_556 : i32
        } do {
        ^bb0(%while3A_556: i32):
          %mul3A_557 = arith.constant 128 : i32
          %mul3A_558 = arith.muli %while3A_556, %mul3A_557 : i32
          %mul3A_559 = arith.constant 128 : i32
          %mul3A_560 = arith.muli %while3A_556, %mul3A_559 : i32
          "tpu.region"() ({
            %run_scoped3A = tpu.sem_alloc : memref<!tpu.dma_semaphore, #tpu.memory_space<semaphore_mem>>
            %dma_start3A_563 = tpu.memref_slice %arg10[%mul3A_558] : memref<6288xf32, #tpu.memory_space<vmem>> -> memref<128xf32, #tpu.memory_space<vmem>>
            %dma_start3A_564 = tpu.memref_slice %arg9[%mul3A_560] : memref<6288xi32, #tpu.memory_space<vmem>> -> memref<128xi32, #tpu.memory_space<vmem>>
            %dma_start3A_565 = arith.constant 0 : i32
            %dma_start3A_566 = tpu.memref_slice %arg13[%dma_start3A_565] : memref<917504xf32, #tpu.memory_space<vmem_shared>> -> memref<917504xf32, #tpu.memory_space<vmem_shared>>
            tpu.enqueue_indirect_dma source(%dma_start3A_563 : memref<128xf32, #tpu.memory_space<vmem>>) target(%dma_start3A_566 : memref<917504xf32, #tpu.memory_space<vmem_shared>>) offsets(%dma_start3A_564 : memref<128xi32, #tpu.memory_space<vmem>>) semaphore(%run_scoped3A : memref<!tpu.dma_semaphore, #tpu.memory_space<semaphore_mem>>) {add = true}
            %dma_wait3A_567 = tpu.memref_slice %arg10[%mul3A_558] : memref<6288xf32, #tpu.memory_space<vmem>> -> memref<128xf32, #tpu.memory_space<vmem>>
            %dma_wait3A_568 = tpu.memref_slice %arg9[%mul3A_560] : memref<6288xi32, #tpu.memory_space<vmem>> -> memref<128xi32, #tpu.memory_space<vmem>>
            %dma_wait3A_569 = arith.constant 0 : i32
            %dma_wait3A_570 = tpu.memref_slice %arg13[%dma_wait3A_569] : memref<917504xf32, #tpu.memory_space<vmem_shared>> -> memref<917504xf32, #tpu.memory_space<vmem_shared>>
            tpu.wait_indirect_dma semaphore(%run_scoped3A : memref<!tpu.dma_semaphore, #tpu.memory_space<semaphore_mem>>) src(%dma_wait3A_567 : memref<128xf32, #tpu.memory_space<vmem>>) dst(%dma_wait3A_570 : memref<917504xf32, #tpu.memory_space<vmem_shared>>)
            tpu.yield
          }) : () -> ()
          %add3A_561 = arith.constant 1 : i32
          %add3A_562 = arith.addi %while3A_556, %add3A_561 : i32
          scf.yield %add3A_562 : i32
        }
        %mul3A_326 = arith.constant 128 : i32
        %mul3A_327 = arith.muli %shift_right_arithmetic3A_323, %mul3A_326 : i32
        %add3A_328 = arith.constant 0 : i32
        %add3A_329 = arith.addi %mul3A_327, %add3A_328 : i32
        %get3A_330 = arith.index_cast %add3A_329 : i32 to index
        %get3A_331 = tpu.vector_load %arg9[%get3A_330] {strides = array<i32>} : memref<6288xi32, #tpu.memory_space<vmem>>, vector<16xi32>,
        %swap3A_332 = arith.constant 0 : index
        %swap3A_333 = tpu.vector_load %arg9[%swap3A_332] {strides = array<i32>} : memref<6288xi32, #tpu.memory_space<vmem>>, vector<16xi32>,
        tpu.vector_store %arg9[%swap3A_332], %get3A_331 {strides = array<i32>} : memref<6288xi32, #tpu.memory_space<vmem>>, vector<16xi32>,
        %get3A_334 = arith.index_cast %add3A_329 : i32 to index
        %get3A_335 = tpu.vector_load %arg10[%get3A_334] {strides = array<i32>} : memref<6288xf32, #tpu.memory_space<vmem>>, vector<16xf32>,
        %swap3A_336 = arith.constant 0 : index
        %swap3A_337 = tpu.vector_load %arg10[%swap3A_336] {strides = array<i32>} : memref<6288xf32, #tpu.memory_space<vmem>>, vector<16xf32>,
        tpu.vector_store %arg10[%swap3A_336], %get3A_335 {strides = array<i32>} : memref<6288xf32, #tpu.memory_space<vmem>>, vector<16xf32>,
        %mul3A_338 = arith.constant 128 : i32
        %mul3A_339 = arith.muli %shift_right_arithmetic3A_323, %mul3A_338 : i32
        %add3A_340 = arith.constant 16 : i32
        %add3A_341 = arith.addi %mul3A_339, %add3A_340 : i32
        %get3A_342 = arith.index_cast %add3A_341 : i32 to index
        %get3A_343 = tpu.vector_load %arg9[%get3A_342] {strides = array<i32>} : memref<6288xi32, #tpu.memory_space<vmem>>, vector<16xi32>,
        %swap3A_344 = arith.constant 16 : index
        %swap3A_345 = tpu.vector_load %arg9[%swap3A_344] {strides = array<i32>} : memref<6288xi32, #tpu.memory_space<vmem>>, vector<16xi32>,
        tpu.vector_store %arg9[%swap3A_344], %get3A_343 {strides = array<i32>} : memref<6288xi32, #tpu.memory_space<vmem>>, vector<16xi32>,
        %get3A_346 = arith.index_cast %add3A_341 : i32 to index
        %get3A_347 = tpu.vector_load %arg10[%get3A_346] {strides = array<i32>} : memref<6288xf32, #tpu.memory_space<vmem>>, vector<16xf32>,
        %swap3A_348 = arith.constant 16 : index
        %swap3A_349 = tpu.vector_load %arg10[%swap3A_348] {strides = array<i32>} : memref<6288xf32, #tpu.memory_space<vmem>>, vector<16xf32>,
        tpu.vector_store %arg10[%swap3A_348], %get3A_347 {strides = array<i32>} : memref<6288xf32, #tpu.memory_space<vmem>>, vector<16xf32>,
        %mul3A_350 = arith.constant 128 : i32
        %mul3A_351 = arith.muli %shift_right_arithmetic3A_323, %mul3A_350 : i32
        %add3A_352 = arith.constant 32 : i32
        %add3A_353 = arith.addi %mul3A_351, %add3A_352 : i32
        %get3A_354 = arith.index_cast %add3A_353 : i32 to index
        %get3A_355 = tpu.vector_load %arg9[%get3A_354] {strides = array<i32>} : memref<6288xi32, #tpu.memory_space<vmem>>, vector<16xi32>,
        %swap3A_356 = arith.constant 32 : index
        %swap3A_357 = tpu.vector_load %arg9[%swap3A_356] {strides = array<i32>} : memref<6288xi32, #tpu.memory_space<vmem>>, vector<16xi32>,
        tpu.vector_store %arg9[%swap3A_356], %get3A_355 {strides = array<i32>} : memref<6288xi32, #tpu.memory_space<vmem>>, vector<16xi32>,
        %get3A_358 = arith.index_cast %add3A_353 : i32 to index
        %get3A_359 = tpu.vector_load %arg10[%get3A_358] {strides = array<i32>} : memref<6288xf32, #tpu.memory_space<vmem>>, vector<16xf32>,
        %swap3A_360 = arith.constant 32 : index
        %swap3A_361 = tpu.vector_load %arg10[%swap3A_360] {strides = array<i32>} : memref<6288xf32, #tpu.memory_space<vmem>>, vector<16xf32>,
        tpu.vector_store %arg10[%swap3A_360], %get3A_359 {strides = array<i32>} : memref<6288xf32, #tpu.memory_space<vmem>>, vector<16xf32>,
        %mul3A_362 = arith.constant 128 : i32
        %mul3A_363 = arith.muli %shift_right_arithmetic3A_323, %mul3A_362 : i32
        %add3A_364 = arith.constant 48 : i32
        %add3A_365 = arith.addi %mul3A_363, %add3A_364 : i32
        %get3A_366 = arith.index_cast %add3A_365 : i32 to index
        %get3A_367 = tpu.vector_load %arg9[%get3A_366] {strides = array<i32>} : memref<6288xi32, #tpu.memory_space<vmem>>, vector<16xi32>,
        %swap3A_368 = arith.constant 48 : index
        %swap3A_369 = tpu.vector_load %arg9[%swap3A_368] {strides = array<i32>} : memref<6288xi32, #tpu.memory_space<vmem>>, vector<16xi32>,
        tpu.vector_store %arg9[%swap3A_368], %get3A_367 {strides = array<i32>} : memref<6288xi32, #tpu.memory_space<vmem>>, vector<16xi32>,
        %get3A_370 = arith.index_cast %add3A_365 : i32 to index
        %get3A_371 = tpu.vector_load %arg10[%get3A_370] {strides = array<i32>} : memref<6288xf32, #tpu.memory_space<vmem>>, vector<16xf32>,
        %swap3A_372 = arith.constant 48 : index
        %swap3A_373 = tpu.vector_load %arg10[%swap3A_372] {strides = array<i32>} : memref<6288xf32, #tpu.memory_space<vmem>>, vector<16xf32>,
        tpu.vector_store %arg10[%swap3A_372], %get3A_371 {strides = array<i32>} : memref<6288xf32, #tpu.memory_space<vmem>>, vector<16xf32>,
        %mul3A_374 = arith.constant 128 : i32
        %mul3A_375 = arith.muli %shift_right_arithmetic3A_323, %mul3A_374 : i32
        %add3A_376 = arith.constant 64 : i32
        %add3A_377 = arith.addi %mul3A_375, %add3A_376 : i32
        %get3A_378 = arith.index_cast %add3A_377 : i32 to index
        %get3A_379 = tpu.vector_load %arg9[%get3A_378] {strides = array<i32>} : memref<6288xi32, #tpu.memory_space<vmem>>, vector<16xi32>,
        %swap3A_380 = arith.constant 64 : index
        %swap3A_381 = tpu.vector_load %arg9[%swap3A_380] {strides = array<i32>} : memref<6288xi32, #tpu.memory_space<vmem>>, vector<16xi32>,
        tpu.vector_store %arg9[%swap3A_380], %get3A_379 {strides = array<i32>} : memref<6288xi32, #tpu.memory_space<vmem>>, vector<16xi32>,
        %get3A_382 = arith.index_cast %add3A_377 : i32 to index
        %get3A_383 = tpu.vector_load %arg10[%get3A_382] {strides = array<i32>} : memref<6288xf32, #tpu.memory_space<vmem>>, vector<16xf32>,
        %swap3A_384 = arith.constant 64 : index
        %swap3A_385 = tpu.vector_load %arg10[%swap3A_384] {strides = array<i32>} : memref<6288xf32, #tpu.memory_space<vmem>>, vector<16xf32>,
        tpu.vector_store %arg10[%swap3A_384], %get3A_383 {strides = array<i32>} : memref<6288xf32, #tpu.memory_space<vmem>>, vector<16xf32>,
        %mul3A_386 = arith.constant 128 : i32
        %mul3A_387 = arith.muli %shift_right_arithmetic3A_323, %mul3A_386 : i32
        %add3A_388 = arith.constant 80 : i32
        %add3A_389 = arith.addi %mul3A_387, %add3A_388 : i32
        %get3A_390 = arith.index_cast %add3A_389 : i32 to index
        %get3A_391 = tpu.vector_load %arg9[%get3A_390] {strides = array<i32>} : memref<6288xi32, #tpu.memory_space<vmem>>, vector<16xi32>,
        %swap3A_392 = arith.constant 80 : index
        %swap3A_393 = tpu.vector_load %arg9[%swap3A_392] {strides = array<i32>} : memref<6288xi32, #tpu.memory_space<vmem>>, vector<16xi32>,
        tpu.vector_store %arg9[%swap3A_392], %get3A_391 {strides = array<i32>} : memref<6288xi32, #tpu.memory_space<vmem>>, vector<16xi32>,
        %get3A_394 = arith.index_cast %add3A_389 : i32 to index
        %get3A_395 = tpu.vector_load %arg10[%get3A_394] {strides = array<i32>} : memref<6288xf32, #tpu.memory_space<vmem>>, vector<16xf32>,
        %swap3A_396 = arith.constant 80 : index
        %swap3A_397 = tpu.vector_load %arg10[%swap3A_396] {strides = array<i32>} : memref<6288xf32, #tpu.memory_space<vmem>>, vector<16xf32>,
        tpu.vector_store %arg10[%swap3A_396], %get3A_395 {strides = array<i32>} : memref<6288xf32, #tpu.memory_space<vmem>>, vector<16xf32>,
        %mul3A_398 = arith.constant 128 : i32
        %mul3A_399 = arith.muli %shift_right_arithmetic3A_323, %mul3A_398 : i32
        %add3A_400 = arith.constant 96 : i32
        %add3A_401 = arith.addi %mul3A_399, %add3A_400 : i32
        %get3A_402 = arith.index_cast %add3A_401 : i32 to index
        %get3A_403 = tpu.vector_load %arg9[%get3A_402] {strides = array<i32>} : memref<6288xi32, #tpu.memory_space<vmem>>, vector<16xi32>,
        %swap3A_404 = arith.constant 96 : index
        %swap3A_405 = tpu.vector_load %arg9[%swap3A_404] {strides = array<i32>} : memref<6288xi32, #tpu.memory_space<vmem>>, vector<16xi32>,
        tpu.vector_store %arg9[%swap3A_404], %get3A_403 {strides = array<i32>} : memref<6288xi32, #tpu.memory_space<vmem>>, vector<16xi32>,
        %get3A_406 = arith.index_cast %add3A_401 : i32 to index
        %get3A_407 = tpu.vector_load %arg10[%get3A_406] {strides = array<i32>} : memref<6288xf32, #tpu.memory_space<vmem>>, vector<16xf32>,
        %swap3A_408 = arith.constant 96 : index
        %swap3A_409 = tpu.vector_load %arg10[%swap3A_408] {strides = array<i32>} : memref<6288xf32, #tpu.memory_space<vmem>>, vector<16xf32>,
        tpu.vector_store %arg10[%swap3A_408], %get3A_407 {strides = array<i32>} : memref<6288xf32, #tpu.memory_space<vmem>>, vector<16xf32>,
        %mul3A_410 = arith.constant 128 : i32
        %mul3A_411 = arith.muli %shift_right_arithmetic3A_323, %mul3A_410 : i32
        %add3A_412 = arith.constant 112 : i32
        %add3A_413 = arith.addi %mul3A_411, %add3A_412 : i32
        %get3A_414 = arith.index_cast %add3A_413 : i32 to index
        %get3A_415 = tpu.vector_load %arg9[%get3A_414] {strides = array<i32>} : memref<6288xi32, #tpu.memory_space<vmem>>, vector<16xi32>,
        %swap3A_416 = arith.constant 112 : index
        %swap3A_417 = tpu.vector_load %arg9[%swap3A_416] {strides = array<i32>} : memref<6288xi32, #tpu.memory_space<vmem>>, vector<16xi32>,
        tpu.vector_store %arg9[%swap3A_416], %get3A_415 {strides = array<i32>} : memref<6288xi32, #tpu.memory_space<vmem>>, vector<16xi32>,
        %get3A_418 = arith.index_cast %add3A_413 : i32 to index
        %get3A_419 = tpu.vector_load %arg10[%get3A_418] {strides = array<i32>} : memref<6288xf32, #tpu.memory_space<vmem>>, vector<16xf32>,
        %swap3A_420 = arith.constant 112 : index
        %swap3A_421 = tpu.vector_load %arg10[%swap3A_420] {strides = array<i32>} : memref<6288xf32, #tpu.memory_space<vmem>>, vector<16xf32>,
        tpu.vector_store %arg10[%swap3A_420], %get3A_419 {strides = array<i32>} : memref<6288xf32, #tpu.memory_space<vmem>>, vector<16xf32>,
        %mul3A_422 = arith.constant 128 : i32
        %mul3A_423 = arith.muli %shift_right_arithmetic3A_323, %mul3A_422 : i32
        %sub3A_424 = arith.subi %scan3A_320, %mul3A_423 : i32
        %add3A_425 = arith.constant 2 : i32
        %add3A_426 = arith.addi %mul3A_306, %add3A_425 : i32
        %lt3A = arith.constant 98 : i32
        %lt3A_427 = arith.cmpi slt, %add3A_426, %lt3A : i32
        %convert_element_type3A = arith.extui %lt3A_427 : i1 to i32
        %cond3A = arith.constant 0 : i32
        %cond3A_428 = arith.cmpi ne, %convert_element_type3A, %cond3A : i32
        scf.if %cond3A_428 {
          %add3A_556 = arith.constant 2 : i32
          %add3A_557 = arith.addi %mul3A_306, %add3A_556 : i32
          %mul3A_558 = arith.constant 602112 : i32
          %mul3A_559 = arith.muli %arg1, %mul3A_558 : i32
          %mul3A_560 = arith.constant 6144 : i32
          %mul3A_561 = arith.muli %add3A_557, %mul3A_560 : i32
          %add3A_562 = arith.addi %mul3A_559, %mul3A_561 : i32
          %dma_start3A_563 = tpu.memref_slice %arg2[%add3A_562] : memref<9633792xi32, #tpu.memory_space<hbm>> -> memref<6144xi32, #tpu.memory_space<hbm>>
          %dma_start3A_564 = tpu.memref_slice %arg2[%add3A_562] : memref<9633792xi32, #tpu.memory_space<hbm>> -> memref<6144xi32, #tpu.memory_space<hbm>>
          tpu.enqueue_dma source(%dma_start3A_564 : memref<6144xi32, #tpu.memory_space<hbm>>) target(%arg5 : memref<6144xi32, #tpu.memory_space<vmem>>) target_semaphore(%arg14 : memref<!tpu.dma_semaphore, #tpu.memory_space<semaphore_mem>>)
          %dma_start3A_565 = tpu.memref_slice %arg3[%add3A_562] : memref<9633792xf32, #tpu.memory_space<hbm>> -> memref<6144xf32, #tpu.memory_space<hbm>>
          %dma_start3A_566 = tpu.memref_slice %arg3[%add3A_562] : memref<9633792xf32, #tpu.memory_space<hbm>> -> memref<6144xf32, #tpu.memory_space<hbm>>
          tpu.enqueue_dma source(%dma_start3A_566 : memref<6144xf32, #tpu.memory_space<hbm>>) target(%arg6 : memref<6144xf32, #tpu.memory_space<vmem>>) target_semaphore(%arg14 : memref<!tpu.dma_semaphore, #tpu.memory_space<semaphore_mem>>)
        } else {
        }
        %add3A_429 = arith.constant 1 : i32
        %add3A_430 = arith.addi %mul3A_306, %add3A_429 : i32
        %mul3A_431 = arith.constant 602112 : i32
        %mul3A_432 = arith.muli %arg1, %mul3A_431 : i32
        %mul3A_433 = arith.constant 6144 : i32
        %mul3A_434 = arith.muli %add3A_430, %mul3A_433 : i32
        %add3A_435 = arith.addi %mul3A_432, %mul3A_434 : i32
        %dma_wait3A_436 = tpu.memref_slice %arg2[%add3A_435] : memref<9633792xi32, #tpu.memory_space<hbm>> -> memref<6144xi32, #tpu.memory_space<hbm>>
        %dma_wait3A_437 = tpu.memref_slice %arg2[%add3A_435] : memref<9633792xi32, #tpu.memory_space<hbm>> -> memref<6144xi32, #tpu.memory_space<hbm>>
        tpu.wait_dma2 semaphore(%arg15 : memref<!tpu.dma_semaphore, #tpu.memory_space<semaphore_mem>>) src(%dma_wait3A_437 : memref<6144xi32, #tpu.memory_space<hbm>>) dst(%arg7 : memref<6144xi32, #tpu.memory_space<vmem>>)
        %dma_wait3A_438 = tpu.memref_slice %arg3[%add3A_435] : memref<9633792xf32, #tpu.memory_space<hbm>> -> memref<6144xf32, #tpu.memory_space<hbm>>
        %dma_wait3A_439 = tpu.memref_slice %arg3[%add3A_435] : memref<9633792xf32, #tpu.memory_space<hbm>> -> memref<6144xf32, #tpu.memory_space<hbm>>
        tpu.wait_dma2 semaphore(%arg15 : memref<!tpu.dma_semaphore, #tpu.memory_space<semaphore_mem>>) src(%dma_wait3A_439 : memref<6144xf32, #tpu.memory_space<hbm>>) dst(%arg8 : memref<6144xf32, #tpu.memory_space<vmem>>)
        %scan3A_440 = arith.constant 0 : i32
        %scan3A_441 = arith.constant 48 : i32
        %scan3A_442 = arith.addi %scan3A_440, %scan3A_441 : i32
        %scan3A_443 = arith.constant 1 : i32
        %scan3A_444 = scf.for %scan3A_556 = %scan3A_440 to %scan3A_442 step %scan3A_443 iter_args(%scan3A_557 = %sub3A_424) -> (i32)  : i32 {
          %mul3A_558 = arith.constant 128 : i32
          %mul3A_559 = arith.muli %scan3A_556, %mul3A_558 : i32
          %add3A_560 = arith.constant 0 : i32
          %add3A_561 = arith.addi %mul3A_559, %add3A_560 : i32
          %get3A_562 = arith.index_cast %add3A_561 : i32 to index
          %get3A_563 = tpu.vector_load %arg7[%get3A_562] {strides = array<i32>} : memref<6144xi32, #tpu.memory_space<vmem>>, vector<16xi32>,
          %get3A_564 = arith.index_cast %add3A_561 : i32 to index
          %get3A_565 = tpu.vector_load %arg8[%get3A_564] {strides = array<i32>} : memref<6144xf32, #tpu.memory_space<vmem>>, vector<16xf32>,
          %ge3A = vector.broadcast %mul3A_14 : i32 to vector<16xi32>
          %ge3A_566 = arith.cmpi sge, %get3A_563, %ge3A : vector<16xi32>
          %lt3A_567 = vector.broadcast %add3A_16 : i32 to vector<16xi32>
          %lt3A_568 = arith.cmpi slt, %get3A_563, %lt3A_567 : vector<16xi32>
          %and3A = arith.andi %ge3A_566, %lt3A_568 : vector<16xi1>
          %sub3A_569 = vector.broadcast %mul3A_14 : i32 to vector<16xi32>
          %sub3A_570 = arith.subi %get3A_563, %sub3A_569 : vector<16xi32>
          %swap3A_571 = arith.index_cast %scan3A_557 : i32 to index
          %swap3A_572 = tpu.vector_load %arg9[%swap3A_571] masked %and3A {strides = array<i32>} : memref<6288xi32, #tpu.memory_space<vmem>>, vector<16xi32>, vector<16xi1>
          tpu.vector_store %arg9[%swap3A_571], %sub3A_570 masked %and3A {strides = array<i32>} : memref<6288xi32, #tpu.memory_space<vmem>>, vector<16xi32>, vector<16xi1>
          %swap3A_573 = arith.index_cast %scan3A_557 : i32 to index
          %swap3A_574 = tpu.vector_load %arg10[%swap3A_573] masked %and3A {strides = array<i32>} : memref<6288xf32, #tpu.memory_space<vmem>>, vector<16xf32>, vector<16xi1>
          tpu.vector_store %arg10[%swap3A_573], %get3A_565 masked %and3A {strides = array<i32>} : memref<6288xf32, #tpu.memory_space<vmem>>, vector<16xf32>, vector<16xi1>
          %all_reduce_population_count3A_575 = tpu.all_reduce %and3A {dim = 0 : i64, kind = #tpu.reduction_kind<sum>} : vector<16xi1> -> vector<16xi32>
          %slice3A_576 = vector.extract_strided_slice %all_reduce_population_count3A_575 {offsets = [0], sizes = [1], strides = [1]} : vector<16xi32> to vector<1xi32>
          %squeeze3A_577 = vector.extract %slice3A_576[0] : i32 from vector<1xi32>
          %add3A_578 = arith.addi %scan3A_557, %squeeze3A_577 : i32
          %mul3A_579 = arith.constant 128 : i32
          %mul3A_580 = arith.muli %scan3A_556, %mul3A_579 : i32
          %add3A_581 = arith.constant 16 : i32
          %add3A_582 = arith.addi %mul3A_580, %add3A_581 : i32
          %get3A_583 = arith.index_cast %add3A_582 : i32 to index
          %get3A_584 = tpu.vector_load %arg7[%get3A_583] {strides = array<i32>} : memref<6144xi32, #tpu.memory_space<vmem>>, vector<16xi32>,
          %get3A_585 = arith.index_cast %add3A_582 : i32 to index
          %get3A_586 = tpu.vector_load %arg8[%get3A_585] {strides = array<i32>} : memref<6144xf32, #tpu.memory_space<vmem>>, vector<16xf32>,
          %ge3A_587 = vector.broadcast %mul3A_14 : i32 to vector<16xi32>
          %ge3A_588 = arith.cmpi sge, %get3A_584, %ge3A_587 : vector<16xi32>
          %lt3A_589 = vector.broadcast %add3A_16 : i32 to vector<16xi32>
          %lt3A_590 = arith.cmpi slt, %get3A_584, %lt3A_589 : vector<16xi32>
          %and3A_591 = arith.andi %ge3A_588, %lt3A_590 : vector<16xi1>
          %sub3A_592 = vector.broadcast %mul3A_14 : i32 to vector<16xi32>
          %sub3A_593 = arith.subi %get3A_584, %sub3A_592 : vector<16xi32>
          %swap3A_594 = arith.index_cast %add3A_578 : i32 to index
          %swap3A_595 = tpu.vector_load %arg9[%swap3A_594] masked %and3A_591 {strides = array<i32>} : memref<6288xi32, #tpu.memory_space<vmem>>, vector<16xi32>, vector<16xi1>
          tpu.vector_store %arg9[%swap3A_594], %sub3A_593 masked %and3A_591 {strides = array<i32>} : memref<6288xi32, #tpu.memory_space<vmem>>, vector<16xi32>, vector<16xi1>
          %swap3A_596 = arith.index_cast %add3A_578 : i32 to index
          %swap3A_597 = tpu.vector_load %arg10[%swap3A_596] masked %and3A_591 {strides = array<i32>} : memref<6288xf32, #tpu.memory_space<vmem>>, vector<16xf32>, vector<16xi1>
          tpu.vector_store %arg10[%swap3A_596], %get3A_586 masked %and3A_591 {strides = array<i32>} : memref<6288xf32, #tpu.memory_space<vmem>>, vector<16xf32>, vector<16xi1>
          %all_reduce_population_count3A_598 = tpu.all_reduce %and3A_591 {dim = 0 : i64, kind = #tpu.reduction_kind<sum>} : vector<16xi1> -> vector<16xi32>
          %slice3A_599 = vector.extract_strided_slice %all_reduce_population_count3A_598 {offsets = [0], sizes = [1], strides = [1]} : vector<16xi32> to vector<1xi32>
          %squeeze3A_600 = vector.extract %slice3A_599[0] : i32 from vector<1xi32>
          %add3A_601 = arith.addi %add3A_578, %squeeze3A_600 : i32
          %mul3A_602 = arith.constant 128 : i32
          %mul3A_603 = arith.muli %scan3A_556, %mul3A_602 : i32
          %add3A_604 = arith.constant 32 : i32
          %add3A_605 = arith.addi %mul3A_603, %add3A_604 : i32
          %get3A_606 = arith.index_cast %add3A_605 : i32 to index
          %get3A_607 = tpu.vector_load %arg7[%get3A_606] {strides = array<i32>} : memref<6144xi32, #tpu.memory_space<vmem>>, vector<16xi32>,
          %get3A_608 = arith.index_cast %add3A_605 : i32 to index
          %get3A_609 = tpu.vector_load %arg8[%get3A_608] {strides = array<i32>} : memref<6144xf32, #tpu.memory_space<vmem>>, vector<16xf32>,
          %ge3A_610 = vector.broadcast %mul3A_14 : i32 to vector<16xi32>
          %ge3A_611 = arith.cmpi sge, %get3A_607, %ge3A_610 : vector<16xi32>
          %lt3A_612 = vector.broadcast %add3A_16 : i32 to vector<16xi32>
          %lt3A_613 = arith.cmpi slt, %get3A_607, %lt3A_612 : vector<16xi32>
          %and3A_614 = arith.andi %ge3A_611, %lt3A_613 : vector<16xi1>
          %sub3A_615 = vector.broadcast %mul3A_14 : i32 to vector<16xi32>
          %sub3A_616 = arith.subi %get3A_607, %sub3A_615 : vector<16xi32>
          %swap3A_617 = arith.index_cast %add3A_601 : i32 to index
          %swap3A_618 = tpu.vector_load %arg9[%swap3A_617] masked %and3A_614 {strides = array<i32>} : memref<6288xi32, #tpu.memory_space<vmem>>, vector<16xi32>, vector<16xi1>
          tpu.vector_store %arg9[%swap3A_617], %sub3A_616 masked %and3A_614 {strides = array<i32>} : memref<6288xi32, #tpu.memory_space<vmem>>, vector<16xi32>, vector<16xi1>
          %swap3A_619 = arith.index_cast %add3A_601 : i32 to index
          %swap3A_620 = tpu.vector_load %arg10[%swap3A_619] masked %and3A_614 {strides = array<i32>} : memref<6288xf32, #tpu.memory_space<vmem>>, vector<16xf32>, vector<16xi1>
          tpu.vector_store %arg10[%swap3A_619], %get3A_609 masked %and3A_614 {strides = array<i32>} : memref<6288xf32, #tpu.memory_space<vmem>>, vector<16xf32>, vector<16xi1>
          %all_reduce_population_count3A_621 = tpu.all_reduce %and3A_614 {dim = 0 : i64, kind = #tpu.reduction_kind<sum>} : vector<16xi1> -> vector<16xi32>
          %slice3A_622 = vector.extract_strided_slice %all_reduce_population_count3A_621 {offsets = [0], sizes = [1], strides = [1]} : vector<16xi32> to vector<1xi32>
          %squeeze3A_623 = vector.extract %slice3A_622[0] : i32 from vector<1xi32>
          %add3A_624 = arith.addi %add3A_601, %squeeze3A_623 : i32
          %mul3A_625 = arith.constant 128 : i32
          %mul3A_626 = arith.muli %scan3A_556, %mul3A_625 : i32
          %add3A_627 = arith.constant 48 : i32
          %add3A_628 = arith.addi %mul3A_626, %add3A_627 : i32
          %get3A_629 = arith.index_cast %add3A_628 : i32 to index
          %get3A_630 = tpu.vector_load %arg7[%get3A_629] {strides = array<i32>} : memref<6144xi32, #tpu.memory_space<vmem>>, vector<16xi32>,
          %get3A_631 = arith.index_cast %add3A_628 : i32 to index
          %get3A_632 = tpu.vector_load %arg8[%get3A_631] {strides = array<i32>} : memref<6144xf32, #tpu.memory_space<vmem>>, vector<16xf32>,
          %ge3A_633 = vector.broadcast %mul3A_14 : i32 to vector<16xi32>
          %ge3A_634 = arith.cmpi sge, %get3A_630, %ge3A_633 : vector<16xi32>
          %lt3A_635 = vector.broadcast %add3A_16 : i32 to vector<16xi32>
          %lt3A_636 = arith.cmpi slt, %get3A_630, %lt3A_635 : vector<16xi32>
          %and3A_637 = arith.andi %ge3A_634, %lt3A_636 : vector<16xi1>
          %sub3A_638 = vector.broadcast %mul3A_14 : i32 to vector<16xi32>
          %sub3A_639 = arith.subi %get3A_630, %sub3A_638 : vector<16xi32>
          %swap3A_640 = arith.index_cast %add3A_624 : i32 to index
          %swap3A_641 = tpu.vector_load %arg9[%swap3A_640] masked %and3A_637 {strides = array<i32>} : memref<6288xi32, #tpu.memory_space<vmem>>, vector<16xi32>, vector<16xi1>
          tpu.vector_store %arg9[%swap3A_640], %sub3A_639 masked %and3A_637 {strides = array<i32>} : memref<6288xi32, #tpu.memory_space<vmem>>, vector<16xi32>, vector<16xi1>
          %swap3A_642 = arith.index_cast %add3A_624 : i32 to index
          %swap3A_643 = tpu.vector_load %arg10[%swap3A_642] masked %and3A_637 {strides = array<i32>} : memref<6288xf32, #tpu.memory_space<vmem>>, vector<16xf32>, vector<16xi1>
          tpu.vector_store %arg10[%swap3A_642], %get3A_632 masked %and3A_637 {strides = array<i32>} : memref<6288xf32, #tpu.memory_space<vmem>>, vector<16xf32>, vector<16xi1>
          %all_reduce_population_count3A_644 = tpu.all_reduce %and3A_637 {dim = 0 : i64, kind = #tpu.reduction_kind<sum>} : vector<16xi1> -> vector<16xi32>
          %slice3A_645 = vector.extract_strided_slice %all_reduce_population_count3A_644 {offsets = [0], sizes = [1], strides = [1]} : vector<16xi32> to vector<1xi32>
          %squeeze3A_646 = vector.extract %slice3A_645[0] : i32 from vector<1xi32>
          %add3A_647 = arith.addi %add3A_624, %squeeze3A_646 : i32
          %mul3A_648 = arith.constant 128 : i32
          %mul3A_649 = arith.muli %scan3A_556, %mul3A_648 : i32
          %add3A_650 = arith.constant 64 : i32
          %add3A_651 = arith.addi %mul3A_649, %add3A_650 : i32
          %get3A_652 = arith.index_cast %add3A_651 : i32 to index
          %get3A_653 = tpu.vector_load %arg7[%get3A_652] {strides = array<i32>} : memref<6144xi32, #tpu.memory_space<vmem>>, vector<16xi32>,
          %get3A_654 = arith.index_cast %add3A_651 : i32 to index
          %get3A_655 = tpu.vector_load %arg8[%get3A_654] {strides = array<i32>} : memref<6144xf32, #tpu.memory_space<vmem>>, vector<16xf32>,
          %ge3A_656 = vector.broadcast %mul3A_14 : i32 to vector<16xi32>
          %ge3A_657 = arith.cmpi sge, %get3A_653, %ge3A_656 : vector<16xi32>
          %lt3A_658 = vector.broadcast %add3A_16 : i32 to vector<16xi32>
          %lt3A_659 = arith.cmpi slt, %get3A_653, %lt3A_658 : vector<16xi32>
          %and3A_660 = arith.andi %ge3A_657, %lt3A_659 : vector<16xi1>
          %sub3A_661 = vector.broadcast %mul3A_14 : i32 to vector<16xi32>
          %sub3A_662 = arith.subi %get3A_653, %sub3A_661 : vector<16xi32>
          %swap3A_663 = arith.index_cast %add3A_647 : i32 to index
          %swap3A_664 = tpu.vector_load %arg9[%swap3A_663] masked %and3A_660 {strides = array<i32>} : memref<6288xi32, #tpu.memory_space<vmem>>, vector<16xi32>, vector<16xi1>
          tpu.vector_store %arg9[%swap3A_663], %sub3A_662 masked %and3A_660 {strides = array<i32>} : memref<6288xi32, #tpu.memory_space<vmem>>, vector<16xi32>, vector<16xi1>
          %swap3A_665 = arith.index_cast %add3A_647 : i32 to index
          %swap3A_666 = tpu.vector_load %arg10[%swap3A_665] masked %and3A_660 {strides = array<i32>} : memref<6288xf32, #tpu.memory_space<vmem>>, vector<16xf32>, vector<16xi1>
          tpu.vector_store %arg10[%swap3A_665], %get3A_655 masked %and3A_660 {strides = array<i32>} : memref<6288xf32, #tpu.memory_space<vmem>>, vector<16xf32>, vector<16xi1>
          %all_reduce_population_count3A_667 = tpu.all_reduce %and3A_660 {dim = 0 : i64, kind = #tpu.reduction_kind<sum>} : vector<16xi1> -> vector<16xi32>
          %slice3A_668 = vector.extract_strided_slice %all_reduce_population_count3A_667 {offsets = [0], sizes = [1], strides = [1]} : vector<16xi32> to vector<1xi32>
          %squeeze3A_669 = vector.extract %slice3A_668[0] : i32 from vector<1xi32>
          %add3A_670 = arith.addi %add3A_647, %squeeze3A_669 : i32
          %mul3A_671 = arith.constant 128 : i32
          %mul3A_672 = arith.muli %scan3A_556, %mul3A_671 : i32
          %add3A_673 = arith.constant 80 : i32
          %add3A_674 = arith.addi %mul3A_672, %add3A_673 : i32
          %get3A_675 = arith.index_cast %add3A_674 : i32 to index
          %get3A_676 = tpu.vector_load %arg7[%get3A_675] {strides = array<i32>} : memref<6144xi32, #tpu.memory_space<vmem>>, vector<16xi32>,
          %get3A_677 = arith.index_cast %add3A_674 : i32 to index
          %get3A_678 = tpu.vector_load %arg8[%get3A_677] {strides = array<i32>} : memref<6144xf32, #tpu.memory_space<vmem>>, vector<16xf32>,
          %ge3A_679 = vector.broadcast %mul3A_14 : i32 to vector<16xi32>
          %ge3A_680 = arith.cmpi sge, %get3A_676, %ge3A_679 : vector<16xi32>
          %lt3A_681 = vector.broadcast %add3A_16 : i32 to vector<16xi32>
          %lt3A_682 = arith.cmpi slt, %get3A_676, %lt3A_681 : vector<16xi32>
          %and3A_683 = arith.andi %ge3A_680, %lt3A_682 : vector<16xi1>
          %sub3A_684 = vector.broadcast %mul3A_14 : i32 to vector<16xi32>
          %sub3A_685 = arith.subi %get3A_676, %sub3A_684 : vector<16xi32>
          %swap3A_686 = arith.index_cast %add3A_670 : i32 to index
          %swap3A_687 = tpu.vector_load %arg9[%swap3A_686] masked %and3A_683 {strides = array<i32>} : memref<6288xi32, #tpu.memory_space<vmem>>, vector<16xi32>, vector<16xi1>
          tpu.vector_store %arg9[%swap3A_686], %sub3A_685 masked %and3A_683 {strides = array<i32>} : memref<6288xi32, #tpu.memory_space<vmem>>, vector<16xi32>, vector<16xi1>
          %swap3A_688 = arith.index_cast %add3A_670 : i32 to index
          %swap3A_689 = tpu.vector_load %arg10[%swap3A_688] masked %and3A_683 {strides = array<i32>} : memref<6288xf32, #tpu.memory_space<vmem>>, vector<16xf32>, vector<16xi1>
          tpu.vector_store %arg10[%swap3A_688], %get3A_678 masked %and3A_683 {strides = array<i32>} : memref<6288xf32, #tpu.memory_space<vmem>>, vector<16xf32>, vector<16xi1>
          %all_reduce_population_count3A_690 = tpu.all_reduce %and3A_683 {dim = 0 : i64, kind = #tpu.reduction_kind<sum>} : vector<16xi1> -> vector<16xi32>
          %slice3A_691 = vector.extract_strided_slice %all_reduce_population_count3A_690 {offsets = [0], sizes = [1], strides = [1]} : vector<16xi32> to vector<1xi32>
          %squeeze3A_692 = vector.extract %slice3A_691[0] : i32 from vector<1xi32>
          %add3A_693 = arith.addi %add3A_670, %squeeze3A_692 : i32
          %mul3A_694 = arith.constant 128 : i32
          %mul3A_695 = arith.muli %scan3A_556, %mul3A_694 : i32
          %add3A_696 = arith.constant 96 : i32
          %add3A_697 = arith.addi %mul3A_695, %add3A_696 : i32
          %get3A_698 = arith.index_cast %add3A_697 : i32 to index
          %get3A_699 = tpu.vector_load %arg7[%get3A_698] {strides = array<i32>} : memref<6144xi32, #tpu.memory_space<vmem>>, vector<16xi32>,
          %get3A_700 = arith.index_cast %add3A_697 : i32 to index
          %get3A_701 = tpu.vector_load %arg8[%get3A_700] {strides = array<i32>} : memref<6144xf32, #tpu.memory_space<vmem>>, vector<16xf32>,
          %ge3A_702 = vector.broadcast %mul3A_14 : i32 to vector<16xi32>
          %ge3A_703 = arith.cmpi sge, %get3A_699, %ge3A_702 : vector<16xi32>
          %lt3A_704 = vector.broadcast %add3A_16 : i32 to vector<16xi32>
          %lt3A_705 = arith.cmpi slt, %get3A_699, %lt3A_704 : vector<16xi32>
          %and3A_706 = arith.andi %ge3A_703, %lt3A_705 : vector<16xi1>
          %sub3A_707 = vector.broadcast %mul3A_14 : i32 to vector<16xi32>
          %sub3A_708 = arith.subi %get3A_699, %sub3A_707 : vector<16xi32>
          %swap3A_709 = arith.index_cast %add3A_693 : i32 to index
          %swap3A_710 = tpu.vector_load %arg9[%swap3A_709] masked %and3A_706 {strides = array<i32>} : memref<6288xi32, #tpu.memory_space<vmem>>, vector<16xi32>, vector<16xi1>
          tpu.vector_store %arg9[%swap3A_709], %sub3A_708 masked %and3A_706 {strides = array<i32>} : memref<6288xi32, #tpu.memory_space<vmem>>, vector<16xi32>, vector<16xi1>
          %swap3A_711 = arith.index_cast %add3A_693 : i32 to index
          %swap3A_712 = tpu.vector_load %arg10[%swap3A_711] masked %and3A_706 {strides = array<i32>} : memref<6288xf32, #tpu.memory_space<vmem>>, vector<16xf32>, vector<16xi1>
          tpu.vector_store %arg10[%swap3A_711], %get3A_701 masked %and3A_706 {strides = array<i32>} : memref<6288xf32, #tpu.memory_space<vmem>>, vector<16xf32>, vector<16xi1>
          %all_reduce_population_count3A_713 = tpu.all_reduce %and3A_706 {dim = 0 : i64, kind = #tpu.reduction_kind<sum>} : vector<16xi1> -> vector<16xi32>
          %slice3A_714 = vector.extract_strided_slice %all_reduce_population_count3A_713 {offsets = [0], sizes = [1], strides = [1]} : vector<16xi32> to vector<1xi32>
          %squeeze3A_715 = vector.extract %slice3A_714[0] : i32 from vector<1xi32>
          %add3A_716 = arith.addi %add3A_693, %squeeze3A_715 : i32
          %mul3A_717 = arith.constant 128 : i32
          %mul3A_718 = arith.muli %scan3A_556, %mul3A_717 : i32
          %add3A_719 = arith.constant 112 : i32
          %add3A_720 = arith.addi %mul3A_718, %add3A_719 : i32
          %get3A_721 = arith.index_cast %add3A_720 : i32 to index
          %get3A_722 = tpu.vector_load %arg7[%get3A_721] {strides = array<i32>} : memref<6144xi32, #tpu.memory_space<vmem>>, vector<16xi32>,
          %get3A_723 = arith.index_cast %add3A_720 : i32 to index
          %get3A_724 = tpu.vector_load %arg8[%get3A_723] {strides = array<i32>} : memref<6144xf32, #tpu.memory_space<vmem>>, vector<16xf32>,
          %ge3A_725 = vector.broadcast %mul3A_14 : i32 to vector<16xi32>
          %ge3A_726 = arith.cmpi sge, %get3A_722, %ge3A_725 : vector<16xi32>
          %lt3A_727 = vector.broadcast %add3A_16 : i32 to vector<16xi32>
          %lt3A_728 = arith.cmpi slt, %get3A_722, %lt3A_727 : vector<16xi32>
          %and3A_729 = arith.andi %ge3A_726, %lt3A_728 : vector<16xi1>
          %sub3A_730 = vector.broadcast %mul3A_14 : i32 to vector<16xi32>
          %sub3A_731 = arith.subi %get3A_722, %sub3A_730 : vector<16xi32>
          %swap3A_732 = arith.index_cast %add3A_716 : i32 to index
          %swap3A_733 = tpu.vector_load %arg9[%swap3A_732] masked %and3A_729 {strides = array<i32>} : memref<6288xi32, #tpu.memory_space<vmem>>, vector<16xi32>, vector<16xi1>
          tpu.vector_store %arg9[%swap3A_732], %sub3A_731 masked %and3A_729 {strides = array<i32>} : memref<6288xi32, #tpu.memory_space<vmem>>, vector<16xi32>, vector<16xi1>
          %swap3A_734 = arith.index_cast %add3A_716 : i32 to index
          %swap3A_735 = tpu.vector_load %arg10[%swap3A_734] masked %and3A_729 {strides = array<i32>} : memref<6288xf32, #tpu.memory_space<vmem>>, vector<16xf32>, vector<16xi1>
          tpu.vector_store %arg10[%swap3A_734], %get3A_724 masked %and3A_729 {strides = array<i32>} : memref<6288xf32, #tpu.memory_space<vmem>>, vector<16xf32>, vector<16xi1>
          %all_reduce_population_count3A_736 = tpu.all_reduce %and3A_729 {dim = 0 : i64, kind = #tpu.reduction_kind<sum>} : vector<16xi1> -> vector<16xi32>
          %slice3A_737 = vector.extract_strided_slice %all_reduce_population_count3A_736 {offsets = [0], sizes = [1], strides = [1]} : vector<16xi32> to vector<1xi32>
          %squeeze3A_738 = vector.extract %slice3A_737[0] : i32 from vector<1xi32>
          %add3A_739 = arith.addi %add3A_716, %squeeze3A_738 : i32
          scf.yield %add3A_739 : i32
        }
        %scan3A_445 = arith.constant 48 : i32
        %shift_right_arithmetic3A_446 = arith.constant 7 : i32
        %shift_right_arithmetic3A_447 = arith.shrsi %scan3A_444, %shift_right_arithmetic3A_446 : i32
        %while3A_448 = arith.constant 0 : i32
        %while3A_449 = scf.while (%while3A_556 = %while3A_448) : (i32) -> i32 {
          %lt3A_557 = arith.cmpi slt, %while3A_556, %shift_right_arithmetic3A_447 : i32
          scf.condition(%lt3A_557) %while3A_556 : i32
        } do {
        ^bb0(%while3A_556: i32):
          %mul3A_557 = arith.constant 128 : i32
          %mul3A_558 = arith.muli %while3A_556, %mul3A_557 : i32
          %mul3A_559 = arith.constant 128 : i32
          %mul3A_560 = arith.muli %while3A_556, %mul3A_559 : i32
          "tpu.region"() ({
            %run_scoped3A = tpu.sem_alloc : memref<!tpu.dma_semaphore, #tpu.memory_space<semaphore_mem>>
            %dma_start3A_563 = tpu.memref_slice %arg10[%mul3A_558] : memref<6288xf32, #tpu.memory_space<vmem>> -> memref<128xf32, #tpu.memory_space<vmem>>
            %dma_start3A_564 = tpu.memref_slice %arg9[%mul3A_560] : memref<6288xi32, #tpu.memory_space<vmem>> -> memref<128xi32, #tpu.memory_space<vmem>>
            %dma_start3A_565 = arith.constant 0 : i32
            %dma_start3A_566 = tpu.memref_slice %arg13[%dma_start3A_565] : memref<917504xf32, #tpu.memory_space<vmem_shared>> -> memref<917504xf32, #tpu.memory_space<vmem_shared>>
            tpu.enqueue_indirect_dma source(%dma_start3A_563 : memref<128xf32, #tpu.memory_space<vmem>>) target(%dma_start3A_566 : memref<917504xf32, #tpu.memory_space<vmem_shared>>) offsets(%dma_start3A_564 : memref<128xi32, #tpu.memory_space<vmem>>) semaphore(%run_scoped3A : memref<!tpu.dma_semaphore, #tpu.memory_space<semaphore_mem>>) {add = true}
            %dma_wait3A_567 = tpu.memref_slice %arg10[%mul3A_558] : memref<6288xf32, #tpu.memory_space<vmem>> -> memref<128xf32, #tpu.memory_space<vmem>>
            %dma_wait3A_568 = tpu.memref_slice %arg9[%mul3A_560] : memref<6288xi32, #tpu.memory_space<vmem>> -> memref<128xi32, #tpu.memory_space<vmem>>
            %dma_wait3A_569 = arith.constant 0 : i32
            %dma_wait3A_570 = tpu.memref_slice %arg13[%dma_wait3A_569] : memref<917504xf32, #tpu.memory_space<vmem_shared>> -> memref<917504xf32, #tpu.memory_space<vmem_shared>>
            tpu.wait_indirect_dma semaphore(%run_scoped3A : memref<!tpu.dma_semaphore, #tpu.memory_space<semaphore_mem>>) src(%dma_wait3A_567 : memref<128xf32, #tpu.memory_space<vmem>>) dst(%dma_wait3A_570 : memref<917504xf32, #tpu.memory_space<vmem_shared>>)
            tpu.yield
          }) : () -> ()
          %add3A_561 = arith.constant 1 : i32
          %add3A_562 = arith.addi %while3A_556, %add3A_561 : i32
          scf.yield %add3A_562 : i32
        }
        %mul3A_450 = arith.constant 128 : i32
        %mul3A_451 = arith.muli %shift_right_arithmetic3A_447, %mul3A_450 : i32
        %add3A_452 = arith.constant 0 : i32
        %add3A_453 = arith.addi %mul3A_451, %add3A_452 : i32
        %get3A_454 = arith.index_cast %add3A_453 : i32 to index
        %get3A_455 = tpu.vector_load %arg9[%get3A_454] {strides = array<i32>} : memref<6288xi32, #tpu.memory_space<vmem>>, vector<16xi32>,
        %swap3A_456 = arith.constant 0 : index
        %swap3A_457 = tpu.vector_load %arg9[%swap3A_456] {strides = array<i32>} : memref<6288xi32, #tpu.memory_space<vmem>>, vector<16xi32>,
        tpu.vector_store %arg9[%swap3A_456], %get3A_455 {strides = array<i32>} : memref<6288xi32, #tpu.memory_space<vmem>>, vector<16xi32>,
        %get3A_458 = arith.index_cast %add3A_453 : i32 to index
        %get3A_459 = tpu.vector_load %arg10[%get3A_458] {strides = array<i32>} : memref<6288xf32, #tpu.memory_space<vmem>>, vector<16xf32>,
        %swap3A_460 = arith.constant 0 : index
        %swap3A_461 = tpu.vector_load %arg10[%swap3A_460] {strides = array<i32>} : memref<6288xf32, #tpu.memory_space<vmem>>, vector<16xf32>,
        tpu.vector_store %arg10[%swap3A_460], %get3A_459 {strides = array<i32>} : memref<6288xf32, #tpu.memory_space<vmem>>, vector<16xf32>,
        %mul3A_462 = arith.constant 128 : i32
        %mul3A_463 = arith.muli %shift_right_arithmetic3A_447, %mul3A_462 : i32
        %add3A_464 = arith.constant 16 : i32
        %add3A_465 = arith.addi %mul3A_463, %add3A_464 : i32
        %get3A_466 = arith.index_cast %add3A_465 : i32 to index
        %get3A_467 = tpu.vector_load %arg9[%get3A_466] {strides = array<i32>} : memref<6288xi32, #tpu.memory_space<vmem>>, vector<16xi32>,
        %swap3A_468 = arith.constant 16 : index
        %swap3A_469 = tpu.vector_load %arg9[%swap3A_468] {strides = array<i32>} : memref<6288xi32, #tpu.memory_space<vmem>>, vector<16xi32>,
        tpu.vector_store %arg9[%swap3A_468], %get3A_467 {strides = array<i32>} : memref<6288xi32, #tpu.memory_space<vmem>>, vector<16xi32>,
        %get3A_470 = arith.index_cast %add3A_465 : i32 to index
        %get3A_471 = tpu.vector_load %arg10[%get3A_470] {strides = array<i32>} : memref<6288xf32, #tpu.memory_space<vmem>>, vector<16xf32>,
        %swap3A_472 = arith.constant 16 : index
        %swap3A_473 = tpu.vector_load %arg10[%swap3A_472] {strides = array<i32>} : memref<6288xf32, #tpu.memory_space<vmem>>, vector<16xf32>,
        tpu.vector_store %arg10[%swap3A_472], %get3A_471 {strides = array<i32>} : memref<6288xf32, #tpu.memory_space<vmem>>, vector<16xf32>,
        %mul3A_474 = arith.constant 128 : i32
        %mul3A_475 = arith.muli %shift_right_arithmetic3A_447, %mul3A_474 : i32
        %add3A_476 = arith.constant 32 : i32
        %add3A_477 = arith.addi %mul3A_475, %add3A_476 : i32
        %get3A_478 = arith.index_cast %add3A_477 : i32 to index
        %get3A_479 = tpu.vector_load %arg9[%get3A_478] {strides = array<i32>} : memref<6288xi32, #tpu.memory_space<vmem>>, vector<16xi32>,
        %swap3A_480 = arith.constant 32 : index
        %swap3A_481 = tpu.vector_load %arg9[%swap3A_480] {strides = array<i32>} : memref<6288xi32, #tpu.memory_space<vmem>>, vector<16xi32>,
        tpu.vector_store %arg9[%swap3A_480], %get3A_479 {strides = array<i32>} : memref<6288xi32, #tpu.memory_space<vmem>>, vector<16xi32>,
        %get3A_482 = arith.index_cast %add3A_477 : i32 to index
        %get3A_483 = tpu.vector_load %arg10[%get3A_482] {strides = array<i32>} : memref<6288xf32, #tpu.memory_space<vmem>>, vector<16xf32>,
        %swap3A_484 = arith.constant 32 : index
        %swap3A_485 = tpu.vector_load %arg10[%swap3A_484] {strides = array<i32>} : memref<6288xf32, #tpu.memory_space<vmem>>, vector<16xf32>,
        tpu.vector_store %arg10[%swap3A_484], %get3A_483 {strides = array<i32>} : memref<6288xf32, #tpu.memory_space<vmem>>, vector<16xf32>,
        %mul3A_486 = arith.constant 128 : i32
        %mul3A_487 = arith.muli %shift_right_arithmetic3A_447, %mul3A_486 : i32
        %add3A_488 = arith.constant 48 : i32
        %add3A_489 = arith.addi %mul3A_487, %add3A_488 : i32
        %get3A_490 = arith.index_cast %add3A_489 : i32 to index
        %get3A_491 = tpu.vector_load %arg9[%get3A_490] {strides = array<i32>} : memref<6288xi32, #tpu.memory_space<vmem>>, vector<16xi32>,
        %swap3A_492 = arith.constant 48 : index
        %swap3A_493 = tpu.vector_load %arg9[%swap3A_492] {strides = array<i32>} : memref<6288xi32, #tpu.memory_space<vmem>>, vector<16xi32>,
        tpu.vector_store %arg9[%swap3A_492], %get3A_491 {strides = array<i32>} : memref<6288xi32, #tpu.memory_space<vmem>>, vector<16xi32>,
        %get3A_494 = arith.index_cast %add3A_489 : i32 to index
        %get3A_495 = tpu.vector_load %arg10[%get3A_494] {strides = array<i32>} : memref<6288xf32, #tpu.memory_space<vmem>>, vector<16xf32>,
        %swap3A_496 = arith.constant 48 : index
        %swap3A_497 = tpu.vector_load %arg10[%swap3A_496] {strides = array<i32>} : memref<6288xf32, #tpu.memory_space<vmem>>, vector<16xf32>,
        tpu.vector_store %arg10[%swap3A_496], %get3A_495 {strides = array<i32>} : memref<6288xf32, #tpu.memory_space<vmem>>, vector<16xf32>,
        %mul3A_498 = arith.constant 128 : i32
        %mul3A_499 = arith.muli %shift_right_arithmetic3A_447, %mul3A_498 : i32
        %add3A_500 = arith.constant 64 : i32
        %add3A_501 = arith.addi %mul3A_499, %add3A_500 : i32
        %get3A_502 = arith.index_cast %add3A_501 : i32 to index
        %get3A_503 = tpu.vector_load %arg9[%get3A_502] {strides = array<i32>} : memref<6288xi32, #tpu.memory_space<vmem>>, vector<16xi32>,
        %swap3A_504 = arith.constant 64 : index
        %swap3A_505 = tpu.vector_load %arg9[%swap3A_504] {strides = array<i32>} : memref<6288xi32, #tpu.memory_space<vmem>>, vector<16xi32>,
        tpu.vector_store %arg9[%swap3A_504], %get3A_503 {strides = array<i32>} : memref<6288xi32, #tpu.memory_space<vmem>>, vector<16xi32>,
        %get3A_506 = arith.index_cast %add3A_501 : i32 to index
        %get3A_507 = tpu.vector_load %arg10[%get3A_506] {strides = array<i32>} : memref<6288xf32, #tpu.memory_space<vmem>>, vector<16xf32>,
        %swap3A_508 = arith.constant 64 : index
        %swap3A_509 = tpu.vector_load %arg10[%swap3A_508] {strides = array<i32>} : memref<6288xf32, #tpu.memory_space<vmem>>, vector<16xf32>,
        tpu.vector_store %arg10[%swap3A_508], %get3A_507 {strides = array<i32>} : memref<6288xf32, #tpu.memory_space<vmem>>, vector<16xf32>,
        %mul3A_510 = arith.constant 128 : i32
        %mul3A_511 = arith.muli %shift_right_arithmetic3A_447, %mul3A_510 : i32
        %add3A_512 = arith.constant 80 : i32
        %add3A_513 = arith.addi %mul3A_511, %add3A_512 : i32
        %get3A_514 = arith.index_cast %add3A_513 : i32 to index
        %get3A_515 = tpu.vector_load %arg9[%get3A_514] {strides = array<i32>} : memref<6288xi32, #tpu.memory_space<vmem>>, vector<16xi32>,
        %swap3A_516 = arith.constant 80 : index
        %swap3A_517 = tpu.vector_load %arg9[%swap3A_516] {strides = array<i32>} : memref<6288xi32, #tpu.memory_space<vmem>>, vector<16xi32>,
        tpu.vector_store %arg9[%swap3A_516], %get3A_515 {strides = array<i32>} : memref<6288xi32, #tpu.memory_space<vmem>>, vector<16xi32>,
        %get3A_518 = arith.index_cast %add3A_513 : i32 to index
        %get3A_519 = tpu.vector_load %arg10[%get3A_518] {strides = array<i32>} : memref<6288xf32, #tpu.memory_space<vmem>>, vector<16xf32>,
        %swap3A_520 = arith.constant 80 : index
        %swap3A_521 = tpu.vector_load %arg10[%swap3A_520] {strides = array<i32>} : memref<6288xf32, #tpu.memory_space<vmem>>, vector<16xf32>,
        tpu.vector_store %arg10[%swap3A_520], %get3A_519 {strides = array<i32>} : memref<6288xf32, #tpu.memory_space<vmem>>, vector<16xf32>,
        %mul3A_522 = arith.constant 128 : i32
        %mul3A_523 = arith.muli %shift_right_arithmetic3A_447, %mul3A_522 : i32
        %add3A_524 = arith.constant 96 : i32
        %add3A_525 = arith.addi %mul3A_523, %add3A_524 : i32
        %get3A_526 = arith.index_cast %add3A_525 : i32 to index
        %get3A_527 = tpu.vector_load %arg9[%get3A_526] {strides = array<i32>} : memref<6288xi32, #tpu.memory_space<vmem>>, vector<16xi32>,
        %swap3A_528 = arith.constant 96 : index
        %swap3A_529 = tpu.vector_load %arg9[%swap3A_528] {strides = array<i32>} : memref<6288xi32, #tpu.memory_space<vmem>>, vector<16xi32>,
        tpu.vector_store %arg9[%swap3A_528], %get3A_527 {strides = array<i32>} : memref<6288xi32, #tpu.memory_space<vmem>>, vector<16xi32>,
        %get3A_530 = arith.index_cast %add3A_525 : i32 to index
        %get3A_531 = tpu.vector_load %arg10[%get3A_530] {strides = array<i32>} : memref<6288xf32, #tpu.memory_space<vmem>>, vector<16xf32>,
        %swap3A_532 = arith.constant 96 : index
        %swap3A_533 = tpu.vector_load %arg10[%swap3A_532] {strides = array<i32>} : memref<6288xf32, #tpu.memory_space<vmem>>, vector<16xf32>,
        tpu.vector_store %arg10[%swap3A_532], %get3A_531 {strides = array<i32>} : memref<6288xf32, #tpu.memory_space<vmem>>, vector<16xf32>,
        %mul3A_534 = arith.constant 128 : i32
        %mul3A_535 = arith.muli %shift_right_arithmetic3A_447, %mul3A_534 : i32
        %add3A_536 = arith.constant 112 : i32
        %add3A_537 = arith.addi %mul3A_535, %add3A_536 : i32
        %get3A_538 = arith.index_cast %add3A_537 : i32 to index
        %get3A_539 = tpu.vector_load %arg9[%get3A_538] {strides = array<i32>} : memref<6288xi32, #tpu.memory_space<vmem>>, vector<16xi32>,
        %swap3A_540 = arith.constant 112 : index
        %swap3A_541 = tpu.vector_load %arg9[%swap3A_540] {strides = array<i32>} : memref<6288xi32, #tpu.memory_space<vmem>>, vector<16xi32>,
        tpu.vector_store %arg9[%swap3A_540], %get3A_539 {strides = array<i32>} : memref<6288xi32, #tpu.memory_space<vmem>>, vector<16xi32>,
        %get3A_542 = arith.index_cast %add3A_537 : i32 to index
        %get3A_543 = tpu.vector_load %arg10[%get3A_542] {strides = array<i32>} : memref<6288xf32, #tpu.memory_space<vmem>>, vector<16xf32>,
        %swap3A_544 = arith.constant 112 : index
        %swap3A_545 = tpu.vector_load %arg10[%swap3A_544] {strides = array<i32>} : memref<6288xf32, #tpu.memory_space<vmem>>, vector<16xf32>,
        tpu.vector_store %arg10[%swap3A_544], %get3A_543 {strides = array<i32>} : memref<6288xf32, #tpu.memory_space<vmem>>, vector<16xf32>,
        %mul3A_546 = arith.constant 128 : i32
        %mul3A_547 = arith.muli %shift_right_arithmetic3A_447, %mul3A_546 : i32
        %sub3A_548 = arith.subi %scan3A_444, %mul3A_547 : i32
        %add3A_549 = arith.constant 3 : i32
        %add3A_550 = arith.addi %mul3A_306, %add3A_549 : i32
        %lt3A_551 = arith.constant 98 : i32
        %lt3A_552 = arith.cmpi slt, %add3A_550, %lt3A_551 : i32
        %convert_element_type3A_553 = arith.extui %lt3A_552 : i1 to i32
        %cond3A_554 = arith.constant 0 : i32
        %cond3A_555 = arith.cmpi ne, %convert_element_type3A_553, %cond3A_554 : i32
        scf.if %cond3A_555 {
          %add3A_556 = arith.constant 3 : i32
          %add3A_557 = arith.addi %mul3A_306, %add3A_556 : i32
          %mul3A_558 = arith.constant 602112 : i32
          %mul3A_559 = arith.muli %arg1, %mul3A_558 : i32
          %mul3A_560 = arith.constant 6144 : i32
          %mul3A_561 = arith.muli %add3A_557, %mul3A_560 : i32
          %add3A_562 = arith.addi %mul3A_559, %mul3A_561 : i32
          %dma_start3A_563 = tpu.memref_slice %arg2[%add3A_562] : memref<9633792xi32, #tpu.memory_space<hbm>> -> memref<6144xi32, #tpu.memory_space<hbm>>
          %dma_start3A_564 = tpu.memref_slice %arg2[%add3A_562] : memref<9633792xi32, #tpu.memory_space<hbm>> -> memref<6144xi32, #tpu.memory_space<hbm>>
          tpu.enqueue_dma source(%dma_start3A_564 : memref<6144xi32, #tpu.memory_space<hbm>>) target(%arg7 : memref<6144xi32, #tpu.memory_space<vmem>>) target_semaphore(%arg15 : memref<!tpu.dma_semaphore, #tpu.memory_space<semaphore_mem>>)
          %dma_start3A_565 = tpu.memref_slice %arg3[%add3A_562] : memref<9633792xf32, #tpu.memory_space<hbm>> -> memref<6144xf32, #tpu.memory_space<hbm>>
          %dma_start3A_566 = tpu.memref_slice %arg3[%add3A_562] : memref<9633792xf32, #tpu.memory_space<hbm>> -> memref<6144xf32, #tpu.memory_space<hbm>>
          tpu.enqueue_dma source(%dma_start3A_566 : memref<6144xf32, #tpu.memory_space<hbm>>) target(%arg8 : memref<6144xf32, #tpu.memory_space<vmem>>) target_semaphore(%arg15 : memref<!tpu.dma_semaphore, #tpu.memory_space<semaphore_mem>>)
        } else {
        }
        scf.yield %sub3A_548 : i32
      }
      %scan3A_85 = arith.constant 49 : i32
      %broadcast_in_dim3A = arith.constant 0 : i32
      %broadcast_in_dim3A_86 = vector.broadcast %broadcast_in_dim3A : i32 to vector<16xi32>
      %broadcast_in_dim3A_87 = arith.constant 0.000000e+00 : f32
      %broadcast_in_dim3A_88 = vector.broadcast %broadcast_in_dim3A_87 : f32 to vector<16xf32>
      %broadcast_in_dim3A_89 = arith.constant true
      %broadcast_in_dim3A_90 = vector.broadcast %broadcast_in_dim3A_89 : i1 to vector<16xi1>
      %add3A_91 = vector.broadcast %mul3A_14 : i32 to vector<16xi32>
      %add3A_92 = arith.addi %add3A_91, %broadcast_in_dim3A_86 : vector<16xi32>
      %sub3A = vector.broadcast %mul3A_14 : i32 to vector<16xi32>
      %sub3A_93 = arith.subi %add3A_92, %sub3A : vector<16xi32>
      %swap3A = arith.index_cast %scan3A_84 : i32 to index
      %swap3A_94 = tpu.vector_load %arg9[%swap3A] masked %broadcast_in_dim3A_90 {strides = array<i32>} : memref<6288xi32, #tpu.memory_space<vmem>>, vector<16xi32>, vector<16xi1>
      tpu.vector_store %arg9[%swap3A], %sub3A_93 masked %broadcast_in_dim3A_90 {strides = array<i32>} : memref<6288xi32, #tpu.memory_space<vmem>>, vector<16xi32>, vector<16xi1>
      %swap3A_95 = arith.index_cast %scan3A_84 : i32 to index
      %swap3A_96 = tpu.vector_load %arg10[%swap3A_95] masked %broadcast_in_dim3A_90 {strides = array<i32>} : memref<6288xf32, #tpu.memory_space<vmem>>, vector<16xf32>, vector<16xi1>
      tpu.vector_store %arg10[%swap3A_95], %broadcast_in_dim3A_88 masked %broadcast_in_dim3A_90 {strides = array<i32>} : memref<6288xf32, #tpu.memory_space<vmem>>, vector<16xf32>, vector<16xi1>
      %all_reduce_population_count3A = tpu.all_reduce %broadcast_in_dim3A_90 {dim = 0 : i64, kind = #tpu.reduction_kind<sum>} : vector<16xi1> -> vector<16xi32>
      %slice3A = vector.extract_strided_slice %all_reduce_population_count3A {offsets = [0], sizes = [1], strides = [1]} : vector<16xi32> to vector<1xi32>
      %squeeze3A = vector.extract %slice3A[0] : i32 from vector<1xi32>
      %add3A_97 = arith.addi %scan3A_84, %squeeze3A : i32
      %add3A_98 = vector.broadcast %mul3A_14 : i32 to vector<16xi32>
      %add3A_99 = arith.addi %add3A_98, %broadcast_in_dim3A_86 : vector<16xi32>
      %sub3A_100 = vector.broadcast %mul3A_14 : i32 to vector<16xi32>
      %sub3A_101 = arith.subi %add3A_99, %sub3A_100 : vector<16xi32>
      %swap3A_102 = arith.index_cast %add3A_97 : i32 to index
      %swap3A_103 = tpu.vector_load %arg9[%swap3A_102] masked %broadcast_in_dim3A_90 {strides = array<i32>} : memref<6288xi32, #tpu.memory_space<vmem>>, vector<16xi32>, vector<16xi1>
      tpu.vector_store %arg9[%swap3A_102], %sub3A_101 masked %broadcast_in_dim3A_90 {strides = array<i32>} : memref<6288xi32, #tpu.memory_space<vmem>>, vector<16xi32>, vector<16xi1>
      %swap3A_104 = arith.index_cast %add3A_97 : i32 to index
      %swap3A_105 = tpu.vector_load %arg10[%swap3A_104] masked %broadcast_in_dim3A_90 {strides = array<i32>} : memref<6288xf32, #tpu.memory_space<vmem>>, vector<16xf32>, vector<16xi1>
      tpu.vector_store %arg10[%swap3A_104], %broadcast_in_dim3A_88 masked %broadcast_in_dim3A_90 {strides = array<i32>} : memref<6288xf32, #tpu.memory_space<vmem>>, vector<16xf32>, vector<16xi1>
      %all_reduce_population_count3A_106 = tpu.all_reduce %broadcast_in_dim3A_90 {dim = 0 : i64, kind = #tpu.reduction_kind<sum>} : vector<16xi1> -> vector<16xi32>
      %slice3A_107 = vector.extract_strided_slice %all_reduce_population_count3A_106 {offsets = [0], sizes = [1], strides = [1]} : vector<16xi32> to vector<1xi32>
      %squeeze3A_108 = vector.extract %slice3A_107[0] : i32 from vector<1xi32>
      %add3A_109 = arith.addi %add3A_97, %squeeze3A_108 : i32
      %add3A_110 = vector.broadcast %mul3A_14 : i32 to vector<16xi32>
      %add3A_111 = arith.addi %add3A_110, %broadcast_in_dim3A_86 : vector<16xi32>
      %sub3A_112 = vector.broadcast %mul3A_14 : i32 to vector<16xi32>
      %sub3A_113 = arith.subi %add3A_111, %sub3A_112 : vector<16xi32>
      %swap3A_114 = arith.index_cast %add3A_109 : i32 to index
      %swap3A_115 = tpu.vector_load %arg9[%swap3A_114] masked %broadcast_in_dim3A_90 {strides = array<i32>} : memref<6288xi32, #tpu.memory_space<vmem>>, vector<16xi32>, vector<16xi1>
      tpu.vector_store %arg9[%swap3A_114], %sub3A_113 masked %broadcast_in_dim3A_90 {strides = array<i32>} : memref<6288xi32, #tpu.memory_space<vmem>>, vector<16xi32>, vector<16xi1>
      %swap3A_116 = arith.index_cast %add3A_109 : i32 to index
      %swap3A_117 = tpu.vector_load %arg10[%swap3A_116] masked %broadcast_in_dim3A_90 {strides = array<i32>} : memref<6288xf32, #tpu.memory_space<vmem>>, vector<16xf32>, vector<16xi1>
      tpu.vector_store %arg10[%swap3A_116], %broadcast_in_dim3A_88 masked %broadcast_in_dim3A_90 {strides = array<i32>} : memref<6288xf32, #tpu.memory_space<vmem>>, vector<16xf32>, vector<16xi1>
      %all_reduce_population_count3A_118 = tpu.all_reduce %broadcast_in_dim3A_90 {dim = 0 : i64, kind = #tpu.reduction_kind<sum>} : vector<16xi1> -> vector<16xi32>
      %slice3A_119 = vector.extract_strided_slice %all_reduce_population_count3A_118 {offsets = [0], sizes = [1], strides = [1]} : vector<16xi32> to vector<1xi32>
      %squeeze3A_120 = vector.extract %slice3A_119[0] : i32 from vector<1xi32>
      %add3A_121 = arith.addi %add3A_109, %squeeze3A_120 : i32
      %add3A_122 = vector.broadcast %mul3A_14 : i32 to vector<16xi32>
      %add3A_123 = arith.addi %add3A_122, %broadcast_in_dim3A_86 : vector<16xi32>
      %sub3A_124 = vector.broadcast %mul3A_14 : i32 to vector<16xi32>
      %sub3A_125 = arith.subi %add3A_123, %sub3A_124 : vector<16xi32>
      %swap3A_126 = arith.index_cast %add3A_121 : i32 to index
      %swap3A_127 = tpu.vector_load %arg9[%swap3A_126] masked %broadcast_in_dim3A_90 {strides = array<i32>} : memref<6288xi32, #tpu.memory_space<vmem>>, vector<16xi32>, vector<16xi1>
      tpu.vector_store %arg9[%swap3A_126], %sub3A_125 masked %broadcast_in_dim3A_90 {strides = array<i32>} : memref<6288xi32, #tpu.memory_space<vmem>>, vector<16xi32>, vector<16xi1>
      %swap3A_128 = arith.index_cast %add3A_121 : i32 to index
      %swap3A_129 = tpu.vector_load %arg10[%swap3A_128] masked %broadcast_in_dim3A_90 {strides = array<i32>} : memref<6288xf32, #tpu.memory_space<vmem>>, vector<16xf32>, vector<16xi1>
      tpu.vector_store %arg10[%swap3A_128], %broadcast_in_dim3A_88 masked %broadcast_in_dim3A_90 {strides = array<i32>} : memref<6288xf32, #tpu.memory_space<vmem>>, vector<16xf32>, vector<16xi1>
      %all_reduce_population_count3A_130 = tpu.all_reduce %broadcast_in_dim3A_90 {dim = 0 : i64, kind = #tpu.reduction_kind<sum>} : vector<16xi1> -> vector<16xi32>
      %slice3A_131 = vector.extract_strided_slice %all_reduce_population_count3A_130 {offsets = [0], sizes = [1], strides = [1]} : vector<16xi32> to vector<1xi32>
      %squeeze3A_132 = vector.extract %slice3A_131[0] : i32 from vector<1xi32>
      %add3A_133 = arith.addi %add3A_121, %squeeze3A_132 : i32
      %add3A_134 = vector.broadcast %mul3A_14 : i32 to vector<16xi32>
      %add3A_135 = arith.addi %add3A_134, %broadcast_in_dim3A_86 : vector<16xi32>
      %sub3A_136 = vector.broadcast %mul3A_14 : i32 to vector<16xi32>
      %sub3A_137 = arith.subi %add3A_135, %sub3A_136 : vector<16xi32>
      %swap3A_138 = arith.index_cast %add3A_133 : i32 to index
      %swap3A_139 = tpu.vector_load %arg9[%swap3A_138] masked %broadcast_in_dim3A_90 {strides = array<i32>} : memref<6288xi32, #tpu.memory_space<vmem>>, vector<16xi32>, vector<16xi1>
      tpu.vector_store %arg9[%swap3A_138], %sub3A_137 masked %broadcast_in_dim3A_90 {strides = array<i32>} : memref<6288xi32, #tpu.memory_space<vmem>>, vector<16xi32>, vector<16xi1>
      %swap3A_140 = arith.index_cast %add3A_133 : i32 to index
      %swap3A_141 = tpu.vector_load %arg10[%swap3A_140] masked %broadcast_in_dim3A_90 {strides = array<i32>} : memref<6288xf32, #tpu.memory_space<vmem>>, vector<16xf32>, vector<16xi1>
      tpu.vector_store %arg10[%swap3A_140], %broadcast_in_dim3A_88 masked %broadcast_in_dim3A_90 {strides = array<i32>} : memref<6288xf32, #tpu.memory_space<vmem>>, vector<16xf32>, vector<16xi1>
      %all_reduce_population_count3A_142 = tpu.all_reduce %broadcast_in_dim3A_90 {dim = 0 : i64, kind = #tpu.reduction_kind<sum>} : vector<16xi1> -> vector<16xi32>
      %slice3A_143 = vector.extract_strided_slice %all_reduce_population_count3A_142 {offsets = [0], sizes = [1], strides = [1]} : vector<16xi32> to vector<1xi32>
      %squeeze3A_144 = vector.extract %slice3A_143[0] : i32 from vector<1xi32>
      %add3A_145 = arith.addi %add3A_133, %squeeze3A_144 : i32
      %add3A_146 = vector.broadcast %mul3A_14 : i32 to vector<16xi32>
      %add3A_147 = arith.addi %add3A_146, %broadcast_in_dim3A_86 : vector<16xi32>
      %sub3A_148 = vector.broadcast %mul3A_14 : i32 to vector<16xi32>
      %sub3A_149 = arith.subi %add3A_147, %sub3A_148 : vector<16xi32>
      %swap3A_150 = arith.index_cast %add3A_145 : i32 to index
      %swap3A_151 = tpu.vector_load %arg9[%swap3A_150] masked %broadcast_in_dim3A_90 {strides = array<i32>} : memref<6288xi32, #tpu.memory_space<vmem>>, vector<16xi32>, vector<16xi1>
      tpu.vector_store %arg9[%swap3A_150], %sub3A_149 masked %broadcast_in_dim3A_90 {strides = array<i32>} : memref<6288xi32, #tpu.memory_space<vmem>>, vector<16xi32>, vector<16xi1>
      %swap3A_152 = arith.index_cast %add3A_145 : i32 to index
      %swap3A_153 = tpu.vector_load %arg10[%swap3A_152] masked %broadcast_in_dim3A_90 {strides = array<i32>} : memref<6288xf32, #tpu.memory_space<vmem>>, vector<16xf32>, vector<16xi1>
      tpu.vector_store %arg10[%swap3A_152], %broadcast_in_dim3A_88 masked %broadcast_in_dim3A_90 {strides = array<i32>} : memref<6288xf32, #tpu.memory_space<vmem>>, vector<16xf32>, vector<16xi1>
      %all_reduce_population_count3A_154 = tpu.all_reduce %broadcast_in_dim3A_90 {dim = 0 : i64, kind = #tpu.reduction_kind<sum>} : vector<16xi1> -> vector<16xi32>
      %slice3A_155 = vector.extract_strided_slice %all_reduce_population_count3A_154 {offsets = [0], sizes = [1], strides = [1]} : vector<16xi32> to vector<1xi32>
      %squeeze3A_156 = vector.extract %slice3A_155[0] : i32 from vector<1xi32>
      %add3A_157 = arith.addi %add3A_145, %squeeze3A_156 : i32
      %add3A_158 = vector.broadcast %mul3A_14 : i32 to vector<16xi32>
      %add3A_159 = arith.addi %add3A_158, %broadcast_in_dim3A_86 : vector<16xi32>
      %sub3A_160 = vector.broadcast %mul3A_14 : i32 to vector<16xi32>
      %sub3A_161 = arith.subi %add3A_159, %sub3A_160 : vector<16xi32>
      %swap3A_162 = arith.index_cast %add3A_157 : i32 to index
      %swap3A_163 = tpu.vector_load %arg9[%swap3A_162] masked %broadcast_in_dim3A_90 {strides = array<i32>} : memref<6288xi32, #tpu.memory_space<vmem>>, vector<16xi32>, vector<16xi1>
      tpu.vector_store %arg9[%swap3A_162], %sub3A_161 masked %broadcast_in_dim3A_90 {strides = array<i32>} : memref<6288xi32, #tpu.memory_space<vmem>>, vector<16xi32>, vector<16xi1>
      %swap3A_164 = arith.index_cast %add3A_157 : i32 to index
      %swap3A_165 = tpu.vector_load %arg10[%swap3A_164] masked %broadcast_in_dim3A_90 {strides = array<i32>} : memref<6288xf32, #tpu.memory_space<vmem>>, vector<16xf32>, vector<16xi1>
      tpu.vector_store %arg10[%swap3A_164], %broadcast_in_dim3A_88 masked %broadcast_in_dim3A_90 {strides = array<i32>} : memref<6288xf32, #tpu.memory_space<vmem>>, vector<16xf32>, vector<16xi1>
      %all_reduce_population_count3A_166 = tpu.all_reduce %broadcast_in_dim3A_90 {dim = 0 : i64, kind = #tpu.reduction_kind<sum>} : vector<16xi1> -> vector<16xi32>
      %slice3A_167 = vector.extract_strided_slice %all_reduce_population_count3A_166 {offsets = [0], sizes = [1], strides = [1]} : vector<16xi32> to vector<1xi32>
      %squeeze3A_168 = vector.extract %slice3A_167[0] : i32 from vector<1xi32>
      %add3A_169 = arith.addi %add3A_157, %squeeze3A_168 : i32
      %add3A_170 = vector.broadcast %mul3A_14 : i32 to vector<16xi32>
      %add3A_171 = arith.addi %add3A_170, %broadcast_in_dim3A_86 : vector<16xi32>
      %sub3A_172 = vector.broadcast %mul3A_14 : i32 to vector<16xi32>
      %sub3A_173 = arith.subi %add3A_171, %sub3A_172 : vector<16xi32>
      %swap3A_174 = arith.index_cast %add3A_169 : i32 to index
      %swap3A_175 = tpu.vector_load %arg9[%swap3A_174] masked %broadcast_in_dim3A_90 {strides = array<i32>} : memref<6288xi32, #tpu.memory_space<vmem>>, vector<16xi32>, vector<16xi1>
      tpu.vector_store %arg9[%swap3A_174], %sub3A_173 masked %broadcast_in_dim3A_90 {strides = array<i32>} : memref<6288xi32, #tpu.memory_space<vmem>>, vector<16xi32>, vector<16xi1>
      %swap3A_176 = arith.index_cast %add3A_169 : i32 to index
      %swap3A_177 = tpu.vector_load %arg10[%swap3A_176] masked %broadcast_in_dim3A_90 {strides = array<i32>} : memref<6288xf32, #tpu.memory_space<vmem>>, vector<16xf32>, vector<16xi1>
      tpu.vector_store %arg10[%swap3A_176], %broadcast_in_dim3A_88 masked %broadcast_in_dim3A_90 {strides = array<i32>} : memref<6288xf32, #tpu.memory_space<vmem>>, vector<16xf32>, vector<16xi1>
      %all_reduce_population_count3A_178 = tpu.all_reduce %broadcast_in_dim3A_90 {dim = 0 : i64, kind = #tpu.reduction_kind<sum>} : vector<16xi1> -> vector<16xi32>
      %slice3A_179 = vector.extract_strided_slice %all_reduce_population_count3A_178 {offsets = [0], sizes = [1], strides = [1]} : vector<16xi32> to vector<1xi32>
      %squeeze3A_180 = vector.extract %slice3A_179[0] : i32 from vector<1xi32>
      %add3A_181 = arith.addi %add3A_169, %squeeze3A_180 : i32
      %shift_right_arithmetic3A = arith.constant 7 : i32
      %shift_right_arithmetic3A_182 = arith.shrsi %add3A_181, %shift_right_arithmetic3A : i32
      %while3A = arith.constant 0 : i32
      %while3A_183 = scf.while (%while3A_303 = %while3A) : (i32) -> i32 {
        %lt3A = arith.cmpi slt, %while3A_303, %shift_right_arithmetic3A_182 : i32
        scf.condition(%lt3A) %while3A_303 : i32
      } do {
      ^bb0(%while3A_303: i32):
        %mul3A_304 = arith.constant 128 : i32
        %mul3A_305 = arith.muli %while3A_303, %mul3A_304 : i32
        %mul3A_306 = arith.constant 128 : i32
        %mul3A_307 = arith.muli %while3A_303, %mul3A_306 : i32
        "tpu.region"() ({
          %run_scoped3A = tpu.sem_alloc : memref<!tpu.dma_semaphore, #tpu.memory_space<semaphore_mem>>
          %dma_start3A_310 = tpu.memref_slice %arg10[%mul3A_305] : memref<6288xf32, #tpu.memory_space<vmem>> -> memref<128xf32, #tpu.memory_space<vmem>>
          %dma_start3A_311 = tpu.memref_slice %arg9[%mul3A_307] : memref<6288xi32, #tpu.memory_space<vmem>> -> memref<128xi32, #tpu.memory_space<vmem>>
          %dma_start3A_312 = arith.constant 0 : i32
          %dma_start3A_313 = tpu.memref_slice %arg13[%dma_start3A_312] : memref<917504xf32, #tpu.memory_space<vmem_shared>> -> memref<917504xf32, #tpu.memory_space<vmem_shared>>
          tpu.enqueue_indirect_dma source(%dma_start3A_310 : memref<128xf32, #tpu.memory_space<vmem>>) target(%dma_start3A_313 : memref<917504xf32, #tpu.memory_space<vmem_shared>>) offsets(%dma_start3A_311 : memref<128xi32, #tpu.memory_space<vmem>>) semaphore(%run_scoped3A : memref<!tpu.dma_semaphore, #tpu.memory_space<semaphore_mem>>) {add = true}
          %dma_wait3A_314 = tpu.memref_slice %arg10[%mul3A_305] : memref<6288xf32, #tpu.memory_space<vmem>> -> memref<128xf32, #tpu.memory_space<vmem>>
          %dma_wait3A_315 = tpu.memref_slice %arg9[%mul3A_307] : memref<6288xi32, #tpu.memory_space<vmem>> -> memref<128xi32, #tpu.memory_space<vmem>>
          %dma_wait3A_316 = arith.constant 0 : i32
          %dma_wait3A_317 = tpu.memref_slice %arg13[%dma_wait3A_316] : memref<917504xf32, #tpu.memory_space<vmem_shared>> -> memref<917504xf32, #tpu.memory_space<vmem_shared>>
          tpu.wait_indirect_dma semaphore(%run_scoped3A : memref<!tpu.dma_semaphore, #tpu.memory_space<semaphore_mem>>) src(%dma_wait3A_314 : memref<128xf32, #tpu.memory_space<vmem>>) dst(%dma_wait3A_317 : memref<917504xf32, #tpu.memory_space<vmem_shared>>)
          tpu.yield
        }) : () -> ()
        %add3A_308 = arith.constant 1 : i32
        %add3A_309 = arith.addi %while3A_303, %add3A_308 : i32
        scf.yield %add3A_309 : i32
      }
      %mul3A_184 = arith.constant 128 : i32
      %mul3A_185 = arith.muli %shift_right_arithmetic3A_182, %mul3A_184 : i32
      %add3A_186 = arith.constant 0 : i32
      %add3A_187 = arith.addi %mul3A_185, %add3A_186 : i32
      %get3A = arith.index_cast %add3A_187 : i32 to index
      %get3A_188 = tpu.vector_load %arg9[%get3A] {strides = array<i32>} : memref<6288xi32, #tpu.memory_space<vmem>>, vector<16xi32>,
      %swap3A_189 = arith.constant 0 : index
      %swap3A_190 = tpu.vector_load %arg9[%swap3A_189] {strides = array<i32>} : memref<6288xi32, #tpu.memory_space<vmem>>, vector<16xi32>,
      tpu.vector_store %arg9[%swap3A_189], %get3A_188 {strides = array<i32>} : memref<6288xi32, #tpu.memory_space<vmem>>, vector<16xi32>,
      %get3A_191 = arith.index_cast %add3A_187 : i32 to index
      %get3A_192 = tpu.vector_load %arg10[%get3A_191] {strides = array<i32>} : memref<6288xf32, #tpu.memory_space<vmem>>, vector<16xf32>,
      %swap3A_193 = arith.constant 0 : index
      %swap3A_194 = tpu.vector_load %arg10[%swap3A_193] {strides = array<i32>} : memref<6288xf32, #tpu.memory_space<vmem>>, vector<16xf32>,
      tpu.vector_store %arg10[%swap3A_193], %get3A_192 {strides = array<i32>} : memref<6288xf32, #tpu.memory_space<vmem>>, vector<16xf32>,
      %mul3A_195 = arith.constant 128 : i32
      %mul3A_196 = arith.muli %shift_right_arithmetic3A_182, %mul3A_195 : i32
      %add3A_197 = arith.constant 16 : i32
      %add3A_198 = arith.addi %mul3A_196, %add3A_197 : i32
      %get3A_199 = arith.index_cast %add3A_198 : i32 to index
      %get3A_200 = tpu.vector_load %arg9[%get3A_199] {strides = array<i32>} : memref<6288xi32, #tpu.memory_space<vmem>>, vector<16xi32>,
      %swap3A_201 = arith.constant 16 : index
      %swap3A_202 = tpu.vector_load %arg9[%swap3A_201] {strides = array<i32>} : memref<6288xi32, #tpu.memory_space<vmem>>, vector<16xi32>,
      tpu.vector_store %arg9[%swap3A_201], %get3A_200 {strides = array<i32>} : memref<6288xi32, #tpu.memory_space<vmem>>, vector<16xi32>,
      %get3A_203 = arith.index_cast %add3A_198 : i32 to index
      %get3A_204 = tpu.vector_load %arg10[%get3A_203] {strides = array<i32>} : memref<6288xf32, #tpu.memory_space<vmem>>, vector<16xf32>,
      %swap3A_205 = arith.constant 16 : index
      %swap3A_206 = tpu.vector_load %arg10[%swap3A_205] {strides = array<i32>} : memref<6288xf32, #tpu.memory_space<vmem>>, vector<16xf32>,
      tpu.vector_store %arg10[%swap3A_205], %get3A_204 {strides = array<i32>} : memref<6288xf32, #tpu.memory_space<vmem>>, vector<16xf32>,
      %mul3A_207 = arith.constant 128 : i32
      %mul3A_208 = arith.muli %shift_right_arithmetic3A_182, %mul3A_207 : i32
      %add3A_209 = arith.constant 32 : i32
      %add3A_210 = arith.addi %mul3A_208, %add3A_209 : i32
      %get3A_211 = arith.index_cast %add3A_210 : i32 to index
      %get3A_212 = tpu.vector_load %arg9[%get3A_211] {strides = array<i32>} : memref<6288xi32, #tpu.memory_space<vmem>>, vector<16xi32>,
      %swap3A_213 = arith.constant 32 : index
      %swap3A_214 = tpu.vector_load %arg9[%swap3A_213] {strides = array<i32>} : memref<6288xi32, #tpu.memory_space<vmem>>, vector<16xi32>,
      tpu.vector_store %arg9[%swap3A_213], %get3A_212 {strides = array<i32>} : memref<6288xi32, #tpu.memory_space<vmem>>, vector<16xi32>,
      %get3A_215 = arith.index_cast %add3A_210 : i32 to index
      %get3A_216 = tpu.vector_load %arg10[%get3A_215] {strides = array<i32>} : memref<6288xf32, #tpu.memory_space<vmem>>, vector<16xf32>,
      %swap3A_217 = arith.constant 32 : index
      %swap3A_218 = tpu.vector_load %arg10[%swap3A_217] {strides = array<i32>} : memref<6288xf32, #tpu.memory_space<vmem>>, vector<16xf32>,
      tpu.vector_store %arg10[%swap3A_217], %get3A_216 {strides = array<i32>} : memref<6288xf32, #tpu.memory_space<vmem>>, vector<16xf32>,
      %mul3A_219 = arith.constant 128 : i32
      %mul3A_220 = arith.muli %shift_right_arithmetic3A_182, %mul3A_219 : i32
      %add3A_221 = arith.constant 48 : i32
      %add3A_222 = arith.addi %mul3A_220, %add3A_221 : i32
      %get3A_223 = arith.index_cast %add3A_222 : i32 to index
      %get3A_224 = tpu.vector_load %arg9[%get3A_223] {strides = array<i32>} : memref<6288xi32, #tpu.memory_space<vmem>>, vector<16xi32>,
      %swap3A_225 = arith.constant 48 : index
      %swap3A_226 = tpu.vector_load %arg9[%swap3A_225] {strides = array<i32>} : memref<6288xi32, #tpu.memory_space<vmem>>, vector<16xi32>,
      tpu.vector_store %arg9[%swap3A_225], %get3A_224 {strides = array<i32>} : memref<6288xi32, #tpu.memory_space<vmem>>, vector<16xi32>,
      %get3A_227 = arith.index_cast %add3A_222 : i32 to index
      %get3A_228 = tpu.vector_load %arg10[%get3A_227] {strides = array<i32>} : memref<6288xf32, #tpu.memory_space<vmem>>, vector<16xf32>,
      %swap3A_229 = arith.constant 48 : index
      %swap3A_230 = tpu.vector_load %arg10[%swap3A_229] {strides = array<i32>} : memref<6288xf32, #tpu.memory_space<vmem>>, vector<16xf32>,
      tpu.vector_store %arg10[%swap3A_229], %get3A_228 {strides = array<i32>} : memref<6288xf32, #tpu.memory_space<vmem>>, vector<16xf32>,
      %mul3A_231 = arith.constant 128 : i32
      %mul3A_232 = arith.muli %shift_right_arithmetic3A_182, %mul3A_231 : i32
      %add3A_233 = arith.constant 64 : i32
      %add3A_234 = arith.addi %mul3A_232, %add3A_233 : i32
      %get3A_235 = arith.index_cast %add3A_234 : i32 to index
      %get3A_236 = tpu.vector_load %arg9[%get3A_235] {strides = array<i32>} : memref<6288xi32, #tpu.memory_space<vmem>>, vector<16xi32>,
      %swap3A_237 = arith.constant 64 : index
      %swap3A_238 = tpu.vector_load %arg9[%swap3A_237] {strides = array<i32>} : memref<6288xi32, #tpu.memory_space<vmem>>, vector<16xi32>,
      tpu.vector_store %arg9[%swap3A_237], %get3A_236 {strides = array<i32>} : memref<6288xi32, #tpu.memory_space<vmem>>, vector<16xi32>,
      %get3A_239 = arith.index_cast %add3A_234 : i32 to index
      %get3A_240 = tpu.vector_load %arg10[%get3A_239] {strides = array<i32>} : memref<6288xf32, #tpu.memory_space<vmem>>, vector<16xf32>,
      %swap3A_241 = arith.constant 64 : index
      %swap3A_242 = tpu.vector_load %arg10[%swap3A_241] {strides = array<i32>} : memref<6288xf32, #tpu.memory_space<vmem>>, vector<16xf32>,
      tpu.vector_store %arg10[%swap3A_241], %get3A_240 {strides = array<i32>} : memref<6288xf32, #tpu.memory_space<vmem>>, vector<16xf32>,
      %mul3A_243 = arith.constant 128 : i32
      %mul3A_244 = arith.muli %shift_right_arithmetic3A_182, %mul3A_243 : i32
      %add3A_245 = arith.constant 80 : i32
      %add3A_246 = arith.addi %mul3A_244, %add3A_245 : i32
      %get3A_247 = arith.index_cast %add3A_246 : i32 to index
      %get3A_248 = tpu.vector_load %arg9[%get3A_247] {strides = array<i32>} : memref<6288xi32, #tpu.memory_space<vmem>>, vector<16xi32>,
      %swap3A_249 = arith.constant 80 : index
      %swap3A_250 = tpu.vector_load %arg9[%swap3A_249] {strides = array<i32>} : memref<6288xi32, #tpu.memory_space<vmem>>, vector<16xi32>,
      tpu.vector_store %arg9[%swap3A_249], %get3A_248 {strides = array<i32>} : memref<6288xi32, #tpu.memory_space<vmem>>, vector<16xi32>,
      %get3A_251 = arith.index_cast %add3A_246 : i32 to index
      %get3A_252 = tpu.vector_load %arg10[%get3A_251] {strides = array<i32>} : memref<6288xf32, #tpu.memory_space<vmem>>, vector<16xf32>,
      %swap3A_253 = arith.constant 80 : index
      %swap3A_254 = tpu.vector_load %arg10[%swap3A_253] {strides = array<i32>} : memref<6288xf32, #tpu.memory_space<vmem>>, vector<16xf32>,
      tpu.vector_store %arg10[%swap3A_253], %get3A_252 {strides = array<i32>} : memref<6288xf32, #tpu.memory_space<vmem>>, vector<16xf32>,
      %mul3A_255 = arith.constant 128 : i32
      %mul3A_256 = arith.muli %shift_right_arithmetic3A_182, %mul3A_255 : i32
      %add3A_257 = arith.constant 96 : i32
      %add3A_258 = arith.addi %mul3A_256, %add3A_257 : i32
      %get3A_259 = arith.index_cast %add3A_258 : i32 to index
      %get3A_260 = tpu.vector_load %arg9[%get3A_259] {strides = array<i32>} : memref<6288xi32, #tpu.memory_space<vmem>>, vector<16xi32>,
      %swap3A_261 = arith.constant 96 : index
      %swap3A_262 = tpu.vector_load %arg9[%swap3A_261] {strides = array<i32>} : memref<6288xi32, #tpu.memory_space<vmem>>, vector<16xi32>,
      tpu.vector_store %arg9[%swap3A_261], %get3A_260 {strides = array<i32>} : memref<6288xi32, #tpu.memory_space<vmem>>, vector<16xi32>,
      %get3A_263 = arith.index_cast %add3A_258 : i32 to index
      %get3A_264 = tpu.vector_load %arg10[%get3A_263] {strides = array<i32>} : memref<6288xf32, #tpu.memory_space<vmem>>, vector<16xf32>,
      %swap3A_265 = arith.constant 96 : index
      %swap3A_266 = tpu.vector_load %arg10[%swap3A_265] {strides = array<i32>} : memref<6288xf32, #tpu.memory_space<vmem>>, vector<16xf32>,
      tpu.vector_store %arg10[%swap3A_265], %get3A_264 {strides = array<i32>} : memref<6288xf32, #tpu.memory_space<vmem>>, vector<16xf32>,
      %mul3A_267 = arith.constant 128 : i32
      %mul3A_268 = arith.muli %shift_right_arithmetic3A_182, %mul3A_267 : i32
      %add3A_269 = arith.constant 112 : i32
      %add3A_270 = arith.addi %mul3A_268, %add3A_269 : i32
      %get3A_271 = arith.index_cast %add3A_270 : i32 to index
      %get3A_272 = tpu.vector_load %arg9[%get3A_271] {strides = array<i32>} : memref<6288xi32, #tpu.memory_space<vmem>>, vector<16xi32>,
      %swap3A_273 = arith.constant 112 : index
      %swap3A_274 = tpu.vector_load %arg9[%swap3A_273] {strides = array<i32>} : memref<6288xi32, #tpu.memory_space<vmem>>, vector<16xi32>,
      tpu.vector_store %arg9[%swap3A_273], %get3A_272 {strides = array<i32>} : memref<6288xi32, #tpu.memory_space<vmem>>, vector<16xi32>,
      %get3A_275 = arith.index_cast %add3A_270 : i32 to index
      %get3A_276 = tpu.vector_load %arg10[%get3A_275] {strides = array<i32>} : memref<6288xf32, #tpu.memory_space<vmem>>, vector<16xf32>,
      %swap3A_277 = arith.constant 112 : index
      %swap3A_278 = tpu.vector_load %arg10[%swap3A_277] {strides = array<i32>} : memref<6288xf32, #tpu.memory_space<vmem>>, vector<16xf32>,
      tpu.vector_store %arg10[%swap3A_277], %get3A_276 {strides = array<i32>} : memref<6288xf32, #tpu.memory_space<vmem>>, vector<16xf32>,
      %mul3A_279 = arith.constant 128 : i32
      %mul3A_280 = arith.muli %shift_right_arithmetic3A_182, %mul3A_279 : i32
      %sub3A_281 = arith.subi %add3A_181, %mul3A_280 : i32
      %barrier3A_282 = arith.constant 0 : index
      tpu.barrier barrier_id(%barrier3A_282)
      %mul3A_283 = arith.constant 57344 : i32
      %mul3A_284 = arith.muli %arg1, %mul3A_283 : i32
      %add3A_285 = arith.constant 0 : i32
      %add3A_286 = arith.addi %mul3A_284, %add3A_285 : i32
      "tpu.region"() ({
        %run_scoped3A = tpu.sem_alloc : memref<!tpu.dma_semaphore, #tpu.memory_space<semaphore_mem>>
        %dma_start3A_303 = tpu.memref_slice %arg13[%add3A_286] : memref<917504xf32, #tpu.memory_space<vmem_shared>> -> memref<14336xf32, #tpu.memory_space<vmem_shared>>
        %dma_start3A_304 = tpu.memref_slice %arg13[%add3A_286] : memref<917504xf32, #tpu.memory_space<vmem_shared>> -> memref<14336xf32, #tpu.memory_space<vmem_shared>>
        tpu.enqueue_dma source(%dma_start3A_304 : memref<14336xf32, #tpu.memory_space<vmem_shared>>) target(%arg12 : memref<14336xf32, #tpu.memory_space<vmem>>) target_semaphore(%run_scoped3A : memref<!tpu.dma_semaphore, #tpu.memory_space<semaphore_mem>>)
        %dma_wait3A_305 = tpu.memref_slice %arg13[%add3A_286] : memref<917504xf32, #tpu.memory_space<vmem_shared>> -> memref<14336xf32, #tpu.memory_space<vmem_shared>>
        %dma_wait3A_306 = tpu.memref_slice %arg13[%add3A_286] : memref<917504xf32, #tpu.memory_space<vmem_shared>> -> memref<14336xf32, #tpu.memory_space<vmem_shared>>
        tpu.wait_dma2 semaphore(%run_scoped3A : memref<!tpu.dma_semaphore, #tpu.memory_space<semaphore_mem>>) src(%dma_wait3A_306 : memref<14336xf32, #tpu.memory_space<vmem_shared>>) dst(%arg12 : memref<14336xf32, #tpu.memory_space<vmem>>)
        tpu.yield
      }) : () -> ()
      %add3A_287 = arith.addi %mul3A_14, %add3A_286 : i32
      "tpu.region"() ({
        %run_scoped3A = tpu.sem_alloc : memref<!tpu.dma_semaphore, #tpu.memory_space<semaphore_mem>>
        %dma_start3A_303 = tpu.memref_slice %arg4[%add3A_287] : memref<38535168xf32, #tpu.memory_space<hbm>> -> memref<14336xf32, #tpu.memory_space<hbm>>
        %dma_start3A_304 = tpu.memref_slice %arg4[%add3A_287] : memref<38535168xf32, #tpu.memory_space<hbm>> -> memref<14336xf32, #tpu.memory_space<hbm>>
        tpu.enqueue_dma source(%arg12 : memref<14336xf32, #tpu.memory_space<vmem>>) target(%dma_start3A_304 : memref<14336xf32, #tpu.memory_space<hbm>>) target_semaphore(%run_scoped3A : memref<!tpu.dma_semaphore, #tpu.memory_space<semaphore_mem>>)
        %dma_wait3A_305 = tpu.memref_slice %arg4[%add3A_287] : memref<38535168xf32, #tpu.memory_space<hbm>> -> memref<14336xf32, #tpu.memory_space<hbm>>
        %dma_wait3A_306 = tpu.memref_slice %arg4[%add3A_287] : memref<38535168xf32, #tpu.memory_space<hbm>> -> memref<14336xf32, #tpu.memory_space<hbm>>
        tpu.wait_dma2 semaphore(%run_scoped3A : memref<!tpu.dma_semaphore, #tpu.memory_space<semaphore_mem>>) src(%arg12 : memref<14336xf32, #tpu.memory_space<vmem>>) dst(%dma_wait3A_306 : memref<14336xf32, #tpu.memory_space<hbm>>)
        tpu.yield
      }) : () -> ()
      %mul3A_288 = arith.constant 57344 : i32
      %mul3A_289 = arith.muli %arg1, %mul3A_288 : i32
      %add3A_290 = arith.constant 14336 : i32
      %add3A_291 = arith.addi %mul3A_289, %add3A_290 : i32
      "tpu.region"() ({
        %run_scoped3A = tpu.sem_alloc : memref<!tpu.dma_semaphore, #tpu.memory_space<semaphore_mem>>
        %dma_start3A_303 = tpu.memref_slice %arg13[%add3A_291] : memref<917504xf32, #tpu.memory_space<vmem_shared>> -> memref<14336xf32, #tpu.memory_space<vmem_shared>>
        %dma_start3A_304 = tpu.memref_slice %arg13[%add3A_291] : memref<917504xf32, #tpu.memory_space<vmem_shared>> -> memref<14336xf32, #tpu.memory_space<vmem_shared>>
        tpu.enqueue_dma source(%dma_start3A_304 : memref<14336xf32, #tpu.memory_space<vmem_shared>>) target(%arg12 : memref<14336xf32, #tpu.memory_space<vmem>>) target_semaphore(%run_scoped3A : memref<!tpu.dma_semaphore, #tpu.memory_space<semaphore_mem>>)
        %dma_wait3A_305 = tpu.memref_slice %arg13[%add3A_291] : memref<917504xf32, #tpu.memory_space<vmem_shared>> -> memref<14336xf32, #tpu.memory_space<vmem_shared>>
        %dma_wait3A_306 = tpu.memref_slice %arg13[%add3A_291] : memref<917504xf32, #tpu.memory_space<vmem_shared>> -> memref<14336xf32, #tpu.memory_space<vmem_shared>>
        tpu.wait_dma2 semaphore(%run_scoped3A : memref<!tpu.dma_semaphore, #tpu.memory_space<semaphore_mem>>) src(%dma_wait3A_306 : memref<14336xf32, #tpu.memory_space<vmem_shared>>) dst(%arg12 : memref<14336xf32, #tpu.memory_space<vmem>>)
        tpu.yield
      }) : () -> ()
      %add3A_292 = arith.addi %mul3A_14, %add3A_291 : i32
      "tpu.region"() ({
        %run_scoped3A = tpu.sem_alloc : memref<!tpu.dma_semaphore, #tpu.memory_space<semaphore_mem>>
        %dma_start3A_303 = tpu.memref_slice %arg4[%add3A_292] : memref<38535168xf32, #tpu.memory_space<hbm>> -> memref<14336xf32, #tpu.memory_space<hbm>>
        %dma_start3A_304 = tpu.memref_slice %arg4[%add3A_292] : memref<38535168xf32, #tpu.memory_space<hbm>> -> memref<14336xf32, #tpu.memory_space<hbm>>
        tpu.enqueue_dma source(%arg12 : memref<14336xf32, #tpu.memory_space<vmem>>) target(%dma_start3A_304 : memref<14336xf32, #tpu.memory_space<hbm>>) target_semaphore(%run_scoped3A : memref<!tpu.dma_semaphore, #tpu.memory_space<semaphore_mem>>)
        %dma_wait3A_305 = tpu.memref_slice %arg4[%add3A_292] : memref<38535168xf32, #tpu.memory_space<hbm>> -> memref<14336xf32, #tpu.memory_space<hbm>>
        %dma_wait3A_306 = tpu.memref_slice %arg4[%add3A_292] : memref<38535168xf32, #tpu.memory_space<hbm>> -> memref<14336xf32, #tpu.memory_space<hbm>>
        tpu.wait_dma2 semaphore(%run_scoped3A : memref<!tpu.dma_semaphore, #tpu.memory_space<semaphore_mem>>) src(%arg12 : memref<14336xf32, #tpu.memory_space<vmem>>) dst(%dma_wait3A_306 : memref<14336xf32, #tpu.memory_space<hbm>>)
        tpu.yield
      }) : () -> ()
      %mul3A_293 = arith.constant 57344 : i32
      %mul3A_294 = arith.muli %arg1, %mul3A_293 : i32
      %add3A_295 = arith.constant 28672 : i32
      %add3A_296 = arith.addi %mul3A_294, %add3A_295 : i32
      "tpu.region"() ({
        %run_scoped3A = tpu.sem_alloc : memref<!tpu.dma_semaphore, #tpu.memory_space<semaphore_mem>>
        %dma_start3A_303 = tpu.memref_slice %arg13[%add3A_296] : memref<917504xf32, #tpu.memory_space<vmem_shared>> -> memref<14336xf32, #tpu.memory_space<vmem_shared>>
        %dma_start3A_304 = tpu.memref_slice %arg13[%add3A_296] : memref<917504xf32, #tpu.memory_space<vmem_shared>> -> memref<14336xf32, #tpu.memory_space<vmem_shared>>
        tpu.enqueue_dma source(%dma_start3A_304 : memref<14336xf32, #tpu.memory_space<vmem_shared>>) target(%arg12 : memref<14336xf32, #tpu.memory_space<vmem>>) target_semaphore(%run_scoped3A : memref<!tpu.dma_semaphore, #tpu.memory_space<semaphore_mem>>)
        %dma_wait3A_305 = tpu.memref_slice %arg13[%add3A_296] : memref<917504xf32, #tpu.memory_space<vmem_shared>> -> memref<14336xf32, #tpu.memory_space<vmem_shared>>
        %dma_wait3A_306 = tpu.memref_slice %arg13[%add3A_296] : memref<917504xf32, #tpu.memory_space<vmem_shared>> -> memref<14336xf32, #tpu.memory_space<vmem_shared>>
        tpu.wait_dma2 semaphore(%run_scoped3A : memref<!tpu.dma_semaphore, #tpu.memory_space<semaphore_mem>>) src(%dma_wait3A_306 : memref<14336xf32, #tpu.memory_space<vmem_shared>>) dst(%arg12 : memref<14336xf32, #tpu.memory_space<vmem>>)
        tpu.yield
      }) : () -> ()
      %add3A_297 = arith.addi %mul3A_14, %add3A_296 : i32
      "tpu.region"() ({
        %run_scoped3A = tpu.sem_alloc : memref<!tpu.dma_semaphore, #tpu.memory_space<semaphore_mem>>
        %dma_start3A_303 = tpu.memref_slice %arg4[%add3A_297] : memref<38535168xf32, #tpu.memory_space<hbm>> -> memref<14336xf32, #tpu.memory_space<hbm>>
        %dma_start3A_304 = tpu.memref_slice %arg4[%add3A_297] : memref<38535168xf32, #tpu.memory_space<hbm>> -> memref<14336xf32, #tpu.memory_space<hbm>>
        tpu.enqueue_dma source(%arg12 : memref<14336xf32, #tpu.memory_space<vmem>>) target(%dma_start3A_304 : memref<14336xf32, #tpu.memory_space<hbm>>) target_semaphore(%run_scoped3A : memref<!tpu.dma_semaphore, #tpu.memory_space<semaphore_mem>>)
        %dma_wait3A_305 = tpu.memref_slice %arg4[%add3A_297] : memref<38535168xf32, #tpu.memory_space<hbm>> -> memref<14336xf32, #tpu.memory_space<hbm>>
        %dma_wait3A_306 = tpu.memref_slice %arg4[%add3A_297] : memref<38535168xf32, #tpu.memory_space<hbm>> -> memref<14336xf32, #tpu.memory_space<hbm>>
        tpu.wait_dma2 semaphore(%run_scoped3A : memref<!tpu.dma_semaphore, #tpu.memory_space<semaphore_mem>>) src(%arg12 : memref<14336xf32, #tpu.memory_space<vmem>>) dst(%dma_wait3A_306 : memref<14336xf32, #tpu.memory_space<hbm>>)
        tpu.yield
      }) : () -> ()
      %mul3A_298 = arith.constant 57344 : i32
      %mul3A_299 = arith.muli %arg1, %mul3A_298 : i32
      %add3A_300 = arith.constant 43008 : i32
      %add3A_301 = arith.addi %mul3A_299, %add3A_300 : i32
      "tpu.region"() ({
        %run_scoped3A = tpu.sem_alloc : memref<!tpu.dma_semaphore, #tpu.memory_space<semaphore_mem>>
        %dma_start3A_303 = tpu.memref_slice %arg13[%add3A_301] : memref<917504xf32, #tpu.memory_space<vmem_shared>> -> memref<14336xf32, #tpu.memory_space<vmem_shared>>
        %dma_start3A_304 = tpu.memref_slice %arg13[%add3A_301] : memref<917504xf32, #tpu.memory_space<vmem_shared>> -> memref<14336xf32, #tpu.memory_space<vmem_shared>>
        tpu.enqueue_dma source(%dma_start3A_304 : memref<14336xf32, #tpu.memory_space<vmem_shared>>) target(%arg12 : memref<14336xf32, #tpu.memory_space<vmem>>) target_semaphore(%run_scoped3A : memref<!tpu.dma_semaphore, #tpu.memory_space<semaphore_mem>>)
        %dma_wait3A_305 = tpu.memref_slice %arg13[%add3A_301] : memref<917504xf32, #tpu.memory_space<vmem_shared>> -> memref<14336xf32, #tpu.memory_space<vmem_shared>>
        %dma_wait3A_306 = tpu.memref_slice %arg13[%add3A_301] : memref<917504xf32, #tpu.memory_space<vmem_shared>> -> memref<14336xf32, #tpu.memory_space<vmem_shared>>
        tpu.wait_dma2 semaphore(%run_scoped3A : memref<!tpu.dma_semaphore, #tpu.memory_space<semaphore_mem>>) src(%dma_wait3A_306 : memref<14336xf32, #tpu.memory_space<vmem_shared>>) dst(%arg12 : memref<14336xf32, #tpu.memory_space<vmem>>)
        tpu.yield
      }) : () -> ()
      %add3A_302 = arith.addi %mul3A_14, %add3A_301 : i32
      "tpu.region"() ({
        %run_scoped3A = tpu.sem_alloc : memref<!tpu.dma_semaphore, #tpu.memory_space<semaphore_mem>>
        %dma_start3A_303 = tpu.memref_slice %arg4[%add3A_302] : memref<38535168xf32, #tpu.memory_space<hbm>> -> memref<14336xf32, #tpu.memory_space<hbm>>
        %dma_start3A_304 = tpu.memref_slice %arg4[%add3A_302] : memref<38535168xf32, #tpu.memory_space<hbm>> -> memref<14336xf32, #tpu.memory_space<hbm>>
        tpu.enqueue_dma source(%arg12 : memref<14336xf32, #tpu.memory_space<vmem>>) target(%dma_start3A_304 : memref<14336xf32, #tpu.memory_space<hbm>>) target_semaphore(%run_scoped3A : memref<!tpu.dma_semaphore, #tpu.memory_space<semaphore_mem>>)
        %dma_wait3A_305 = tpu.memref_slice %arg4[%add3A_302] : memref<38535168xf32, #tpu.memory_space<hbm>> -> memref<14336xf32, #tpu.memory_space<hbm>>
        %dma_wait3A_306 = tpu.memref_slice %arg4[%add3A_302] : memref<38535168xf32, #tpu.memory_space<hbm>> -> memref<14336xf32, #tpu.memory_space<hbm>>
        tpu.wait_dma2 semaphore(%run_scoped3A : memref<!tpu.dma_semaphore, #tpu.memory_space<semaphore_mem>>) src(%arg12 : memref<14336xf32, #tpu.memory_space<vmem>>) dst(%dma_wait3A_306 : memref<14336xf32, #tpu.memory_space<hbm>>)
        tpu.yield
      }) : () -> ()
    }
    %scan3A_10 = arith.constant 21 : i32
    return
  }
}

</mosaic_0001>

<sc_bundles>
// kernel: kernel.3.cloned.1.call-start
scs
__scs_entry_jumppad:
0x0: {  	(pc) =	sbr.rel $0x88, $3  }
0x1: {  	(tag) =	ssettag $0x0;
	lr =	simm.s32 $0x1  }
0x2: {  	[smem:$0x3F9F] =	sst lr;
	_ =	strace $0xD0000000  }
0x3: {  	_ = 	snop  }
0x4: {  	_ = 	snop  }
0x5: {  	_ = 	snop  }
0x6: {  	_ = 	snop  }
0x7: {  	_ = 	snop  }
__scs_overlays_trampoline_lowered:
0x8: {  	[smem:$0x3FAE] =	sst s0  }
0x9: {  	[smem:$0x3FAF] =	sst s1  }
0xa: {  	[smem:$0x3FB0] =	sst s2  }
0xb: {  	[smem:$0x3FB1] =	sst s3  }
0xc: {  	[smem:$0x3FB2] =	sst s4  }
0xd: {  	[smem:$0x3FB3] =	sst s5  }
0xe: {  	[smem:$0x3FB4] =	sst s6  }
0xf: {  	[smem:$0x3FB5] =	sst s7  }
0x10: {  	[smem:$0x3FB6] =	sst s8  }
0x11: {  	[smem:$0x3FB7] =	sst s9;
	s0 =	simm.s32 @!p0 $0x0  }
0x12: {  	s1 =	sld [smem:$0x3F9D];
	s0 =	simm.s32 @p0 $0x1  }
0x13: {  	[smem:$0x3FB8] =	sst s0;
	s0 =	simm.s32 @!p1 $0x0  }
0x14: {  	s2 =	sld [smem:$0x3F9C];
	s0 =	simm.s32 @p1 $0x1  }
0x15: {  	[smem:$0x3FB9] =	sst s0;
	s0 =	simm.s32 @!p2 $0x0  }
0x16: {  	s3 =	sld [smem:$0x3FDB];
	s0 =	simm.s32 @p2 $0x1  }
0x17: {  	s4 =	simm.s32 $0x1BF5;
	[smem:$0x3FBB] =	sst s0  }
0x18: {  	s0 =	sld [smem:$0x3F9E];
	_ =	swait.ge [sflag:s4], $0x0  }
0x19: {  	s7 =	sld [smem:$0x3F9F]  }
0x1a: {  	s8 =	sadd.s32 $0xFFFFE003, lr  }
0x1b: {  	s9 =	sadd.s32 $0xFFFFFEF7, lr;
	s5 =	simm.s32 $0xFFFFFFFF;
	p2 =	slt.u32 s8, $0xFFFFF086  }
0x1c: {  	p1 =	slt.u32 s9, $0xF7A;
	s5 =	simm.s32 @!p2 $0x0  }
0x1d: {  	s5 =	simm.s32 @p1 $0x1;
	p0 =	seq.s32 s7, s2  }
0x1e: {  	s7 =	smul.u32 @!p0 $0xF7A, s2;
	p2 =	seq.s32 @!p0 s5, $0x0  }
0x1f: {  	s9 =	smul.u32 $0xF7A, s1;
	s8 =	simm.s32 @!p0 $0x1BF5;
	p2 =	por !p2, p0  }
0x20: {  	[sflag:s8] =	ssyncset.s32 @!p0 $0xFFFFF086;
	s6 =	sadd.s32 @!p0 s3, s7;
	s7 =	simm.s32 @!p0 $0x108  }
0x21: {  	s3 =	sadd.s32 s3, s9;
	s6 =	sadd.s32 @!p0 $0x88, s6;
	s7 =	simm.s32 @p2 $0x1082  }
0x22: {  	[simem:s7], [sflag:s8] =	dma.local @!p0 [hbm:s6], $0xF7A  }
0x23: {  	s9 =	sor.u32 $0xD0000000, s2;
	s6 =	simm.s32 $0x108;
	_ =	swait.ge @!p0 [sflag:s8], $0x0  }
0x24: {  	s3 =	sadd.s32 $0x88, s3;
	s6 =	simm.s32 @!p1 $0x1082;
	[sflag:s4] =	ssyncset.s32 $0xFFFFF086  }
0x25: {  	[simem:s6], [sflag:s4] =	dma.local [hbm:s3], $0xF7A  }
0x26: {  	[smem:$0x3F9F] =	sst s1;
	(tag) =	ssettag s2;
	_ =	strace s9  }
0x27: {  	s1 =	sld [smem:$0x3FAF]  }
0x28: {  	s2 =	sld [smem:$0x3FB0]  }
0x29: {  	s4 =	sld [smem:$0x3FB2]  }
0x2a: {  	p0 =	seq.s32 s5, $0x0;
	s5 =	sld [smem:$0x3FB3]  }
0x2b: {  	s6 =	sld [smem:$0x3FB4]  }
0x2c: {  	s7 =	sld [smem:$0x3FB5]  }
0x2d: {  	s3 =	simm.s32 $0x108;
	s8 =	sld [smem:$0x3FB6]  }
0x2e: {  	s3 =	simm.s32 @!p0 $0x1082;
	s9 =	sld [smem:$0x3FB7]  }
0x2f: {  	lr =	sadd.s32 s0, s3;
	s0 =	sld [smem:$0x3FAE]  }
0x30: {  	s3 =	sld [smem:$0x3FB1]  }
0x31: {  	[smem:$0x3FBA] =	sst s10  }
0x32: {  	s10 =	sld [smem:$0x3FB8];
	_ =	sdelay $0x3  }
0x33: {  	p0 =	seq.s32 s10, $0x1;
	s10 =	sld [smem:$0x3FBA];
	_ =	sdelay $0x3  }
0x34: {  	[smem:$0x3FBA] =	sst s10  }
0x35: {  	s10 =	sld [smem:$0x3FB9];
	_ =	sdelay $0x3  }
0x36: {  	p1 =	seq.s32 s10, $0x1;
	s10 =	sld [smem:$0x3FBA];
	_ =	sdelay $0x3  }
0x37: {  	[smem:$0x3FBA] =	sst s10  }
0x38: {  	s10 =	sld [smem:$0x3FBB]  }
0x39: {  	_ = 	snop;
	(pc) =	sbr.ind lr, $3  }
0x3a: {  	_ = 	snop  }
0x3b: {  	_ = 	snop  }
0x3c: {  	p2 =	seq.s32 s10, $0x1;
	s10 =	sld [smem:$0x3FBA]  }
0x3d: {  	_ =	shalt  }
0x3e: {  	_ =	shalt  }
0x3f: {  	_ =	shalt  }
0x40: {  	_ =	shalt  }
0x41: {  	_ =	shalt  }
0x42: {  	_ =	shalt  }
0x43: {  	_ =	shalt  }
0x44: {  	_ =	shalt  }
0x45: {  	_ =	shalt  }
0x46: {  	_ =	shalt  }
0x47: {  	_ =	shalt  }
0x48: {  	_ =	shalt  }
0x49: {  	_ =	shalt  }
0x4a: {  	_ =	shalt  }
0x4b: {  	_ =	shalt  }
0x4c: {  	_ =	shalt  }
0x4d: {  	_ =	shalt  }
0x4e: {  	_ =	shalt  }
0x4f: {  	_ =	shalt  }
0x50: {  	_ =	shalt  }
0x51: {  	_ =	shalt  }
0x52: {  	_ =	shalt  }
0x53: {  	_ =	shalt  }
0x54: {  	_ =	shalt  }
0x55: {  	_ =	shalt  }
0x56: {  	_ =	shalt  }
0x57: {  	_ =	shalt  }
0x58: {  	_ =	shalt  }
0x59: {  	_ =	shalt  }
0x5a: {  	_ =	shalt  }
0x5b: {  	_ =	shalt  }
0x5c: {  	_ =	shalt  }
0x5d: {  	_ =	shalt  }
0x5e: {  	_ =	shalt  }
0x5f: {  	_ =	shalt  }
0x60: {  	_ =	shalt  }
0x61: {  	_ =	shalt  }
0x62: {  	_ =	shalt  }
0x63: {  	_ =	shalt  }
0x64: {  	_ =	shalt  }
0x65: {  	_ =	shalt  }
0x66: {  	_ =	shalt  }
0x67: {  	_ =	shalt  }
0x68: {  	_ =	shalt  }
0x69: {  	_ =	shalt  }
0x6a: {  	_ =	shalt  }
0x6b: {  	_ =	shalt  }
0x6c: {  	_ =	shalt  }
0x6d: {  	_ =	shalt  }
0x6e: {  	_ =	shalt  }
0x6f: {  	_ =	shalt  }
0x70: {  	_ =	shalt  }
0x71: {  	_ =	shalt  }
0x72: {  	_ =	shalt  }
0x73: {  	_ =	shalt  }
0x74: {  	_ =	shalt  }
0x75: {  	_ =	shalt  }
0x76: {  	_ =	shalt  }
0x77: {  	_ =	shalt  }
0x78: {  	_ =	shalt  }
0x79: {  	_ =	shalt  }
0x7a: {  	_ =	shalt  }
0x7b: {  	_ =	shalt  }
0x7c: {  	_ =	shalt  }
0x7d: {  	_ =	shalt  }
0x7e: {  	_ =	shalt  }
0x7f: {  	_ =	shalt  }
0x80: {  	_ =	shalt  }
0x81: {  	_ =	shalt  }
0x82: {  	_ =	shalt  }
0x83: {  	_ =	shalt  }
0x84: {  	_ =	shalt  }
0x85: {  	_ =	shalt  }
0x86: {  	_ =	shalt  }
0x87: {  	_ =	shalt  }
.Lfunc_end0:
.L_simem_size_0:
called_computation.1_lowered:
.L_overlay_start_0:
0x88: {  	s2 =	sld [smem:$0x3FD9]  }
0x89: {  	s3 =	sld [smem:$0x3FFE];
	_ =	sdelay $0x1  }
0x8a: {  	s1 =	srdreg.scid  }
0x8b: {  	s0 =	sand.u32 $0x1, s1  }
0x8c: {  	s17 =	sshll.u32 s0, $0xA;
	s2 =	sadd.s32 s3, s2  }
0x8d: {  	s2 =	sadd.s32 s2, s17  }
0x8e: {  	[smem:$0x3FC6] =	sst s2  }
0x8f: {  	_ = 	snop  }
0x90: {  	s2 =	sld [smem:$0x3FD0];
	(tm) =	ssettm $0x1  }
0x91: {  	s18 =	sld [smem:$0x3FFB];
	_ =	sdelay $0x3  }
0x92: {  	_ =	strace s18  }
0x93: {  	s3 =	sld [smem:$0x3FFC];
	_ =	sdelay $0x3  }
0x94: {  	_ =	strace s3  }
0x95: {  	s3 =	sld [smem:$0x3FFD];
	_ =	sdelay $0x3  }
0x96: {  	_ =	strace s3  }
0x97: {  	_ =	strace $0x8FFFFFFF  }
0x98: {  	s19 =	sld [smem:$0x3FDB];
	_ =	sdelay $0x1  }
0x99: {  	s4 =	simm.s32 $_scs_section_size  }
0x9a: {  	s5 =	simm.s32 $_size__tile_overlayer_lowered;
	s6 =	simm.s32 $_tile_overlayer_lowered  }
0x9b: {  	s22 =	simm.s32 $0x1BFF;
	s21 =	sshll.u32 s6, $0x1;
	s3 =	sadd.s32 s4, s19  }
0x9c: {  	s7 =	simm.s32 $0x0;
	s20 =	sshll.u32 s5, $0x1;
	s5 =	sadd.s32 s21, s3  }
0x9d: {  	[timem:s7], [sflag:s22] =	dma.local [hbm:s5], s20  }
0x9e: {  	_ =	swait.ge [sflag:s22], s20  }
0x9f: {  	s4 =	ssub.s32 $0x0, s20;
	[sflag:s22] =	ssyncset.done $0x0  }
0xa0: {  	[sflag:s22] =	ssyncadd.s32 s4;
	_ =	sdelay $0x1  }
0xa1: {  	s23 =	simm.s32 $0x1B8B  }
0xa2: {  	_ =	swait.ge [sflag:s23], $0x1  }
0xa3: {  	[sflag:s23] =	ssyncset.done $0x0  }
0xa4: {  	s25 =	simm.s32 $0x1B8E;
	s24 =	sld [smem:$0x3FFE];
	[sflag:s23] =	ssyncadd.s32 $0xFFFFFFFF  }
0xa5: {  	s26 =	simm.s32 $execute0_lowered;
	[smem:$0x3FD2] =	sst s25  }
0xa6: {  	s5 =	sshll.u32 s26, $0x1;
	_ =	strace $0x80000046;
	[dreg:$0x1] =	wrdreg $0xFFFFFFFF  }
0xa7: {  	s28 =	simm.s32 $_size_execute0_lowered;
	s3 =	sadd.s32 s3, s5;
	[dreg:$0x0] =	wrdreg $0x0  }
0xa8: {  	s5 =	sshll.u32 s28, $0x1;
	[dreg:$0x2] =	wrdreg s3  }
0xa9: {  	[dreg:$0x3] =	wrdreg s5  }
0xaa: {  	[dreg:$0x4] =	wrdreg $0xC0  }
0xab: {  	_ =	task [dreg:s7], $0x5FFFF  }
0xac: {  	[dreg:$0x1] =	wrdreg $0xFFFFFFFF  }
0xad: {  	[dreg:$0x0] =	wrdreg $0x60  }
0xae: {  	[dreg:$0x2] =	wrdreg s24  }
0xaf: {  	[dreg:$0x3] =	wrdreg s2  }
0xb0: {  	[dreg:$0x4] =	wrdreg $0x102000  }
0xb1: {  	[dreg:$0x5] =	wrdreg $0x9  }
0xb2: {  	_ =	task.clear_ibuf [dreg:s7], $0x6FFFF;
	_ =	strace $0x90000046  }
0xb3: {  	s29 =	simm.s32 $0x9;
	_ =	strace $0x80000048  }
0xb4: {  	_ =	swait.ge [sflag:s29], $0x1  }
0xb5: {  	[sflag:s29] =	ssyncadd.s32 $0xFFFFFFFF  }
0xb6: {  	_ =	strace $0x90000048  }
0xb7: {  	_ =	sfence  }
0xb8: {  	s30 =	sld [smem:$0x0];
	_ =	sdelay $0x2  }
0xb9: {  	s31 =	sshll.u32 s1, $0xD;
	s1 =	sshrl.u32 s1, $0x2  }
0xba: {  	s3 =	sand.u32 $0x4000, s31;
	s1 =	sadd.s32 s1, s30  }
0xbb: {  	s0 =	sor.u32 s3, s0;
	s1 =	sshll.u32 s1, $0x11  }
0xbc: {  	s0 =	sor.u32 s1, s0  }
0xbd: {  	s0 =	sadd.s32 $0x8F2B, s0  }
0xbe: {  	[sflag:s0] =	ssyncadd.remote.s32 $0x1  }
0xbf: {  	_ =	sfence.sel $0xFFFF  }
0xc0: {  	[dreg:$0x0] =	wrdreg $0xFFFFFFFF;
	(pc) =	sbr.abs _section_cstart, $3  }
0xc1: {  	[dreg:$0x1] =	wrdreg $0xFFFFFFFF  }
0xc2: {  	_ =	task.clear_ibuf [dreg:s7], $0x2FFFF;
	_ =	strace $0x9FFFFFFF  }
0xc3: {  	(tm) =	ssettm $0x7FFFFFFF  }
tec
execute0_lowered:
.L_overlay_start_1:
0x0: {  	(tag) =	ssettag $0x1  }
0x1: {  	s0 =	rddreg [dreg:$0x0]  }
0x2: {  	s1 =	rddreg [dreg:$0x1]  }
0x3: {  	s2 =	rddreg [dreg:$0x2];
	s4 =	simm.s32 $0x0  }
0x4: {  	s3 =	srdreg.scid;
	s8 =	stileid.u32;
	s28 =	simm.s32 $0x4800  }
0x5: {  	s29 =	simm.s32 $0x1;
	s30 =	simm.s32 $0x80;
	s31 =	simm.s32 $0x4  }
0x6: {  	[smem:$0x7FF] =	sst s4;
	s3 =	sand.u32 $0x1, s3;
	s9 =	smul.u32 $0xE000, s8  }
0x7: {  	s6 =	sadd.s32 $0x126800, s0;
	s7 =	sadd.s32 $0x800, s0;
	s17 =	smul.u32 $0x93000, s8  }
0x8: {  	s8 =	simm.s32 $0x0;
	_ =	strace $0x80000047;
	s5 =	ssub.s32 $0x2, s3  }
0x9: {  	s3 =	smul.u32 $0x15, s3;
	s16 =	sshrl.u32 s5, $0x1;
	s11 =	sadd.s32 $0x3800, s9  }
0xa: {  	s10 =	sadd.s32 s9, s2;
	s21 =	sadd.s32 $0x7000, s9;
	[dreg:$0x6] =	wrdreg s9  }
0xb: {  	s9 =	sadd.s32 $0xA800, s9;
	s22 =	sshrl.u32 s17, $0x3;
	[dreg:$0x4] =	wrdreg s3  }
0xc: {  	s20 =	sadd.s32 $0x3000, s17;
	s0 =	ssub.s32 s5, s16;
	[dreg:$0x5] =	wrdreg s11  }
0xd: {  	s11 =	sadd.s32 s11, s2;
	s19 =	smov.u32 s21;
	s14 =	sadd.s32 s21, s2  }
0xe: {  	s18 =	smov.u32 s9;
	s15 =	sadd.s32 s9, s2;
	s23 =	sadd.s32 $0x300, s22  }
0xf: {  	s24 =	sadd.s32 s6, s22;
	s3 =	sadd.s32 s7, s22;
	s21 =	sadd.s32 $0x4800, s17  }
.Ltmp0:
0x10: {  	s22 =	simm.s32 $0x0;
	[dreg:$0x7] =	wrdreg s24;
	(pc) =	sbr.rel .LBB2_1-.Ltmp0, $4  }
0x11: {  	[dreg:$0x8] =	wrdreg s3;
	s25 =	sadd.s32 s6, s23;
	s26 =	sadd.s32 s7, s23  }
0x12: {  	s0 =	smax.u32 s0, $0x1;
	s23 =	simm.s32 $0x9200;
	[dreg:$0x9] =	wrdreg s25  }
0x13: {  	vm0 =	vmmov $0xffff;
	s24 =	simm.s32 $0x3;
	s3 =	simm.s32 $0xCA00;
	[dreg:$0xa] =	wrdreg s26  }
0x14: {  	v0 =	vimm.f32 $0.0e+00;
	v1 =	vimm.s32 $0x0;
	v2 =	vmpcnt.ones.xlane vm0;
	[dreg:$0xb] =	wrdreg s0;
	s26 =	simm.s32 $0x3000;
	s0 =	simm.s32 $0x2  }
.LBB2_24:
0x15: {  	s8 =	rddreg [dreg:$0xc]  }
0x16: {  	s5 =	rddreg [dreg:$0xb];
	s8 =	sadd.s32 $0x1, s8  }
0x17: {  	p0 =	sne.s32 s8, s5  }
.Ltmp1:
0x18: {  	_ = 	snop;
	(pc) =	sbr.rel @!p0 .LBB2_25-.Ltmp1, $1  }
0x19: {  	_ =	sdelay $0x3  }
.LBB2_1:
0x1a: {  	[dreg:$0xc] =	wrdreg s8;
	s5 =	simm.s32 $0x40;
	s8 =	simm.s32 $0x0  }
.LBB2_2:
0x1b: {  	p0 =	sne.s32 s5, $0xDFC0;
	[tilespmem:s8+$0x9200] =	vst v0;
	s8 =	smov.u32 s5;
	s5 =	sadd.s32 $0x40, s5  }
.Ltmp2:
0x1c: {  	(pc) =	sbr.rel @p0 .LBB2_2-.Ltmp2, $2  }
0x1d: {  	_ =	sdelay $0x2  }
0x1e: {  	s8 =	sshra.s32 s8, $0x2  }
.Ltmp3:
0x1f: {  	(pc) =	sbr.rel .LBB2_4-.Ltmp3, $2  }
0x20: {  	_ =	sdelay $0x2  }
0x21: {  	[tilespmem:s8+$0x9200] =	vst v0;
	s25 =	simm.s32 $0x0  }
.LBB2_22:
0x22: {  	[sflag:s31] =	ssyncadd.s32 $0xFFFFFF80  }
.LBB2_23:
0x23: {  	s8 =	sand.u32 $0xFFFFFF80, s8  }
0x24: {  	v3 =	vld [tilespmem:s8+$0x6000];
	_ =	sdelay $0x4  }
0x25: {  	[tilespmem:$0x6000] =	vst v3  }
0x26: {  	v3 =	vld [tilespmem:s8+$0x7900];
	_ =	sdelay $0x4  }
0x27: {  	[tilespmem:$0x7900] =	vst v3  }
0x28: {  	v3 =	vld [tilespmem:s8+$0x6010];
	_ =	sdelay $0x4  }
0x29: {  	[tilespmem:$0x6010] =	vst v3  }
0x2a: {  	v3 =	vld [tilespmem:s8+$0x7910];
	_ =	sdelay $0x4  }
0x2b: {  	[tilespmem:$0x7910] =	vst v3  }
0x2c: {  	v3 =	vld [tilespmem:s8+$0x6020];
	_ =	sdelay $0x4  }
0x2d: {  	[tilespmem:$0x6020] =	vst v3  }
0x2e: {  	v3 =	vld [tilespmem:s8+$0x7920];
	_ =	sdelay $0x4  }
0x2f: {  	[tilespmem:$0x7920] =	vst v3  }
0x30: {  	v3 =	vld [tilespmem:s8+$0x6030];
	_ =	sdelay $0x4  }
0x31: {  	[tilespmem:$0x6030] =	vst v3  }
0x32: {  	v3 =	vld [tilespmem:s8+$0x7930];
	_ =	sdelay $0x4  }
0x33: {  	[tilespmem:$0x7930] =	vst v3  }
0x34: {  	v3 =	vld [tilespmem:s8+$0x6040];
	_ =	sdelay $0x4  }
0x35: {  	[tilespmem:$0x6040] =	vst v3  }
0x36: {  	v3 =	vld [tilespmem:s8+$0x7940];
	_ =	sdelay $0x4  }
0x37: {  	[tilespmem:$0x7940] =	vst v3  }
0x38: {  	v3 =	vld [tilespmem:s8+$0x6050];
	_ =	sdelay $0x4  }
0x39: {  	[tilespmem:$0x6050] =	vst v3  }
0x3a: {  	v3 =	vld [tilespmem:s8+$0x7950];
	_ =	sdelay $0x4  }
0x3b: {  	[tilespmem:$0x7950] =	vst v3  }
0x3c: {  	v3 =	vld [tilespmem:s8+$0x6060];
	_ =	sdelay $0x4  }
0x3d: {  	[tilespmem:$0x6060] =	vst v3  }
0x3e: {  	v3 =	vld [tilespmem:s8+$0x7960];
	_ =	sdelay $0x4  }
0x3f: {  	[tilespmem:$0x7960] =	vst v3  }
0x40: {  	v3 =	vld [tilespmem:s8+$0x6070];
	_ =	sdelay $0x4  }
0x41: {  	[tilespmem:$0x6070] =	vst v3  }
0x42: {  	v3 =	vld [tilespmem:s8+$0x7970];
	_ =	sdelay $0x4  }
0x43: {  	[tilespmem:$0x7970] =	vst v3  }
0x44: {  	[bflag:$0x0] =	sbarrier.arrive $0xFFFF  }
0x45: {  	[tilespmem:s3], [sflag:$0x4] =	stream.linear.gather [spmem:s10], $0x3800, $0x38;
	[tilespmem:$0x1E200] =	vst v63  }
0x46: {  	_ =	swait.ge [sflag:s31], $0x3800  }
0x47: {  	s12 =	rddreg [dreg:$0x6]  }
0x48: {  	s8 =	sadd.s32 s12, s5  }
0x49: {  	[sflag:s31] =	ssyncset.done $0x0;
	s8 =	sshrl.u32 s8, $0x3  }
0x4a: {  	[sflag:s31] =	ssyncadd.s32 $0xFFFFC800;
	s8 =	sadd.s32 s1, s8  }
0x4b: {  	[hbm4b:s8+s4] =	stream.linear.scatter [tilespmem:s3], [sflag:$0x4], $0x3800, $0x38;
	[tilespmem:$0x1E200] =	vst v63  }
0x4c: {  	_ =	swait.ge [sflag:s31], $0x3800  }
0x4d: {  	[sflag:s31] =	ssyncset.done $0x0  }
0x4e: {  	[sflag:s31] =	ssyncadd.s32 $0xFFFFC800  }
0x4f: {  	[tilespmem:s3], [sflag:$0x4] =	stream.linear.gather [spmem:s11], $0x3800, $0x38;
	[tilespmem:$0x1E200] =	vst v63  }
0x50: {  	_ =	swait.ge [sflag:s31], $0x3800  }
0x51: {  	s13 =	rddreg [dreg:$0x5]  }
0x52: {  	s8 =	sadd.s32 s13, s5  }
0x53: {  	[sflag:s31] =	ssyncset.done $0x0;
	s8 =	sshrl.u32 s8, $0x3  }
0x54: {  	[sflag:s31] =	ssyncadd.s32 $0xFFFFC800;
	s8 =	sadd.s32 s1, s8  }
0x55: {  	[hbm4b:s8+s4] =	stream.linear.scatter [tilespmem:s3], [sflag:$0x4], $0x3800, $0x38;
	[tilespmem:$0x1E200] =	vst v63  }
0x56: {  	_ =	swait.ge [sflag:s31], $0x3800  }
0x57: {  	[sflag:s31] =	ssyncset.done $0x0  }
0x58: {  	[sflag:s31] =	ssyncadd.s32 $0xFFFFC800  }
0x59: {  	[tilespmem:s3], [sflag:$0x4] =	stream.linear.gather [spmem:s14], $0x3800, $0x38;
	[tilespmem:$0x1E200] =	vst v63  }
0x5a: {  	s16 =	sadd.s32 s19, s5;
	_ =	swait.ge [sflag:s31], $0x3800  }
0x5b: {  	s8 =	sshrl.u32 s16, $0x3;
	[sflag:s31] =	ssyncset.done $0x0  }
0x5c: {  	s8 =	sadd.s32 s1, s8;
	[sflag:s31] =	ssyncadd.s32 $0xFFFFC800  }
0x5d: {  	[hbm4b:s8+s4] =	stream.linear.scatter [tilespmem:s3], [sflag:$0x4], $0x3800, $0x38;
	[tilespmem:$0x1E200] =	vst v63  }
0x5e: {  	_ =	swait.ge [sflag:s31], $0x3800  }
0x5f: {  	[sflag:s31] =	ssyncset.done $0x0  }
0x60: {  	[sflag:s31] =	ssyncadd.s32 $0xFFFFC800  }
0x61: {  	[tilespmem:s3], [sflag:$0x4] =	stream.linear.gather [spmem:s15], $0x3800, $0x38;
	[tilespmem:$0x1E200] =	vst v63  }
0x62: {  	s17 =	sadd.s32 s18, s5;
	s25 =	sadd.s32 $0x1, s25;
	_ =	swait.ge [sflag:s31], $0x3800  }
0x63: {  	p0 =	sne.s32 s25, $0x15;
	s5 =	sshrl.u32 s17, $0x3;
	[sflag:s31] =	ssyncset.done $0x0  }
.Ltmp4:
0x64: {  	s5 =	sadd.s32 s1, s5;
	[sflag:s31] =	ssyncadd.s32 $0xFFFFC800;
	(pc) =	sbr.rel @!p0 .LBB2_24-.Ltmp4, $4  }
0x65: {  	[hbm4b:s5+s4] =	stream.linear.scatter [tilespmem:s3], [sflag:$0x4], $0x3800, $0x38;
	[tilespmem:$0x1E200] =	vst v63  }
0x66: {  	_ =	swait.ge [sflag:s31], $0x3800  }
0x67: {  	[sflag:s31] =	ssyncset.done $0x0  }
0x68: {  	[sflag:s31] =	ssyncadd.s32 $0xFFFFC800  }
.LBB2_4:
0x69: {  	[spmem:s10] =	stream.linear.scatter [tilespmem:s23], [sflag:$0x3], $0x3800, $0x38;
	[tilespmem:$0x1E200] =	vst v63  }
0x6a: {  	_ = 	snop  }
0x6b: {  	[spmem:s11] =	stream.linear.scatter [tilespmem:s23], [sflag:$0x3], $0x3800, $0x38;
	[tilespmem:$0x1E200] =	vst v63  }
0x6c: {  	_ = 	snop  }
0x6d: {  	[spmem:s14] =	stream.linear.scatter [tilespmem:s23], [sflag:$0x3], $0x3800, $0x38;
	[tilespmem:$0x1E200] =	vst v63  }
0x6e: {  	_ = 	snop  }
0x6f: {  	[spmem:s15] =	stream.linear.scatter [tilespmem:s23], [sflag:$0x3], $0x3800, $0x38;
	[tilespmem:$0x1E200] =	vst v63  }
0x70: {  	_ =	swait.ge [sflag:s24], $0x3800  }
0x71: {  	[sflag:s24] =	ssyncset.done $0x0  }
0x72: {  	[sflag:s24] =	ssyncadd.s32 $0xFFFFC800  }
0x73: {  	_ =	swait.ge [sflag:s24], $0x3800  }
0x74: {  	[sflag:s24] =	ssyncset.done $0x0  }
0x75: {  	[sflag:s24] =	ssyncadd.s32 $0xFFFFC800  }
0x76: {  	_ =	swait.ge [sflag:s24], $0x3800  }
0x77: {  	[sflag:s24] =	ssyncset.done $0x0  }
0x78: {  	[sflag:s24] =	ssyncadd.s32 $0xFFFFC800  }
0x79: {  	_ =	swait.ge [sflag:s24], $0x3800  }
0x7a: {  	[sflag:s24] =	ssyncset.done $0x0  }
0x7b: {  	[sflag:s24] =	ssyncadd.s32 $0xFFFFC800  }
0x7c: {  	[bflag:$0x0] =	sbarrier.arrive $0xFFFF  }
0x7d: {  	s5 =	rddreg [dreg:$0x7]  }
0x7e: {  	s9 =	rddreg [dreg:$0x8]  }
0x7f: {  	s12 =	rddreg [dreg:$0x4]  }
0x80: {  	[tilespmem:s22], [sflag:$0x1] =	stream.linear.gather [hbm4b:s5+s22], $0x1800, $0x38;
	[tilespmem:$0x1E200] =	vst v63  }
0x81: {  	s8 =	simm.s32 $0x1800;
	s13 =	rddreg [dreg:$0x9];
	s5 =	sadd.s32 s12, s25  }
0x82: {  	[tilespmem:s8], [sflag:$0x1] =	stream.linear.gather [hbm4b:s9+s22], $0x1800, $0x38;
	[tilespmem:$0x1E200] =	vst v63  }
0x83: {  	s16 =	rddreg [dreg:$0xa];
	s5 =	smul.u32 $0xE0000, s5  }
0x84: {  	[tilespmem:s26], [sflag:$0x2] =	stream.linear.gather [hbm4b:s13+s22], $0x1800, $0x38;
	[tilespmem:$0x1E200] =	vst v63  }
0x85: {  	s12 =	simm.s32 $0x0;
	s8 =	simm.s32 $0x0;
	s17 =	sadd.s32 $0xE0000, s5  }
0x86: {  	v3 =	vmov s5;
	v4 =	vmov s17;
	[tilespmem:s28], [sflag:$0x2] =	stream.linear.gather [hbm4b:s16+s22], $0x1800, $0x38;
	[tilespmem:$0x1E200] =	vst v63  }
.LBB2_5:
0x87: {  	_ =	swait.ge [sflag:s29], $0x1800  }
0x88: {  	[sflag:s29] =	ssyncset.done $0x0  }
0x89: {  	[sflag:s29] =	ssyncadd.s32 $0xFFFFE800  }
0x8a: {  	_ =	swait.ge [sflag:s29], $0x1800  }
0x8b: {  	[sflag:s29] =	ssyncset.done $0x0  }
0x8c: {  	s9 =	simm.s32 $0x0;
	[sflag:s29] =	ssyncadd.s32 $0xFFFFE800  }
0x8d: {  	v5 =	vld [tilespmem:s9+$0x0];
	_ =	sdelay $0x2  }
0x8e: {  	v6 =	vld [tilespmem:s9+$0x1800];
	_ =	sdelay $0x1  }
0x8f: {  	vm0 =	vge.s32 v5, v3;
	vm1 =	vlt.s32 v5, v4  }
0x90: {  	v5 =	vsub.s32 v5, v3;
	vm0 =	vmand vm0, vm1  }
0x91: {  	[tilespmem:s12+$0x6000] =	vst.msk vm0, v5;
	v5 =	vmpcnt.ones.xlane vm0  }
0x92: {  	[tilespmem:s12+$0x7900] =	vst.msk vm0, v6  }
0x93: {  	v6 =	vld [tilespmem:s9+$0x10];
	(v2sf) =	vpush v5, $0x0;
	_ =	sdelay $0x4  }
0x94: {  	vm0 =	vge.s32 v6, v3;
	vm1 =	vlt.s32 v6, v4  }
0x95: {  	vm0 =	vmand vm0, vm1  }
0x96: {  	v5 =	vmpcnt.ones.xlane vm0;
	_ =	sdelay $0x1  }
0x97: {  	(v2sf) =	vpush v5, $0x0;
	_ =	sdelay $0x3  }
0x98: {  	v5 =	vld [tilespmem:s9+$0x1810];
	_ =	sdelay $0x1  }
0x99: {  	s13 =	spop (v2sf)  }
0x9a: {  	v6 =	vsub.s32 v6, v3;
	s13 =	sadd.s32 s12, s13  }
0x9b: {  	[tilespmem:s13+$0x6000] =	vst.msk vm0, v6  }
0x9c: {  	[tilespmem:s13+$0x7900] =	vst.msk vm0, v5  }
0x9d: {  	v5 =	vld [tilespmem:s9+$0x20];
	_ =	sdelay $0x2  }
0x9e: {  	v6 =	vld [tilespmem:s9+$0x1820];
	_ =	sdelay $0x1  }
0x9f: {  	vm0 =	vge.s32 v5, v3;
	vm1 =	vlt.s32 v5, v4;
	s16 =	spop (v2sf)  }
0xa0: {  	v5 =	vsub.s32 v5, v3;
	s12 =	sadd.s32 s13, s16;
	vm0 =	vmand vm0, vm1  }
0xa1: {  	[tilespmem:s12+$0x6000] =	vst.msk vm0, v5;
	v5 =	vmpcnt.ones.xlane vm0  }
0xa2: {  	[tilespmem:s12+$0x7900] =	vst.msk vm0, v6  }
0xa3: {  	v6 =	vld [tilespmem:s9+$0x30];
	(v2sf) =	vpush v5, $0x0;
	_ =	sdelay $0x4  }
0xa4: {  	vm0 =	vge.s32 v6, v3;
	vm1 =	vlt.s32 v6, v4  }
0xa5: {  	vm0 =	vmand vm0, vm1  }
0xa6: {  	v5 =	vmpcnt.ones.xlane vm0;
	_ =	sdelay $0x1  }
0xa7: {  	(v2sf) =	vpush v5, $0x0;
	_ =	sdelay $0x3  }
0xa8: {  	v5 =	vld [tilespmem:s9+$0x1830];
	_ =	sdelay $0x1  }
0xa9: {  	s17 =	spop (v2sf)  }
0xaa: {  	v6 =	vsub.s32 v6, v3;
	s12 =	sadd.s32 s12, s17  }
0xab: {  	[tilespmem:s12+$0x6000] =	vst.msk vm0, v6  }
0xac: {  	[tilespmem:s12+$0x7900] =	vst.msk vm0, v5  }
0xad: {  	v5 =	vld [tilespmem:s9+$0x40];
	_ =	sdelay $0x2  }
0xae: {  	v6 =	vld [tilespmem:s9+$0x1840];
	_ =	sdelay $0x1  }
0xaf: {  	vm0 =	vge.s32 v5, v3;
	vm1 =	vlt.s32 v5, v4;
	s16 =	spop (v2sf)  }
0xb0: {  	v5 =	vsub.s32 v5, v3;
	s12 =	sadd.s32 s12, s16;
	vm0 =	vmand vm0, vm1  }
0xb1: {  	[tilespmem:s12+$0x6000] =	vst.msk vm0, v5;
	v5 =	vmpcnt.ones.xlane vm0  }
0xb2: {  	[tilespmem:s12+$0x7900] =	vst.msk vm0, v6  }
0xb3: {  	v6 =	vld [tilespmem:s9+$0x50];
	(v2sf) =	vpush v5, $0x0;
	_ =	sdelay $0x4  }
0xb4: {  	vm0 =	vge.s32 v6, v3;
	vm1 =	vlt.s32 v6, v4  }
0xb5: {  	vm0 =	vmand vm0, vm1  }
0xb6: {  	v5 =	vmpcnt.ones.xlane vm0;
	_ =	sdelay $0x1  }
0xb7: {  	(v2sf) =	vpush v5, $0x0;
	_ =	sdelay $0x3  }
0xb8: {  	v5 =	vld [tilespmem:s9+$0x1850];
	_ =	sdelay $0x1  }
0xb9: {  	s17 =	spop (v2sf)  }
0xba: {  	v6 =	vsub.s32 v6, v3;
	s12 =	sadd.s32 s12, s17  }
0xbb: {  	[tilespmem:s12+$0x6000] =	vst.msk vm0, v6  }
0xbc: {  	[tilespmem:s12+$0x7900] =	vst.msk vm0, v5  }
0xbd: {  	v5 =	vld [tilespmem:s9+$0x60];
	_ =	sdelay $0x2  }
0xbe: {  	v6 =	vld [tilespmem:s9+$0x1860];
	_ =	sdelay $0x1  }
0xbf: {  	vm0 =	vge.s32 v5, v3;
	vm1 =	vlt.s32 v5, v4;
	s16 =	spop (v2sf)  }
0xc0: {  	v5 =	vsub.s32 v5, v3;
	s12 =	sadd.s32 s12, s16;
	vm0 =	vmand vm0, vm1  }
0xc1: {  	[tilespmem:s12+$0x6000] =	vst.msk vm0, v5;
	v5 =	vmpcnt.ones.xlane vm0  }
0xc2: {  	[tilespmem:s12+$0x7900] =	vst.msk vm0, v6  }
0xc3: {  	v6 =	vld [tilespmem:s9+$0x70];
	(v2sf) =	vpush v5, $0x0;
	_ =	sdelay $0x4  }
0xc4: {  	vm0 =	vge.s32 v6, v3;
	vm1 =	vlt.s32 v6, v4  }
0xc5: {  	vm0 =	vmand vm0, vm1  }
0xc6: {  	v5 =	vmpcnt.ones.xlane vm0;
	_ =	sdelay $0x1  }
0xc7: {  	(v2sf) =	vpush v5, $0x0;
	_ =	sdelay $0x3  }
0xc8: {  	v5 =	vld [tilespmem:s9+$0x1870];
	_ =	sdelay $0x1  }
0xc9: {  	s17 =	spop (v2sf)  }
0xca: {  	v6 =	vsub.s32 v6, v3;
	s16 =	sadd.s32 s12, s17  }
0xcb: {  	[tilespmem:s16+$0x6000] =	vst.msk vm0, v6  }
0xcc: {  	s9 =	simm.s32 $0x80;
	[tilespmem:s16+$0x7900] =	vst.msk vm0, v5  }
0xcd: {  	v6 =	vld [tilespmem:s9+$0x0];
	_ =	sdelay $0x3  }
0xce: {  	v5 =	vld [tilespmem:s9+$0x1800]  }
0xcf: {  	s12 =	simm.s32 $0x400;
	vm0 =	vge.s32 v6, v3;
	vm1 =	vlt.s32 v6, v4;
	v6 =	vsub.s32 v6, v3;
	s13 =	spop (v2sf)  }
.LBB2_6:
0xd0: {  	p0 =	sne.s32 s12, $0x5E00  }
0xd1: {  	vm0 =	vmand vm0, vm1;
	s16 =	sadd.s32 s16, s13;
	s13 =	smov.u32 s12;
	s12 =	sadd.s32 $0x200, s12  }
0xd2: {  	[tilespmem:s16+$0x6000] =	vst.msk vm0, v6;
	v6 =	vmpcnt.ones.xlane vm0  }
0xd3: {  	[tilespmem:s16+$0x7900] =	vst.msk vm0, v5  }
0xd4: {  	v5 =	vld [tilespmem:s9+$0x10];
	(v2sf) =	vpush v6, $0x0;
	_ =	sdelay $0x4  }
0xd5: {  	vm0 =	vge.s32 v5, v3;
	vm1 =	vlt.s32 v5, v4  }
0xd6: {  	vm0 =	vmand vm0, vm1  }
0xd7: {  	v6 =	vmpcnt.ones.xlane vm0;
	_ =	sdelay $0x1  }
0xd8: {  	(v2sf) =	vpush v6, $0x0;
	_ =	sdelay $0x3  }
0xd9: {  	v6 =	vld [tilespmem:s9+$0x1810];
	_ =	sdelay $0x1  }
0xda: {  	s17 =	spop (v2sf)  }
0xdb: {  	v5 =	vsub.s32 v5, v3;
	s16 =	sadd.s32 s16, s17  }
0xdc: {  	[tilespmem:s16+$0x6000] =	vst.msk vm0, v5  }
0xdd: {  	[tilespmem:s16+$0x7900] =	vst.msk vm0, v6  }
0xde: {  	v5 =	vld [tilespmem:s9+$0x20];
	_ =	sdelay $0x2  }
0xdf: {  	v6 =	vld [tilespmem:s9+$0x1820];
	_ =	sdelay $0x1  }
0xe0: {  	vm0 =	vge.s32 v5, v3;
	vm1 =	vlt.s32 v5, v4;
	s17 =	spop (v2sf)  }
0xe1: {  	v5 =	vsub.s32 v5, v3;
	s16 =	sadd.s32 s16, s17;
	vm0 =	vmand vm0, vm1  }
0xe2: {  	[tilespmem:s16+$0x6000] =	vst.msk vm0, v5;
	v5 =	vmpcnt.ones.xlane vm0  }
0xe3: {  	[tilespmem:s16+$0x7900] =	vst.msk vm0, v6  }
0xe4: {  	v6 =	vld [tilespmem:s9+$0x30];
	(v2sf) =	vpush v5, $0x0;
	_ =	sdelay $0x4  }
0xe5: {  	vm0 =	vge.s32 v6, v3;
	vm1 =	vlt.s32 v6, v4  }
0xe6: {  	vm0 =	vmand vm0, vm1  }
0xe7: {  	v5 =	vmpcnt.ones.xlane vm0;
	_ =	sdelay $0x1  }
0xe8: {  	(v2sf) =	vpush v5, $0x0;
	_ =	sdelay $0x3  }
0xe9: {  	v5 =	vld [tilespmem:s9+$0x1830];
	_ =	sdelay $0x1  }
0xea: {  	s17 =	spop (v2sf)  }
0xeb: {  	v6 =	vsub.s32 v6, v3;
	s16 =	sadd.s32 s16, s17  }
0xec: {  	[tilespmem:s16+$0x6000] =	vst.msk vm0, v6  }
0xed: {  	[tilespmem:s16+$0x7900] =	vst.msk vm0, v5  }
0xee: {  	v5 =	vld [tilespmem:s9+$0x40];
	_ =	sdelay $0x2  }
0xef: {  	v6 =	vld [tilespmem:s9+$0x1840];
	_ =	sdelay $0x1  }
0xf0: {  	vm0 =	vge.s32 v5, v3;
	vm1 =	vlt.s32 v5, v4;
	s17 =	spop (v2sf)  }
0xf1: {  	v5 =	vsub.s32 v5, v3;
	s16 =	sadd.s32 s16, s17;
	vm0 =	vmand vm0, vm1  }
0xf2: {  	[tilespmem:s16+$0x6000] =	vst.msk vm0, v5;
	v5 =	vmpcnt.ones.xlane vm0  }
0xf3: {  	[tilespmem:s16+$0x7900] =	vst.msk vm0, v6  }
0xf4: {  	v6 =	vld [tilespmem:s9+$0x50];
	(v2sf) =	vpush v5, $0x0  }
0xf5: {  	v5 =	vld [tilespmem:s9+$0x1850];
	_ =	sdelay $0x3  }
0xf6: {  	vm0 =	vge.s32 v6, v3;
	vm1 =	vlt.s32 v6, v4  }
0xf7: {  	vm0 =	vmand vm0, vm1  }
0xf8: {  	v7 =	vmpcnt.ones.xlane vm0;
	_ =	sdelay $0x1  }
0xf9: {  	(v2sf) =	vpush v7, $0x0;
	_ =	sdelay $0x5  }
0xfa: {  	s17 =	spop (v2sf)  }
0xfb: {  	v6 =	vsub.s32 v6, v3;
	s16 =	sadd.s32 s16, s17  }
0xfc: {  	[tilespmem:s16+$0x6000] =	vst.msk vm0, v6  }
0xfd: {  	[tilespmem:s16+$0x7900] =	vst.msk vm0, v5  }
0xfe: {  	v5 =	vld [tilespmem:s9+$0x60]  }
0xff: {  	v6 =	vld [tilespmem:s9+$0x1860];
	_ =	sdelay $0x3  }
0x100: {  	vm0 =	vge.s32 v5, v3;
	vm1 =	vlt.s32 v5, v4;
	s17 =	spop (v2sf)  }
0x101: {  	v5 =	vsub.s32 v5, v3;
	s16 =	sadd.s32 s16, s17;
	vm0 =	vmand vm0, vm1  }
0x102: {  	[tilespmem:s16+$0x6000] =	vst.msk vm0, v5;
	v5 =	vmpcnt.ones.xlane vm0  }
0x103: {  	[tilespmem:s16+$0x7900] =	vst.msk vm0, v6  }
0x104: {  	v6 =	vld [tilespmem:s9+$0x70];
	(v2sf) =	vpush v5, $0x0  }
0x105: {  	v5 =	vld [tilespmem:s9+$0x1870];
	_ =	sdelay $0x3  }
0x106: {  	vm0 =	vge.s32 v6, v3;
	vm1 =	vlt.s32 v6, v4  }
0x107: {  	vm0 =	vmand vm0, vm1  }
0x108: {  	v7 =	vmpcnt.ones.xlane vm0;
	_ =	sdelay $0x1  }
0x109: {  	(v2sf) =	vpush v7, $0x0;
	_ =	sdelay $0x5  }
0x10a: {  	s9 =	spop (v2sf)  }
0x10b: {  	v6 =	vsub.s32 v6, v3;
	s16 =	sadd.s32 s16, s9  }
0x10c: {  	[tilespmem:s16+$0x6000] =	vst.msk vm0, v6  }
0x10d: {  	s9 =	sshra.s32 s13, $0x2;
	[tilespmem:s16+$0x7900] =	vst.msk vm0, v5  }
0x10e: {  	v6 =	vld [tilespmem:s9+$0x0]  }
.Ltmp5:
0x10f: {  	(pc) =	sbr.rel @p0 .LBB2_6-.Ltmp5, $3  }
0x110: {  	_ = 	snop  }
0x111: {  	v5 =	vld [tilespmem:s9+$0x1800];
	_ =	sdelay $0x1  }
0x112: {  	vm0 =	vge.s32 v6, v3;
	vm1 =	vlt.s32 v6, v4;
	v6 =	vsub.s32 v6, v3;
	s13 =	spop (v2sf)  }
0x113: {  	vm0 =	vmand vm0, vm1;
	s12 =	sadd.s32 s16, s13  }
0x114: {  	[tilespmem:s12+$0x6000] =	vst.msk vm0, v6;
	v6 =	vmpcnt.ones.xlane vm0  }
0x115: {  	[tilespmem:s12+$0x7900] =	vst.msk vm0, v5  }
0x116: {  	v5 =	vld [tilespmem:s9+$0x10];
	(v2sf) =	vpush v6, $0x0;
	_ =	sdelay $0x4  }
0x117: {  	vm14 =	vge.s32 v5, v3;
	vm15 =	vlt.s32 v5, v4  }
0x118: {  	vm0 =	vmand vm14, vm15  }
0x119: {  	v6 =	vmpcnt.ones.xlane vm0;
	_ =	sdelay $0x1  }
0x11a: {  	(v2sf) =	vpush v6, $0x0;
	_ =	sdelay $0x3  }
0x11b: {  	v6 =	vld [tilespmem:s9+$0x1810];
	_ =	sdelay $0x1  }
0x11c: {  	s16 =	spop (v2sf)  }
0x11d: {  	v5 =	vsub.s32 v5, v3;
	s12 =	sadd.s32 s12, s16  }
0x11e: {  	[tilespmem:s12+$0x6000] =	vst.msk vm0, v5  }
0x11f: {  	[tilespmem:s12+$0x7900] =	vst.msk vm0, v6  }
0x120: {  	v5 =	vld [tilespmem:s9+$0x20];
	_ =	sdelay $0x2  }
0x121: {  	v6 =	vld [tilespmem:s9+$0x1820];
	_ =	sdelay $0x1  }
0x122: {  	vm4 =	vge.s32 v5, v3;
	vm5 =	vlt.s32 v5, v4;
	s17 =	spop (v2sf)  }
0x123: {  	v5 =	vsub.s32 v5, v3;
	s12 =	sadd.s32 s12, s17;
	vm0 =	vmand vm4, vm5  }
0x124: {  	[tilespmem:s12+$0x6000] =	vst.msk vm0, v5;
	v5 =	vmpcnt.ones.xlane vm0  }
0x125: {  	[tilespmem:s12+$0x7900] =	vst.msk vm0, v6  }
0x126: {  	v6 =	vld [tilespmem:s9+$0x30];
	(v2sf) =	vpush v5, $0x0;
	_ =	sdelay $0x4  }
0x127: {  	vm6 =	vge.s32 v6, v3;
	vm7 =	vlt.s32 v6, v4  }
0x128: {  	vm0 =	vmand vm6, vm7  }
0x129: {  	v5 =	vmpcnt.ones.xlane vm0;
	_ =	sdelay $0x1  }
0x12a: {  	(v2sf) =	vpush v5, $0x0;
	_ =	sdelay $0x3  }
0x12b: {  	v5 =	vld [tilespmem:s9+$0x1830];
	_ =	sdelay $0x1  }
0x12c: {  	s16 =	spop (v2sf)  }
0x12d: {  	v6 =	vsub.s32 v6, v3;
	s12 =	sadd.s32 s12, s16  }
0x12e: {  	[tilespmem:s12+$0x6000] =	vst.msk vm0, v6  }
0x12f: {  	[tilespmem:s12+$0x7900] =	vst.msk vm0, v5  }
0x130: {  	v5 =	vld [tilespmem:s9+$0x40];
	_ =	sdelay $0x2  }
0x131: {  	v6 =	vld [tilespmem:s9+$0x1840];
	_ =	sdelay $0x1  }
0x132: {  	vm8 =	vge.s32 v5, v3;
	vm9 =	vlt.s32 v5, v4;
	s17 =	spop (v2sf)  }
0x133: {  	v5 =	vsub.s32 v5, v3;
	s12 =	sadd.s32 s12, s17;
	vm0 =	vmand vm8, vm9  }
0x134: {  	[tilespmem:s12+$0x6000] =	vst.msk vm0, v5;
	v5 =	vmpcnt.ones.xlane vm0  }
0x135: {  	[tilespmem:s12+$0x7900] =	vst.msk vm0, v6  }
0x136: {  	v6 =	vld [tilespmem:s9+$0x50];
	(v2sf) =	vpush v5, $0x0;
	_ =	sdelay $0x4  }
0x137: {  	vm10 =	vge.s32 v6, v3;
	vm11 =	vlt.s32 v6, v4  }
0x138: {  	vm0 =	vmand vm10, vm11  }
0x139: {  	v5 =	vmpcnt.ones.xlane vm0;
	_ =	sdelay $0x1  }
0x13a: {  	(v2sf) =	vpush v5, $0x0;
	_ =	sdelay $0x3  }
0x13b: {  	v5 =	vld [tilespmem:s9+$0x1850];
	_ =	sdelay $0x1  }
0x13c: {  	s16 =	spop (v2sf)  }
0x13d: {  	v6 =	vsub.s32 v6, v3;
	s12 =	sadd.s32 s12, s16  }
0x13e: {  	[tilespmem:s12+$0x6000] =	vst.msk vm0, v6  }
0x13f: {  	[tilespmem:s12+$0x7900] =	vst.msk vm0, v5  }
0x140: {  	v5 =	vld [tilespmem:s9+$0x60];
	_ =	sdelay $0x2  }
0x141: {  	v6 =	vld [tilespmem:s9+$0x1860];
	_ =	sdelay $0x1  }
0x142: {  	vm12 =	vge.s32 v5, v3;
	vm13 =	vlt.s32 v5, v4;
	s17 =	spop (v2sf)  }
0x143: {  	v5 =	vsub.s32 v5, v3;
	s12 =	sadd.s32 s12, s17;
	vm0 =	vmand vm12, vm13  }
0x144: {  	[tilespmem:s12+$0x6000] =	vst.msk vm0, v5  }
0x145: {  	[tilespmem:s12+$0x7900] =	vst.msk vm0, v6  }
0x146: {  	v5 =	vld [tilespmem:s9+$0x70];
	_ =	sdelay $0x4  }
0x147: {  	vm14 =	vge.s32 v5, v3;
	vm2 =	vlt.s32 v5, v4  }
0x148: {  	v6 =	vmpcnt.ones.xlane vm0;
	vm15 =	vmand vm14, vm2  }
0x149: {  	v7 =	vmpcnt.ones.xlane vm15  }
0x14a: {  	(v2sf) =	vpush v6, $0x0  }
0x14b: {  	(v2sf) =	vpush v7, $0x0;
	_ =	sdelay $0xd  }
0x14c: {  	s16 =	spop (v2sf)  }
0x14d: {  	s12 =	sadd.s32 s12, s16;
	s17 =	spop (v2sf)  }
0x14e: {  	v6 =	vld [tilespmem:s9+$0x1870];
	s9 =	sadd.s32 s12, s17  }
0x14f: {  	s16 =	sshra.s32 s9, $0x7  }
0x150: {  	p0 =	slt.s32 s16, $0x1  }
.Ltmp6:
0x151: {  	_ = 	snop;
	(pc) =	sbr.rel @p0 .LBB2_11-.Ltmp6, $4  }
0x152: {  	_ = 	snop  }
0x153: {  	v5 =	vsub.s32 v5, v3  }
0x154: {  	[tilespmem:s12+$0x6000] =	vst.msk vm15, v5  }
0x155: {  	[tilespmem:s12+$0x7900] =	vst.msk vm15, v6  }
0x156: {  	p0 =	sne.s32 s16, $0x1  }
.Ltmp7:
0x157: {  	_ = 	snop;
	(pc) =	sbr.rel @!p0 .LBB2_10-.Ltmp7, $4  }
0x158: {  	s12 =	simm.s32 $0x7900;
	s13 =	simm.s32 $0x6000  }
0x159: {  	[spmem:s2] =	stream.indirect.scatter.add.f32 [tilespmem:s12], [sflag:$0x4], $0x1, s13, s30, $0xb8;
	[tilespmem:$0x1E200] =	vst v63  }
0x15a: {  	_ =	swait.ge [sflag:s31], $0x80  }
0x15b: {  	s16 =	sadd.s32 $0xFFFFFFFF, s16;
	[sflag:s31] =	ssyncset.done $0x0  }
.LBB2_9:
0x15c: {  	[sflag:s31] =	ssyncadd.s32 $0xFFFFFF80  }
0x15d: {  	s12 =	sadd.s32 $0x80, s12;
	s13 =	sadd.s32 $0x80, s13;
	p0 =	sne.s32 s16, $0x1  }
.Ltmp8:
0x15e: {  	s16 =	sadd.s32 $0xFFFFFFFF, s16;
	(pc) =	sbr.rel @p0 .LBB2_9-.Ltmp8, $4  }
0x15f: {  	_ = 	snop  }
0x160: {  	[spmem:s2] =	stream.indirect.scatter.add.f32 [tilespmem:s12], [sflag:$0x4], $0x1, s13, s30, $0xb8;
	[tilespmem:$0x1E200] =	vst v63  }
0x161: {  	_ =	swait.ge [sflag:s31], $0x80  }
0x162: {  	[sflag:s31] =	ssyncset.done $0x0  }
.LBB2_10:
0x163: {  	[sflag:s31] =	ssyncadd.s32 $0xFFFFFF80  }
.LBB2_11:
0x164: {  	s12 =	sand.u32 $0xFFFFFF80, s9  }
0x165: {  	v5 =	vld [tilespmem:s12+$0x6000];
	_ =	sdelay $0x4  }
0x166: {  	[tilespmem:$0x6000] =	vst v5  }
0x167: {  	v5 =	vld [tilespmem:s12+$0x7900];
	_ =	sdelay $0x4  }
0x168: {  	[tilespmem:$0x7900] =	vst v5  }
0x169: {  	v5 =	vld [tilespmem:s12+$0x6010];
	_ =	sdelay $0x4  }
0x16a: {  	[tilespmem:$0x6010] =	vst v5  }
0x16b: {  	v5 =	vld [tilespmem:s12+$0x7910];
	_ =	sdelay $0x4  }
0x16c: {  	[tilespmem:$0x7910] =	vst v5  }
0x16d: {  	v5 =	vld [tilespmem:s12+$0x6020];
	_ =	sdelay $0x4  }
0x16e: {  	[tilespmem:$0x6020] =	vst v5  }
0x16f: {  	v5 =	vld [tilespmem:s12+$0x7920];
	_ =	sdelay $0x4  }
0x170: {  	[tilespmem:$0x7920] =	vst v5  }
0x171: {  	v5 =	vld [tilespmem:s12+$0x6030];
	_ =	sdelay $0x4  }
0x172: {  	[tilespmem:$0x6030] =	vst v5  }
0x173: {  	v5 =	vld [tilespmem:s12+$0x7930];
	_ =	sdelay $0x4  }
0x174: {  	[tilespmem:$0x7930] =	vst v5  }
0x175: {  	v5 =	vld [tilespmem:s12+$0x6040];
	_ =	sdelay $0x4  }
0x176: {  	[tilespmem:$0x6040] =	vst v5  }
0x177: {  	v5 =	vld [tilespmem:s12+$0x7940];
	_ =	sdelay $0x4  }
0x178: {  	[tilespmem:$0x7940] =	vst v5  }
0x179: {  	v5 =	vld [tilespmem:s12+$0x6050];
	_ =	sdelay $0x4  }
0x17a: {  	[tilespmem:$0x6050] =	vst v5  }
0x17b: {  	v5 =	vld [tilespmem:s12+$0x7950];
	_ =	sdelay $0x4  }
0x17c: {  	[tilespmem:$0x7950] =	vst v5  }
0x17d: {  	v5 =	vld [tilespmem:s12+$0x6060];
	_ =	sdelay $0x4  }
0x17e: {  	[tilespmem:$0x6060] =	vst v5  }
0x17f: {  	v5 =	vld [tilespmem:s12+$0x7960];
	_ =	sdelay $0x4  }
0x180: {  	[tilespmem:$0x7960] =	vst v5  }
0x181: {  	v5 =	vld [tilespmem:s12+$0x6070];
	_ =	sdelay $0x4  }
0x182: {  	[tilespmem:$0x6070] =	vst v5  }
0x183: {  	p0 =	seq.s32 s8, $0x30;
	v5 =	vld [tilespmem:s12+$0x7970]  }
0x184: {  	s12 =	smul.u32 @!p0 $0x3000, s8;
	_ =	sdelay $0x1  }
0x185: {  	s12 =	sadd.s32 @!p0 s12, s20  }
0x186: {  	s12 =	sshrl.u32 @!p0 s12, $0x3  }
0x187: {  	s16 =	simm.s32 @!p0 $0x0;
	s13 =	sadd.s32 @!p0 s6, s12;
	[tilespmem:$0x7970] =	vst v5  }
0x188: {  	[tilespmem:s16], [sflag:$0x1] =	stream.linear.gather @!p0 [hbm4b:s13+s16], $0x1800, $0x38;
	[tilespmem:$0x1E200] =	vst v63  }
0x189: {  	s12 =	sadd.s32 @!p0 s7, s12;
	s13 =	simm.s32 @!p0 $0x1800  }
0x18a: {  	[tilespmem:s13], [sflag:$0x1] =	stream.linear.gather @!p0 [hbm4b:s12+s16], $0x1800, $0x38;
	[tilespmem:$0x1E200] =	vst v63  }
0x18b: {  	_ =	swait.ge [sflag:s0], $0x1800  }
0x18c: {  	[sflag:s0] =	ssyncset.done $0x0  }
0x18d: {  	[sflag:s0] =	ssyncadd.s32 $0xFFFFE800  }
0x18e: {  	_ =	swait.ge [sflag:s0], $0x1800  }
0x18f: {  	[sflag:s0] =	ssyncset.done $0x0  }
0x190: {  	s12 =	simm.s32 $0x0;
	[sflag:s0] =	ssyncadd.s32 $0xFFFFE800  }
0x191: {  	v5 =	vld [tilespmem:s12+$0x3000];
	_ =	sdelay $0x2  }
0x192: {  	v6 =	vld [tilespmem:s12+$0x4800];
	_ =	sdelay $0x1  }
0x193: {  	vm0 =	vge.s32 v5, v3;
	vm1 =	vlt.s32 v5, v4  }
0x194: {  	s16 =	sand.u32 $0x7F, s9;
	v5 =	vsub.s32 v5, v3;
	vm0 =	vmand vm0, vm1  }
0x195: {  	[tilespmem:s16+$0x6000] =	vst.msk vm0, v5;
	v5 =	vmpcnt.ones.xlane vm0  }
0x196: {  	[tilespmem:s16+$0x7900] =	vst.msk vm0, v6  }
0x197: {  	v6 =	vld [tilespmem:s12+$0x3010];
	(v2sf) =	vpush v5, $0x0;
	_ =	sdelay $0x4  }
0x198: {  	vm0 =	vge.s32 v6, v3;
	vm1 =	vlt.s32 v6, v4  }
0x199: {  	vm0 =	vmand vm0, vm1  }
0x19a: {  	v5 =	vmpcnt.ones.xlane vm0;
	_ =	sdelay $0x1  }
0x19b: {  	(v2sf) =	vpush v5, $0x0;
	_ =	sdelay $0x3  }
0x19c: {  	v5 =	vld [tilespmem:s12+$0x4810];
	_ =	sdelay $0x1  }
0x19d: {  	s17 =	spop (v2sf)  }
0x19e: {  	v6 =	vsub.s32 v6, v3;
	s9 =	sadd.s32 s16, s17  }
0x19f: {  	[tilespmem:s9+$0x6000] =	vst.msk vm0, v6  }
0x1a0: {  	[tilespmem:s9+$0x7900] =	vst.msk vm0, v5  }
0x1a1: {  	v5 =	vld [tilespmem:s12+$0x3020];
	_ =	sdelay $0x2  }
0x1a2: {  	v6 =	vld [tilespmem:s12+$0x4820];
	_ =	sdelay $0x1  }
0x1a3: {  	vm0 =	vge.s32 v5, v3;
	vm1 =	vlt.s32 v5, v4;
	s16 =	spop (v2sf)  }
0x1a4: {  	v5 =	vsub.s32 v5, v3;
	s9 =	sadd.s32 s9, s16;
	vm0 =	vmand vm0, vm1  }
0x1a5: {  	[tilespmem:s9+$0x6000] =	vst.msk vm0, v5;
	v5 =	vmpcnt.ones.xlane vm0  }
0x1a6: {  	[tilespmem:s9+$0x7900] =	vst.msk vm0, v6  }
0x1a7: {  	v6 =	vld [tilespmem:s12+$0x3030];
	(v2sf) =	vpush v5, $0x0;
	_ =	sdelay $0x4  }
0x1a8: {  	vm0 =	vge.s32 v6, v3;
	vm1 =	vlt.s32 v6, v4  }
0x1a9: {  	vm0 =	vmand vm0, vm1  }
0x1aa: {  	v5 =	vmpcnt.ones.xlane vm0;
	_ =	sdelay $0x1  }
0x1ab: {  	(v2sf) =	vpush v5, $0x0;
	_ =	sdelay $0x3  }
0x1ac: {  	v5 =	vld [tilespmem:s12+$0x4830];
	_ =	sdelay $0x1  }
0x1ad: {  	s17 =	spop (v2sf)  }
0x1ae: {  	v6 =	vsub.s32 v6, v3;
	s9 =	sadd.s32 s9, s17  }
0x1af: {  	[tilespmem:s9+$0x6000] =	vst.msk vm0, v6  }
0x1b0: {  	[tilespmem:s9+$0x7900] =	vst.msk vm0, v5  }
0x1b1: {  	v5 =	vld [tilespmem:s12+$0x3040];
	_ =	sdelay $0x2  }
0x1b2: {  	v6 =	vld [tilespmem:s12+$0x4840];
	_ =	sdelay $0x1  }
0x1b3: {  	vm0 =	vge.s32 v5, v3;
	vm1 =	vlt.s32 v5, v4;
	s16 =	spop (v2sf)  }
0x1b4: {  	v5 =	vsub.s32 v5, v3;
	s9 =	sadd.s32 s9, s16;
	vm0 =	vmand vm0, vm1  }
0x1b5: {  	[tilespmem:s9+$0x6000] =	vst.msk vm0, v5;
	v5 =	vmpcnt.ones.xlane vm0  }
0x1b6: {  	[tilespmem:s9+$0x7900] =	vst.msk vm0, v6  }
0x1b7: {  	v6 =	vld [tilespmem:s12+$0x3050];
	(v2sf) =	vpush v5, $0x0;
	_ =	sdelay $0x4  }
0x1b8: {  	vm0 =	vge.s32 v6, v3;
	vm1 =	vlt.s32 v6, v4  }
0x1b9: {  	vm0 =	vmand vm0, vm1  }
0x1ba: {  	v5 =	vmpcnt.ones.xlane vm0;
	_ =	sdelay $0x1  }
0x1bb: {  	(v2sf) =	vpush v5, $0x0;
	_ =	sdelay $0x3  }
0x1bc: {  	v5 =	vld [tilespmem:s12+$0x4850];
	_ =	sdelay $0x1  }
0x1bd: {  	s17 =	spop (v2sf)  }
0x1be: {  	v6 =	vsub.s32 v6, v3;
	s9 =	sadd.s32 s9, s17  }
0x1bf: {  	[tilespmem:s9+$0x6000] =	vst.msk vm0, v6  }
0x1c0: {  	[tilespmem:s9+$0x7900] =	vst.msk vm0, v5  }
0x1c1: {  	v5 =	vld [tilespmem:s12+$0x3060];
	_ =	sdelay $0x2  }
0x1c2: {  	v6 =	vld [tilespmem:s12+$0x4860];
	_ =	sdelay $0x1  }
0x1c3: {  	vm0 =	vge.s32 v5, v3;
	vm1 =	vlt.s32 v5, v4;
	s16 =	spop (v2sf)  }
0x1c4: {  	v5 =	vsub.s32 v5, v3;
	s9 =	sadd.s32 s9, s16;
	vm0 =	vmand vm0, vm1  }
0x1c5: {  	[tilespmem:s9+$0x6000] =	vst.msk vm0, v5;
	v5 =	vmpcnt.ones.xlane vm0  }
0x1c6: {  	[tilespmem:s9+$0x7900] =	vst.msk vm0, v6  }
0x1c7: {  	v6 =	vld [tilespmem:s12+$0x3070];
	(v2sf) =	vpush v5, $0x0;
	_ =	sdelay $0x4  }
0x1c8: {  	vm0 =	vge.s32 v6, v3;
	vm1 =	vlt.s32 v6, v4  }
0x1c9: {  	vm0 =	vmand vm0, vm1  }
0x1ca: {  	v5 =	vmpcnt.ones.xlane vm0;
	_ =	sdelay $0x1  }
0x1cb: {  	(v2sf) =	vpush v5, $0x0;
	_ =	sdelay $0x3  }
0x1cc: {  	v5 =	vld [tilespmem:s12+$0x4870];
	_ =	sdelay $0x1  }
0x1cd: {  	s17 =	spop (v2sf)  }
0x1ce: {  	v6 =	vsub.s32 v6, v3;
	s16 =	sadd.s32 s9, s17  }
0x1cf: {  	[tilespmem:s16+$0x6000] =	vst.msk vm0, v6  }
0x1d0: {  	s9 =	simm.s32 $0x80;
	[tilespmem:s16+$0x7900] =	vst.msk vm0, v5  }
0x1d1: {  	v6 =	vld [tilespmem:s9+$0x3000];
	_ =	sdelay $0x3  }
0x1d2: {  	v5 =	vld [tilespmem:s9+$0x4800]  }
0x1d3: {  	s12 =	simm.s32 $0x400;
	vm0 =	vge.s32 v6, v3;
	vm1 =	vlt.s32 v6, v4;
	v6 =	vsub.s32 v6, v3;
	s13 =	spop (v2sf)  }
.LBB2_12:
0x1d4: {  	p1 =	sne.s32 s12, $0x5E00  }
0x1d5: {  	vm0 =	vmand vm0, vm1;
	s16 =	sadd.s32 s16, s13;
	s13 =	smov.u32 s12;
	s12 =	sadd.s32 $0x200, s12  }
0x1d6: {  	[tilespmem:s16+$0x6000] =	vst.msk vm0, v6;
	v6 =	vmpcnt.ones.xlane vm0  }
0x1d7: {  	[tilespmem:s16+$0x7900] =	vst.msk vm0, v5  }
0x1d8: {  	v5 =	vld [tilespmem:s9+$0x3010];
	(v2sf) =	vpush v6, $0x0;
	_ =	sdelay $0x4  }
0x1d9: {  	vm0 =	vge.s32 v5, v3;
	vm1 =	vlt.s32 v5, v4  }
0x1da: {  	vm0 =	vmand vm0, vm1  }
0x1db: {  	v6 =	vmpcnt.ones.xlane vm0;
	_ =	sdelay $0x1  }
0x1dc: {  	(v2sf) =	vpush v6, $0x0;
	_ =	sdelay $0x3  }
0x1dd: {  	v6 =	vld [tilespmem:s9+$0x4810];
	_ =	sdelay $0x1  }
0x1de: {  	s17 =	spop (v2sf)  }
0x1df: {  	v5 =	vsub.s32 v5, v3;
	s16 =	sadd.s32 s16, s17  }
0x1e0: {  	[tilespmem:s16+$0x6000] =	vst.msk vm0, v5  }
0x1e1: {  	[tilespmem:s16+$0x7900] =	vst.msk vm0, v6  }
0x1e2: {  	v5 =	vld [tilespmem:s9+$0x3020];
	_ =	sdelay $0x2  }
0x1e3: {  	v6 =	vld [tilespmem:s9+$0x4820];
	_ =	sdelay $0x1  }
0x1e4: {  	vm0 =	vge.s32 v5, v3;
	vm1 =	vlt.s32 v5, v4;
	s17 =	spop (v2sf)  }
0x1e5: {  	v5 =	vsub.s32 v5, v3;
	s16 =	sadd.s32 s16, s17;
	vm0 =	vmand vm0, vm1  }
0x1e6: {  	[tilespmem:s16+$0x6000] =	vst.msk vm0, v5;
	v5 =	vmpcnt.ones.xlane vm0  }
0x1e7: {  	[tilespmem:s16+$0x7900] =	vst.msk vm0, v6  }
0x1e8: {  	v6 =	vld [tilespmem:s9+$0x3030];
	(v2sf) =	vpush v5, $0x0;
	_ =	sdelay $0x4  }
0x1e9: {  	vm0 =	vge.s32 v6, v3;
	vm1 =	vlt.s32 v6, v4  }
0x1ea: {  	vm0 =	vmand vm0, vm1  }
0x1eb: {  	v5 =	vmpcnt.ones.xlane vm0;
	_ =	sdelay $0x1  }
0x1ec: {  	(v2sf) =	vpush v5, $0x0;
	_ =	sdelay $0x3  }
0x1ed: {  	v5 =	vld [tilespmem:s9+$0x4830];
	_ =	sdelay $0x1  }
0x1ee: {  	s17 =	spop (v2sf)  }
0x1ef: {  	v6 =	vsub.s32 v6, v3;
	s16 =	sadd.s32 s16, s17  }
0x1f0: {  	[tilespmem:s16+$0x6000] =	vst.msk vm0, v6  }
0x1f1: {  	[tilespmem:s16+$0x7900] =	vst.msk vm0, v5  }
0x1f2: {  	v5 =	vld [tilespmem:s9+$0x3040];
	_ =	sdelay $0x2  }
0x1f3: {  	v6 =	vld [tilespmem:s9+$0x4840];
	_ =	sdelay $0x1  }
0x1f4: {  	vm0 =	vge.s32 v5, v3;
	vm1 =	vlt.s32 v5, v4;
	s17 =	spop (v2sf)  }
0x1f5: {  	v5 =	vsub.s32 v5, v3;
	s16 =	sadd.s32 s16, s17;
	vm0 =	vmand vm0, vm1  }
0x1f6: {  	[tilespmem:s16+$0x6000] =	vst.msk vm0, v5;
	v5 =	vmpcnt.ones.xlane vm0  }
0x1f7: {  	[tilespmem:s16+$0x7900] =	vst.msk vm0, v6  }
0x1f8: {  	v6 =	vld [tilespmem:s9+$0x3050];
	(v2sf) =	vpush v5, $0x0  }
0x1f9: {  	v5 =	vld [tilespmem:s9+$0x4850];
	_ =	sdelay $0x3  }
0x1fa: {  	vm0 =	vge.s32 v6, v3;
	vm1 =	vlt.s32 v6, v4  }
0x1fb: {  	vm0 =	vmand vm0, vm1  }
0x1fc: {  	v7 =	vmpcnt.ones.xlane vm0;
	_ =	sdelay $0x1  }
0x1fd: {  	(v2sf) =	vpush v7, $0x0;
	_ =	sdelay $0x5  }
0x1fe: {  	s17 =	spop (v2sf)  }
0x1ff: {  	v6 =	vsub.s32 v6, v3;
	s16 =	sadd.s32 s16, s17  }
0x200: {  	[tilespmem:s16+$0x6000] =	vst.msk vm0, v6  }
0x201: {  	[tilespmem:s16+$0x7900] =	vst.msk vm0, v5  }
0x202: {  	v5 =	vld [tilespmem:s9+$0x3060]  }
0x203: {  	v6 =	vld [tilespmem:s9+$0x4860];
	_ =	sdelay $0x3  }
0x204: {  	vm0 =	vge.s32 v5, v3;
	vm1 =	vlt.s32 v5, v4;
	s17 =	spop (v2sf)  }
0x205: {  	v5 =	vsub.s32 v5, v3;
	s16 =	sadd.s32 s16, s17;
	vm0 =	vmand vm0, vm1  }
0x206: {  	[tilespmem:s16+$0x6000] =	vst.msk vm0, v5;
	v5 =	vmpcnt.ones.xlane vm0  }
0x207: {  	[tilespmem:s16+$0x7900] =	vst.msk vm0, v6  }
0x208: {  	v6 =	vld [tilespmem:s9+$0x3070];
	(v2sf) =	vpush v5, $0x0  }
0x209: {  	v5 =	vld [tilespmem:s9+$0x4870];
	_ =	sdelay $0x3  }
0x20a: {  	vm0 =	vge.s32 v6, v3;
	vm1 =	vlt.s32 v6, v4  }
0x20b: {  	vm0 =	vmand vm0, vm1  }
0x20c: {  	v7 =	vmpcnt.ones.xlane vm0;
	_ =	sdelay $0x1  }
0x20d: {  	(v2sf) =	vpush v7, $0x0;
	_ =	sdelay $0x5  }
0x20e: {  	s9 =	spop (v2sf)  }
0x20f: {  	v6 =	vsub.s32 v6, v3;
	s16 =	sadd.s32 s16, s9  }
0x210: {  	[tilespmem:s16+$0x6000] =	vst.msk vm0, v6  }
0x211: {  	s9 =	sshra.s32 s13, $0x2;
	[tilespmem:s16+$0x7900] =	vst.msk vm0, v5  }
0x212: {  	v6 =	vld [tilespmem:s9+$0x3000]  }
.Ltmp9:
0x213: {  	(pc) =	sbr.rel @p1 .LBB2_12-.Ltmp9, $3  }
0x214: {  	_ = 	snop  }
0x215: {  	v5 =	vld [tilespmem:s9+$0x4800];
	_ =	sdelay $0x1  }
0x216: {  	vm0 =	vge.s32 v6, v3;
	vm1 =	vlt.s32 v6, v4;
	v6 =	vsub.s32 v6, v3;
	s13 =	spop (v2sf)  }
0x217: {  	vm0 =	vmand vm0, vm1;
	s12 =	sadd.s32 s16, s13  }
0x218: {  	[tilespmem:s12+$0x6000] =	vst.msk vm0, v6;
	v6 =	vmpcnt.ones.xlane vm0  }
0x219: {  	[tilespmem:s12+$0x7900] =	vst.msk vm0, v5  }
0x21a: {  	v5 =	vld [tilespmem:s9+$0x3010];
	(v2sf) =	vpush v6, $0x0;
	_ =	sdelay $0x4  }
0x21b: {  	vm14 =	vge.s32 v5, v3;
	vm15 =	vlt.s32 v5, v4  }
0x21c: {  	vm0 =	vmand vm14, vm15  }
0x21d: {  	v6 =	vmpcnt.ones.xlane vm0;
	_ =	sdelay $0x1  }
0x21e: {  	(v2sf) =	vpush v6, $0x0;
	_ =	sdelay $0x3  }
0x21f: {  	v6 =	vld [tilespmem:s9+$0x4810];
	_ =	sdelay $0x1  }
0x220: {  	s16 =	spop (v2sf)  }
0x221: {  	v5 =	vsub.s32 v5, v3;
	s12 =	sadd.s32 s12, s16  }
0x222: {  	[tilespmem:s12+$0x6000] =	vst.msk vm0, v5  }
0x223: {  	[tilespmem:s12+$0x7900] =	vst.msk vm0, v6  }
0x224: {  	v5 =	vld [tilespmem:s9+$0x3020];
	_ =	sdelay $0x2  }
0x225: {  	v6 =	vld [tilespmem:s9+$0x4820];
	_ =	sdelay $0x1  }
0x226: {  	vm4 =	vge.s32 v5, v3;
	vm5 =	vlt.s32 v5, v4;
	s17 =	spop (v2sf)  }
0x227: {  	v5 =	vsub.s32 v5, v3;
	s12 =	sadd.s32 s12, s17;
	vm0 =	vmand vm4, vm5  }
0x228: {  	[tilespmem:s12+$0x6000] =	vst.msk vm0, v5;
	v5 =	vmpcnt.ones.xlane vm0  }
0x229: {  	[tilespmem:s12+$0x7900] =	vst.msk vm0, v6  }
0x22a: {  	v6 =	vld [tilespmem:s9+$0x3030];
	(v2sf) =	vpush v5, $0x0;
	_ =	sdelay $0x4  }
0x22b: {  	vm6 =	vge.s32 v6, v3;
	vm7 =	vlt.s32 v6, v4  }
0x22c: {  	vm0 =	vmand vm6, vm7  }
0x22d: {  	v5 =	vmpcnt.ones.xlane vm0;
	_ =	sdelay $0x1  }
0x22e: {  	(v2sf) =	vpush v5, $0x0;
	_ =	sdelay $0x3  }
0x22f: {  	v5 =	vld [tilespmem:s9+$0x4830];
	_ =	sdelay $0x1  }
0x230: {  	s16 =	spop (v2sf)  }
0x231: {  	v6 =	vsub.s32 v6, v3;
	s12 =	sadd.s32 s12, s16  }
0x232: {  	[tilespmem:s12+$0x6000] =	vst.msk vm0, v6  }
0x233: {  	[tilespmem:s12+$0x7900] =	vst.msk vm0, v5  }
0x234: {  	v5 =	vld [tilespmem:s9+$0x3040];
	_ =	sdelay $0x2  }
0x235: {  	v6 =	vld [tilespmem:s9+$0x4840];
	_ =	sdelay $0x1  }
0x236: {  	vm8 =	vge.s32 v5, v3;
	vm9 =	vlt.s32 v5, v4;
	s17 =	spop (v2sf)  }
0x237: {  	v5 =	vsub.s32 v5, v3;
	s12 =	sadd.s32 s12, s17;
	vm0 =	vmand vm8, vm9  }
0x238: {  	[tilespmem:s12+$0x6000] =	vst.msk vm0, v5;
	v5 =	vmpcnt.ones.xlane vm0  }
0x239: {  	[tilespmem:s12+$0x7900] =	vst.msk vm0, v6  }
0x23a: {  	v6 =	vld [tilespmem:s9+$0x3050];
	(v2sf) =	vpush v5, $0x0;
	_ =	sdelay $0x4  }
0x23b: {  	vm10 =	vge.s32 v6, v3;
	vm11 =	vlt.s32 v6, v4  }
0x23c: {  	vm0 =	vmand vm10, vm11  }
0x23d: {  	v5 =	vmpcnt.ones.xlane vm0;
	_ =	sdelay $0x1  }
0x23e: {  	(v2sf) =	vpush v5, $0x0;
	_ =	sdelay $0x3  }
0x23f: {  	v5 =	vld [tilespmem:s9+$0x4850];
	_ =	sdelay $0x1  }
0x240: {  	s16 =	spop (v2sf)  }
0x241: {  	v6 =	vsub.s32 v6, v3;
	s12 =	sadd.s32 s12, s16  }
0x242: {  	[tilespmem:s12+$0x6000] =	vst.msk vm0, v6  }
0x243: {  	[tilespmem:s12+$0x7900] =	vst.msk vm0, v5  }
0x244: {  	v5 =	vld [tilespmem:s9+$0x3060];
	_ =	sdelay $0x2  }
0x245: {  	v6 =	vld [tilespmem:s9+$0x4860];
	_ =	sdelay $0x1  }
0x246: {  	vm12 =	vge.s32 v5, v3;
	vm13 =	vlt.s32 v5, v4;
	s17 =	spop (v2sf)  }
0x247: {  	v5 =	vsub.s32 v5, v3;
	s12 =	sadd.s32 s12, s17;
	vm0 =	vmand vm12, vm13  }
0x248: {  	[tilespmem:s12+$0x6000] =	vst.msk vm0, v5  }
0x249: {  	[tilespmem:s12+$0x7900] =	vst.msk vm0, v6  }
0x24a: {  	v5 =	vld [tilespmem:s9+$0x3070];
	_ =	sdelay $0x4  }
0x24b: {  	vm14 =	vge.s32 v5, v3;
	vm2 =	vlt.s32 v5, v4  }
0x24c: {  	v6 =	vmpcnt.ones.xlane vm0;
	vm15 =	vmand vm14, vm2  }
0x24d: {  	v7 =	vmpcnt.ones.xlane vm15  }
0x24e: {  	(v2sf) =	vpush v6, $0x0  }
0x24f: {  	(v2sf) =	vpush v7, $0x0;
	_ =	sdelay $0xd  }
0x250: {  	s16 =	spop (v2sf)  }
0x251: {  	s12 =	sadd.s32 s12, s16;
	s17 =	spop (v2sf)  }
0x252: {  	v6 =	vld [tilespmem:s9+$0x4870];
	s9 =	sadd.s32 s12, s17  }
0x253: {  	s16 =	sshra.s32 s9, $0x7  }
0x254: {  	p1 =	slt.s32 s16, $0x1  }
.Ltmp10:
0x255: {  	_ = 	snop;
	(pc) =	sbr.rel @p1 .LBB2_17-.Ltmp10, $4  }
0x256: {  	_ = 	snop  }
0x257: {  	v5 =	vsub.s32 v5, v3  }
0x258: {  	[tilespmem:s12+$0x6000] =	vst.msk vm15, v5  }
0x259: {  	[tilespmem:s12+$0x7900] =	vst.msk vm15, v6  }
0x25a: {  	p1 =	sne.s32 s16, $0x1  }
.Ltmp11:
0x25b: {  	_ = 	snop;
	(pc) =	sbr.rel @!p1 .LBB2_16-.Ltmp11, $4  }
0x25c: {  	s12 =	simm.s32 $0x7900;
	s13 =	simm.s32 $0x6000  }
0x25d: {  	[spmem:s2] =	stream.indirect.scatter.add.f32 [tilespmem:s12], [sflag:$0x4], $0x1, s13, s30, $0xb8;
	[tilespmem:$0x1E200] =	vst v63  }
0x25e: {  	_ =	swait.ge [sflag:s31], $0x80  }
0x25f: {  	s16 =	sadd.s32 $0xFFFFFFFF, s16;
	[sflag:s31] =	ssyncset.done $0x0  }
.LBB2_15:
0x260: {  	[sflag:s31] =	ssyncadd.s32 $0xFFFFFF80  }
0x261: {  	s12 =	sadd.s32 $0x80, s12;
	s13 =	sadd.s32 $0x80, s13;
	p1 =	sne.s32 s16, $0x1  }
.Ltmp12:
0x262: {  	s16 =	sadd.s32 $0xFFFFFFFF, s16;
	(pc) =	sbr.rel @p1 .LBB2_15-.Ltmp12, $4  }
0x263: {  	_ = 	snop  }
0x264: {  	[spmem:s2] =	stream.indirect.scatter.add.f32 [tilespmem:s12], [sflag:$0x4], $0x1, s13, s30, $0xb8;
	[tilespmem:$0x1E200] =	vst v63  }
0x265: {  	_ =	swait.ge [sflag:s31], $0x80  }
0x266: {  	[sflag:s31] =	ssyncset.done $0x0  }
.LBB2_16:
0x267: {  	[sflag:s31] =	ssyncadd.s32 $0xFFFFFF80  }
.LBB2_17:
0x268: {  	s12 =	sand.u32 $0xFFFFFF80, s9  }
0x269: {  	v5 =	vld [tilespmem:s12+$0x6000];
	_ =	sdelay $0x4  }
0x26a: {  	[tilespmem:$0x6000] =	vst v5  }
0x26b: {  	v5 =	vld [tilespmem:s12+$0x7900];
	_ =	sdelay $0x4  }
0x26c: {  	[tilespmem:$0x7900] =	vst v5  }
0x26d: {  	v5 =	vld [tilespmem:s12+$0x6010];
	_ =	sdelay $0x4  }
0x26e: {  	[tilespmem:$0x6010] =	vst v5  }
0x26f: {  	v5 =	vld [tilespmem:s12+$0x7910];
	_ =	sdelay $0x4  }
0x270: {  	[tilespmem:$0x7910] =	vst v5  }
0x271: {  	v5 =	vld [tilespmem:s12+$0x6020];
	_ =	sdelay $0x4  }
0x272: {  	[tilespmem:$0x6020] =	vst v5  }
0x273: {  	v5 =	vld [tilespmem:s12+$0x7920];
	_ =	sdelay $0x4  }
0x274: {  	[tilespmem:$0x7920] =	vst v5  }
0x275: {  	v5 =	vld [tilespmem:s12+$0x6030];
	_ =	sdelay $0x4  }
0x276: {  	[tilespmem:$0x6030] =	vst v5  }
0x277: {  	v5 =	vld [tilespmem:s12+$0x7930];
	_ =	sdelay $0x4  }
0x278: {  	[tilespmem:$0x7930] =	vst v5  }
0x279: {  	v5 =	vld [tilespmem:s12+$0x6040];
	_ =	sdelay $0x4  }
0x27a: {  	[tilespmem:$0x6040] =	vst v5  }
0x27b: {  	v5 =	vld [tilespmem:s12+$0x7940];
	_ =	sdelay $0x4  }
0x27c: {  	[tilespmem:$0x7940] =	vst v5  }
0x27d: {  	v5 =	vld [tilespmem:s12+$0x6050];
	_ =	sdelay $0x4  }
0x27e: {  	[tilespmem:$0x6050] =	vst v5  }
0x27f: {  	v5 =	vld [tilespmem:s12+$0x7950];
	_ =	sdelay $0x4  }
0x280: {  	[tilespmem:$0x7950] =	vst v5  }
0x281: {  	v5 =	vld [tilespmem:s12+$0x6060];
	_ =	sdelay $0x4  }
0x282: {  	[tilespmem:$0x6060] =	vst v5  }
0x283: {  	v5 =	vld [tilespmem:s12+$0x7960];
	_ =	sdelay $0x4  }
0x284: {  	[tilespmem:$0x7960] =	vst v5  }
0x285: {  	v5 =	vld [tilespmem:s12+$0x6070];
	_ =	sdelay $0x4  }
0x286: {  	[tilespmem:$0x6070] =	vst v5  }
0x287: {  	v5 =	vld [tilespmem:s12+$0x7970]  }
.Ltmp13:
0x288: {  	_ = 	snop;
	(pc) =	sbr.rel @p0 .LBB2_19-.Ltmp13, $2  }
0x289: {  	_ =	sdelay $0x2  }
0x28a: {  	s12 =	sand.u32 $0x7F, s9;
	[tilespmem:$0x7970] =	vst v5  }
0x28b: {  	s9 =	smul.u32 $0x3000, s8;
	_ =	sdelay $0x1  }
0x28c: {  	s9 =	sadd.s32 s9, s21  }
.Ltmp14:
0x28d: {  	s9 =	sshrl.u32 s9, $0x3;
	(pc) =	sbr.rel .LBB2_5-.Ltmp14, $4  }
0x28e: {  	s13 =	sadd.s32 s6, s9  }
0x28f: {  	[tilespmem:s26], [sflag:$0x2] =	stream.linear.gather [hbm4b:s13+s4], $0x1800, $0x38;
	[tilespmem:$0x1E200] =	vst v63  }
0x290: {  	s8 =	sadd.s32 $0x1, s8;
	s9 =	sadd.s32 s7, s9  }
0x291: {  	[tilespmem:s28], [sflag:$0x2] =	stream.linear.gather [hbm4b:s9+s4], $0x1800, $0x38;
	[tilespmem:$0x1E200] =	vst v63  }
.LBB2_19:
0x292: {  	(v2sf) =	vpush v2, $0x0;
	_ =	sdelay $0xe  }
0x293: {  	[tilespmem:s12+$0x6000] =	vst v1;
	s8 =	spop (v2sf)  }
0x294: {  	[tilespmem:s12+$0x7900] =	vst v0;
	s9 =	sadd.s32 s12, s8  }
0x295: {  	[tilespmem:s9+$0x6000] =	vst v1  }
0x296: {  	[tilespmem:s9+$0x7900] =	vst v0;
	s9 =	sadd.s32 s8, s9  }
0x297: {  	[tilespmem:s9+$0x6000] =	vst v1  }
0x298: {  	[tilespmem:s9+$0x7900] =	vst v0;
	s9 =	sadd.s32 s8, s9  }
0x299: {  	[tilespmem:s9+$0x6000] =	vst v1  }
0x29a: {  	[tilespmem:s9+$0x7900] =	vst v0;
	s9 =	sadd.s32 s8, s9  }
0x29b: {  	[tilespmem:s9+$0x6000] =	vst v1  }
0x29c: {  	[tilespmem:s9+$0x7900] =	vst v0;
	s9 =	sadd.s32 s8, s9  }
0x29d: {  	s16 =	sadd.s32 s8, s9  }
0x29e: {  	s17 =	sadd.s32 s8, s16  }
0x29f: {  	s8 =	sadd.s32 s8, s17  }
0x2a0: {  	s13 =	sshra.s32 s8, $0x7  }
0x2a1: {  	[tilespmem:s9+$0x6000] =	vst v1;
	p0 =	slt.s32 s13, $0x1  }
.Ltmp15:
0x2a2: {  	[tilespmem:s9+$0x7900] =	vst v0;
	(pc) =	sbr.rel @p0 .LBB2_23-.Ltmp15, $4  }
0x2a3: {  	[tilespmem:s16+$0x6000] =	vst v1  }
0x2a4: {  	[tilespmem:s16+$0x7900] =	vst v0  }
0x2a5: {  	[tilespmem:s17+$0x6000] =	vst v1  }
0x2a6: {  	[tilespmem:s17+$0x7900] =	vst v0  }
0x2a7: {  	p0 =	sne.s32 s13, $0x1  }
.Ltmp16:
0x2a8: {  	_ = 	snop;
	(pc) =	sbr.rel @!p0 .LBB2_22-.Ltmp16, $4  }
0x2a9: {  	s9 =	simm.s32 $0x7900;
	s12 =	simm.s32 $0x6000  }
0x2aa: {  	[spmem:s2] =	stream.indirect.scatter.add.f32 [tilespmem:s9], [sflag:$0x4], $0x1, s12, s30, $0xb8;
	[tilespmem:$0x1E200] =	vst v63  }
0x2ab: {  	_ =	swait.ge [sflag:s31], $0x80  }
0x2ac: {  	s13 =	sadd.s32 $0xFFFFFFFF, s13;
	[sflag:s31] =	ssyncset.done $0x0  }
.LBB2_21:
0x2ad: {  	[sflag:s31] =	ssyncadd.s32 $0xFFFFFF80  }
0x2ae: {  	s9 =	sadd.s32 $0x80, s9;
	s12 =	sadd.s32 $0x80, s12;
	p0 =	sne.s32 s13, $0x1  }
.Ltmp17:
0x2af: {  	s13 =	sadd.s32 $0xFFFFFFFF, s13;
	(pc) =	sbr.rel @p0 .LBB2_21-.Ltmp17, $4  }
0x2b0: {  	_ = 	snop  }
0x2b1: {  	[spmem:s2] =	stream.indirect.scatter.add.f32 [tilespmem:s9], [sflag:$0x4], $0x1, s12, s30, $0xb8;
	[tilespmem:$0x1E200] =	vst v63  }
0x2b2: {  	_ =	swait.ge [sflag:s31], $0x80  }
0x2b3: {  	[sflag:s31] =	ssyncset.done $0x0  }
.Ltmp18:
0x2b4: {  	_ = 	snop;
	(pc) =	sbr.rel .LBB2_22-.Ltmp18, $1  }
0x2b5: {  	_ =	sdelay $0x3  }
.LBB2_25:
0x2b6: {  	_ =	sfence.sel $0x180000  }
0x2b7: {  	[bflag:$0x0] =	sbarrier.arrive $0xFFFF  }
0x2b8: {  	_ =	strace $0x90000047  }
0x2b9: {  	s0 =	stileid.u32;
	[bflag:$0x2] =	sbarrier.arrive $0xFFFF  }
0x2ba: {  	p0 =	sne.s32 s0, $0x0;
	s0 =	rddreg [dreg:$0x3]  }
0x2bb: {  	s0 =	sadd.s32 @!p0 $0x100000, s0  }
0x2bc: {  	[sflag:s0] =	ssyncadd.tile.s32 @!p0 $0x1;
	_ =	shalt  }
.Lfunc_end2:
_tile_overlayer_lowered:
.L_overlay_start_2:
0x2bd: {  	(tag) =	ssettag $0x2  }
0x2be: {  	s0 =	rddreg [dreg:$0x0];
	s2 =	stileid.u32  }
0x2bf: {  	s1 =	rddreg [dreg:$0x1];
	p0 =	sne.s32 s2, $0x0  }
0x2c0: {  	s3 =	rddreg [dreg:$0x2];
	[bflag:$0x3] =	sbarrier.arrive $0xFFFF;
	s2 =	simm.s32 @!p0 $0x1C04  }
0x2c1: {  	[timem:s3], [sflag:s2] =	dma.local @!p0 [hbm:s0], s1  }
0x2c2: {  	s0 =	simm.s32 @!p0 $0x4  }
0x2c3: {  	_ =	swait.ge @!p0 [sflag:s0], s1  }
0x2c4: {  	s1 =	ssub.s32 @!p0 $0x0, s1;
	[sflag:s0] =	ssyncset.done @!p0 $0x0  }
0x2c5: {  	[sflag:s0] =	ssyncadd.s32 @!p0 s1  }
0x2c6: {  	[bflag:$0x3] =	sbarrier.arrive $0xFFFF  }
0x2c7: {  	_ =	shalt  }

// kernel: sparse-core-data-format-call.cloned.1.call-start
scs
called_computation_lowered:
.L_overlay_start_0:
0x0: {  	s2 =	sld [smem:$0x3FD9]  }
0x1: {  	s3 =	sld [smem:$0x3FFE];
	_ =	sdelay $0x1  }
0x2: {  	s1 =	srdreg.scid  }
0x3: {  	s0 =	sand.u32 $0x1, s1  }
0x4: {  	s18 =	sshll.u32 s0, $0xA;
	s2 =	sadd.s32 s3, s2  }
0x5: {  	s2 =	sadd.s32 s2, s18  }
0x6: {  	[smem:$0x3FC6] =	sst s2  }
0x7: {  	_ = 	snop  }
0x8: {  	s2 =	sld [smem:$0x3FD0];
	(tm) =	ssettm $0x1  }
0x9: {  	s19 =	sld [smem:$0x3FFB];
	_ =	sdelay $0x3  }
0xa: {  	_ =	strace s19  }
0xb: {  	s3 =	sld [smem:$0x3FFC];
	_ =	sdelay $0x3  }
0xc: {  	_ =	strace s3  }
0xd: {  	s3 =	sld [smem:$0x3FFD];
	_ =	sdelay $0x3  }
0xe: {  	_ =	strace s3  }
0xf: {  	_ =	strace $0x8FFFFFFF  }
0x10: {  	s20 =	sld [smem:$0x3FDB];
	_ =	sdelay $0x1  }
0x11: {  	s4 =	simm.s32 $_scs_section_size  }
0x12: {  	s5 =	simm.s32 $_size__tile_overlayer_lowered;
	s6 =	simm.s32 $_tile_overlayer_lowered  }
0x13: {  	s23 =	simm.s32 $0x1BFF;
	s22 =	sshll.u32 s6, $0x1;
	s3 =	sadd.s32 s4, s20  }
0x14: {  	s7 =	simm.s32 $0x0;
	s21 =	sshll.u32 s5, $0x1;
	s5 =	sadd.s32 s22, s3  }
0x15: {  	[timem:s7], [sflag:s23] =	dma.local [hbm:s5], s21  }
0x16: {  	_ =	swait.ge [sflag:s23], s21  }
0x17: {  	s4 =	ssub.s32 $0x0, s21;
	[sflag:s23] =	ssyncset.done $0x0  }
0x18: {  	[sflag:s23] =	ssyncadd.s32 s4;
	_ =	sdelay $0x1  }
0x19: {  	s24 =	simm.s32 $0x1B8B  }
0x1a: {  	_ =	swait.ge [sflag:s24], $0x1  }
0x1b: {  	[sflag:s24] =	ssyncset.done $0x0  }
0x1c: {  	s26 =	simm.s32 $0x1B8E;
	s25 =	sld [smem:$0x3FFE];
	[sflag:s24] =	ssyncadd.s32 $0xFFFFFFFF  }
0x1d: {  	s27 =	simm.s32 $execute0_lowered;
	[smem:$0x3FD2] =	sst s26  }
0x1e: {  	s5 =	sshll.u32 s27, $0x1;
	_ =	strace $0x80000049;
	[dreg:$0x1] =	wrdreg $0xFFFFFFFF  }
0x1f: {  	s28 =	simm.s32 $_size_execute0_lowered;
	s3 =	sadd.s32 s3, s5;
	[dreg:$0x0] =	wrdreg $0x0  }
0x20: {  	s5 =	sshll.u32 s28, $0x1;
	[dreg:$0x2] =	wrdreg s3  }
0x21: {  	[dreg:$0x3] =	wrdreg s5  }
0x22: {  	[dreg:$0x4] =	wrdreg $0xC0  }
0x23: {  	_ =	task [dreg:s7], $0x5FFFF  }
0x24: {  	[dreg:$0x1] =	wrdreg $0xFFFFFFFF  }
0x25: {  	[dreg:$0x0] =	wrdreg $0x60  }
0x26: {  	[dreg:$0x2] =	wrdreg s25  }
0x27: {  	[dreg:$0x3] =	wrdreg s2  }
0x28: {  	[dreg:$0x4] =	wrdreg $0x9  }
0x29: {  	_ =	task.clear_ibuf [dreg:s7], $0x5FFFF;
	_ =	strace $0x90000049  }
0x2a: {  	s29 =	simm.s32 $0x9;
	_ =	strace $0x8000004B  }
0x2b: {  	_ =	swait.ge [sflag:s29], $0x1  }
0x2c: {  	[sflag:s29] =	ssyncadd.s32 $0xFFFFFFFF  }
0x2d: {  	_ =	strace $0x9000004B  }
0x2e: {  	_ =	sfence  }
0x2f: {  	s30 =	sld [smem:$0x0];
	_ =	sdelay $0x2  }
0x30: {  	s31 =	sshll.u32 s1, $0xD;
	s1 =	sshrl.u32 s1, $0x2  }
0x31: {  	s3 =	sand.u32 $0x4000, s31;
	s1 =	sadd.s32 s1, s30  }
0x32: {  	s0 =	sor.u32 s3, s0;
	s1 =	sshll.u32 s1, $0x11  }
0x33: {  	s0 =	sor.u32 s1, s0  }
0x34: {  	s0 =	sadd.s32 $0x8F2B, s0  }
0x35: {  	[sflag:s0] =	ssyncadd.remote.s32 $0x1  }
0x36: {  	_ =	sfence.sel $0xFFFF  }
0x37: {  	[dreg:$0x0] =	wrdreg $0xFFFFFFFF;
	(pc) =	sbr.abs _section_cstart, $3  }
0x38: {  	[dreg:$0x1] =	wrdreg $0xFFFFFFFF  }
0x39: {  	_ =	task.clear_ibuf [dreg:s7], $0x2FFFF;
	_ =	strace $0x9FFFFFFF  }
0x3a: {  	(tm) =	ssettm $0x7FFFFFFF  }
0x3b: {  	_ =	shalt  }
tec
execute0_lowered:
.L_overlay_start_1:
0x0: {  	(tag) =	ssettag $0x1  }
0x1: {  	s0 =	rddreg [dreg:$0x0];
	s1 =	srdreg.scid  }
0x2: {  	_ =	strace $0x8000004A;
	s2 =	stileid.u32;
	s30 =	simm.s32 $0x1  }
0x3: {  	s31 =	simm.s32 $0x2;
	s21 =	simm.s32 $0x0;
	s10 =	simm.s32 $0x800  }
0x4: {  	s20 =	simm.s32 $0x0;
	s22 =	simm.s32 $0x0;
	s23 =	simm.s32 $0x0  }
0x5: {  	s11 =	simm.s32 $0x0;
	s12 =	simm.s32 $0x0;
	s14 =	simm.s32 $0x0  }
0x6: {  	s16 =	simm.s32 $0x0;
	s15 =	simm.s32 $0x0;
	s17 =	simm.s32 $0x0  }
.Ltmp0:
0x7: {  	s0 =	sadd.s32 $0x800, s0;
	s29 =	sshll.u32 s1, $0x4;
	(pc) =	sbr.rel .LBB1_1-.Ltmp0, $4  }
0x8: {  	s13 =	simm.s32 $0x0;
	[dreg:$0x3] =	wrdreg s0;
	s0 =	sand.u32 $0x10, s29  }
0x9: {  	[sflag:s30] =	ssyncpa.u1 $0x0;
	s8 =	sand.u32 $0x3, s2;
	s0 =	sor.u32 s2, s0  }
0xa: {  	[sflag:s31] =	ssyncpa.u1 $0x0;
	[dreg:$0x4] =	wrdreg s8;
	s9 =	sshrl.u32 s0, $0x2  }
0xb: {  	s19 =	smov.u32 s8;
	s18 =	smov.u32 s9;
	[dreg:$0x5] =	wrdreg s9  }
.LBB1_18:
0xc: {  	s11 =	rddreg [dreg:$0x6]  }
0xd: {  	s12 =	rddreg [dreg:$0x7]  }
0xe: {  	s4 =	rddreg [dreg:$0x14]  }
0xf: {  	s5 =	rddreg [dreg:$0x15]  }
0x10: {  	s23 =	rddreg [dreg:$0x13]  }
0x11: {  	s16 =	rddreg [dreg:$0xb]  }
0x12: {  	s14 =	rddreg [dreg:$0x9]  }
0x13: {  	s27 =	rddreg [dreg:$0x1]  }
0x14: {  	s30 =	rddreg [dreg:$0x16]  }
0x15: {  	s8 =	rddreg [dreg:$0x4]  }
0x16: {  	s9 =	rddreg [dreg:$0x5]  }
0x17: {  	s13 =	rddreg [dreg:$0x8]  }
0x18: {  	s15 =	rddreg [dreg:$0xa]  }
0x19: {  	s17 =	rddreg [dreg:$0xc]  }
0x1a: {  	s18 =	rddreg [dreg:$0xd]  }
0x1b: {  	s19 =	rddreg [dreg:$0xe]  }
0x1c: {  	s10 =	simm.s32 $0x800;
	s20 =	rddreg [dreg:$0xf];
	s0 =	sshll.u32 s11, $0x8  }
0x1d: {  	s1 =	sshll.u32 s12, $0x3;
	s2 =	sshll.u32 s11, $0x7;
	p0 =	sgt.s32 s12, $0x80  }
0x1e: {  	s3 =	smov.u32 s12;
	s24 =	sand.u32 $0x78, s12;
	s25 =	smul.u32 $0x150000, s16  }
0x1f: {  	s26 =	smul.u32 $0x1800, s14;
	s28 =	sand.u32 $0x7, s12;
	s0 =	sand.u32 $0xFFFFF800, s0  }
0x20: {  	s1 =	sand.u32 $0xFFFFFC00, s1;
	s21 =	sand.u32 $0x300, s2;
	s3 =	simm.s32 @!p0 $0x80  }
0x21: {  	p0 =	sgt.s32 s11, $0x40;
	s2 =	sand.u32 $0x80, s2;
	s29 =	sshll.u32 s28, $0x12  }
0x22: {  	s0 =	sadd.s32 s1, s0;
	s1 =	smov.u32 s11;
	s3 =	sadd.s32 s4, s3  }
0x23: {  	s2 =	sor.u32 s24, s2;
	s31 =	sor.u32 $0x400, s29;
	s0 =	sor.u32 s21, s0  }
0x24: {  	s1 =	simm.s32 @!p0 $0x40;
	s4 =	sadd.s32 $0xFFFFFF80, s3;
	s0 =	sshrl.u32 s0, $0x8  }
0x25: {  	s3 =	ssub.s32 $0x100, s3;
	s2 =	sshrl.u32 s2, $0x3;
	s22 =	smulhi.u32 $0x1555556, s0  }
0x26: {  	s21 =	rddreg [dreg:$0x10];
	s1 =	sadd.s32 s5, s1;
	p0 =	sgt.s32 s4, $0x7F  }
0x27: {  	s5 =	sadd.s32 $0xFFFFFFC0, s1;
	s3 =	simm.s32 @p0 $0x0;
	s4 =	smul.u32 $0xC0, s22  }
0x28: {  	s1 =	ssub.s32 $0xC0, s1;
	p0 =	sgt.s32 s5, $0x7F;
	s3 =	smul.u32 s23, s3  }
0x29: {  	s1 =	simm.s32 @p0 $0x0;
	s0 =	ssub.s32 s0, s4;
	s4 =	sadd.s32 s27, s25  }
0x2a: {  	s23 =	rddreg [dreg:$0x12];
	s1 =	smul.u32 s1, s3;
	s3 =	sadd.s32 s26, s4  }
0x2b: {  	s22 =	rddreg [dreg:$0x11];
	s0 =	sshll.u32 s0, $0x5;
	s2 =	sadd.s32 s2, s3  }
0x2c: {  	s1 =	sand.u32 $0x3FFFFFFF, s1;
	s4 =	sor.u32 $0x8000, s30;
	s0 =	sadd.s32 s0, s2  }
0x2d: {  	[hbm4b:s0+s31] =	stream.strided.scatter [tilespmem:s4], [sflag:$0x2], s1, s10, s31, $0x20;
	[tilespmem:$0x10100] =	vst v63  }
.LBB1_19:
0x2e: {  	p0 =	slt.u32 s13, $0x2  }
0x2f: {  	s0 =	smov.u32 s23;
	s2 =	smov.u32 s22;
	s5 =	smov.u32 s20  }
0x30: {  	s13 =	sadd.s32 $0x1, s13;
	p1 =	sgt.s32 @!p0 s23, $0x3;
	s1 =	sshra.s32 @!p0 s23, $0x1F  }
0x31: {  	s3 =	sshra.s32 @!p0 s22, $0x1F;
	p3 =	sgt.s32 @!p0 s20, $0x80;
	p1 =	por !p1, p0  }
0x32: {  	s4 =	sshra.s32 @!p0 s20, $0x1F;
	s1 =	sand.u32 @!p0 s1, s23;
	s0 =	simm.s32 @p1 $0x3  }
0x33: {  	s4 =	sand.u32 @!p0 s4, s20;
	p1 =	sgt.s32 @!p0 s22, $0xDF;
	s0 =	ssub.s32 @!p0 s0, s1  }
0x34: {  	s20 =	smov.u32 s12;
	p1 =	por !p1, p0;
	s1 =	sadd.s32 @!p0 $0xFFFFFFFD, s0  }
0x35: {  	s2 =	simm.s32 @p1 $0xDF;
	p2 =	sgt.s32 @!p0 s1, $0x0;
	s1 =	sand.u32 @!p0 s3, s22  }
0x36: {  	s0 =	ssub.s32 @!p0 $0x4, s0;
	p1 =	por !p2, p0;
	s1 =	ssub.s32 @!p0 s2, s1  }
0x37: {  	s3 =	smov.u32 s21;
	s0 =	simm.s32 @!p1 $0x0;
	s2 =	sadd.s32 @!p0 $0xFFFFFF21, s1  }
0x38: {  	p1 =	sgt.s32 @!p0 s21, $0x40;
	p2 =	sgt.s32 @!p0 s2, $0x0;
	s2 =	sshra.s32 @!p0 s21, $0x1F  }
0x39: {  	s1 =	ssub.s32 @!p0 $0xE0, s1;
	p1 =	por !p1, p0;
	s2 =	sand.u32 @!p0 s2, s21  }
0x3a: {  	s3 =	simm.s32 @p1 $0x40;
	p1 =	por !p3, p0;
	p2 =	por !p2, p0  }
0x3b: {  	s5 =	simm.s32 @p1 $0x80;
	s1 =	simm.s32 @!p2 $0x0;
	s2 =	ssub.s32 @!p0 s3, s2  }
0x3c: {  	s3 =	ssub.s32 @!p0 s5, s4;
	s0 =	smul.u32 @!p0 s0, s1;
	s1 =	sadd.s32 @!p0 $0xFFFFFFC0, s2  }
0x3d: {  	s5 =	smov.u32 s17;
	s4 =	sadd.s32 @!p0 $0xFFFFFF80, s3;
	p1 =	sgt.s32 @!p0 s1, $0x7F  }
0x3e: {  	s1 =	ssub.s32 @!p0 $0xC0, s2;
	s2 =	ssub.s32 @!p0 $0x100, s3;
	p2 =	sgt.s32 @!p0 s4, $0x7F  }
0x3f: {  	s3 =	sadd.s32 $0x80, s15;
	s4 =	sadd.s32 $0x80, s17;
	p2 =	por !p2, p0  }
0x40: {  	p1 =	por !p1, p0;
	s2 =	simm.s32 @!p2 $0x0;
	p2 =	sgt.s32 s3, $0xBF  }
0x41: {  	s1 =	simm.s32 @!p1 $0x0;
	s0 =	smul.u32 @!p0 s2, s0;
	s5 =	smov.u32 @p2 s4  }
0x42: {  	s2 =	sadd.s32 $0x8, s18;
	s4 =	smov.u32 s18;
	p1 =	sgt.s32 s5, $0xDF  }
0x43: {  	s3 =	simm.s32 @p2 $0x0;
	s0 =	smul.u32 @!p0 s1, s0;
	s4 =	smov.u32 @p1 s2  }
0x44: {  	s1 =	sadd.s32 $0x4, s19;
	s2 =	smov.u32 s19;
	p2 =	sgt.s32 s4, $0xDF  }
0x45: {  	s23 =	smov.u32 s16;
	s12 =	smov.u32 s17;
	s2 =	smov.u32 @p2 s1  }
0x46: {  	s16 =	smov.u32 s19;
	s5 =	simm.s32 @p1 $0x0;
	p1 =	sgt.s32 s2, $0x3  }
0x47: {  	s22 =	smov.u32 s14;
	s2 =	smov.u32 @p1 s8;
	p1 =	sne.s32 s13, $0x72  }
.Ltmp1:
0x48: {  	s14 =	smov.u32 s18;
	s21 =	smov.u32 s11;
	(pc) =	sbr.rel @!p1 .LBB1_20-.Ltmp1, $4  }
0x49: {  	s11 =	smov.u32 s15;
	s0 =	sand.u32 @!p0 $0x3FFFFFFF, s0;
	s1 =	simm.s32 @!p0 $0x2  }
0x4a: {  	s15 =	smov.u32 s3;
	s17 =	smov.u32 s5;
	_ =	swait.ge @!p0 [sflag:s1], s0  }
0x4b: {  	s4 =	smov.u32 @p2 s9;
	s0 =	ssub.s32 @!p0 $0x0, s0;
	[sflag:s1] =	ssyncset.done @!p0 $0x0  }
0x4c: {  	s18 =	smov.u32 s4;
	[sflag:s1] =	ssyncadd.s32 @!p0 s0;
	s19 =	smov.u32 s2  }
.LBB1_1:
0x4d: {  	p0 =	sgt.u32 s13, $0x6F  }
.Ltmp2:
0x4e: {  	_ = 	snop;
	(pc) =	sbr.rel @p0 .LBB1_3-.Ltmp2, $1  }
0x4f: {  	_ =	sdelay $0x3  }
0x50: {  	s0 =	sand.u32 $0x78, s15;
	s1 =	sshll.u32 s17, $0x8  }
0x51: {  	s2 =	sshll.u32 s15, $0x3;
	s3 =	sshll.u32 s17, $0x7;
	p0 =	sgt.s32 s19, $0x3  }
0x52: {  	s26 =	sshra.s32 s19, $0x1F;
	s4 =	smov.u32 s18;
	s5 =	sshra.s32 s18, $0x1F  }
0x53: {  	s29 =	sshra.s32 s17, $0x1F;
	s31 =	sshra.s32 s15, $0x1F;
	s1 =	sand.u32 $0xFFFFF800, s1  }
0x54: {  	s2 =	sand.u32 $0xFFFFFC00, s2;
	s25 =	sand.u32 $0x300, s3;
	s3 =	sand.u32 $0x80, s3  }
0x55: {  	s27 =	sand.u32 s5, s18;
	s30 =	sand.u32 s29, s17;
	s29 =	sand.u32 $0x7, s15  }
0x56: {  	s1 =	sadd.s32 s1, s2;
	s0 =	sor.u32 s0, s3;
	s2 =	smov.u32 s19  }
0x57: {  	s3 =	sand.u32 s26, s19;
	s26 =	smul.u32 $0x1C00, s18;
	s1 =	sor.u32 s25, s1  }
0x58: {  	s2 =	simm.s32 @!p0 $0x3;
	p0 =	sgt.s32 s18, $0xDF;
	s25 =	smul.u32 $0x188000, s19  }
0x59: {  	s0 =	sshrl.u32 s0, $0x3;
	s1 =	sshrl.u32 s1, $0x8;
	s2 =	ssub.s32 s2, s3  }
0x5a: {  	s4 =	simm.s32 @!p0 $0xDF;
	s28 =	smulhi.u32 $0x124924A, s1;
	s6 =	sadd.s32 $0xFFFFFFFD, s2  }
0x5b: {  	s3 =	ssub.s32 s4, s27;
	s2 =	ssub.s32 $0x4, s2;
	p0 =	sgt.s32 s6, $0x0  }
0x5c: {  	s4 =	sadd.s32 $0xFFFFFF21, s3;
	s3 =	ssub.s32 $0xE0, s3;
	s6 =	sand.u32 s31, s15  }
0x5d: {  	s2 =	simm.s32 @p0 $0x0;
	p0 =	sgt.s32 s4, $0x0;
	s4 =	smov.u32 s17  }
0x5e: {  	s5 =	smul.u32 $0xE0, s28;
	s3 =	simm.s32 @p0 $0x0;
	p0 =	sgt.s32 s17, $0x60  }
0x5f: {  	s28 =	rddreg [dreg:$0x3];
	s2 =	smul.u32 s2, s3;
	s4 =	simm.s32 @!p0 $0x60  }
0x60: {  	p0 =	sgt.s32 s15, $0x80;
	s3 =	ssub.s32 s4, s30;
	s4 =	smov.u32 s15  }
0x61: {  	s1 =	ssub.s32 s1, s5;
	s7 =	sadd.s32 $0xFFFFFFA0, s3;
	s4 =	simm.s32 @!p0 $0x80  }
0x62: {  	s3 =	ssub.s32 $0xE0, s3;
	p0 =	sgt.s32 s7, $0x7F;
	s4 =	ssub.s32 s4, s6  }
0x63: {  	s1 =	sshll.u32 s1, $0x5;
	s3 =	simm.s32 @p0 $0x0;
	s24 =	sadd.s32 $0xFFFFFF80, s4  }
0x64: {  	s2 =	smul.u32 s3, s2;
	p0 =	sgt.s32 s24, $0x7F;
	s3 =	ssub.s32 $0x100, s4  }
0x65: {  	s30 =	sshll.u32 s29, $0x12;
	s4 =	sadd.s32 s28, s25;
	s3 =	simm.s32 @p0 $0x0  }
0x66: {  	s7 =	sxor.u32 $0xFFFFFFFF, s13;
	s4 =	sadd.s32 s26, s4;
	s2 =	smul.u32 s3, s2  }
0x67: {  	s31 =	sor.u32 $0x400, s30;
	s6 =	sshll.u32 s7, $0xE;
	s0 =	sadd.s32 s0, s4  }
0x68: {  	s27 =	sand.u32 $0x4000, s6;
	s0 =	sadd.s32 s1, s0;
	s2 =	sand.u32 $0x3FFFFFFF, s2  }
0x69: {  	[tilespmem:s27], [sflag:$0x1] =	stream.strided.gather [hbm4b:s0+s31], s2, s10, s31, $0x38;
	[tilespmem:$0x10100] =	vst v63  }
.LBB1_3:
0x6a: {  	p0 =	seq.s32 s13, $0x0  }
0x6b: {  	p1 =	seq.s32 @!p0 s13, $0x71  }
0x6c: {  	p0 =	por p0, p1  }
.Ltmp3:
0x6d: {  	_ = 	snop;
	(pc) =	sbr.rel @p0 .LBB1_19-.Ltmp3, $1  }
0x6e: {  	_ =	sdelay $0x3  }
0x6f: {  	[dreg:$0x12] =	wrdreg s23  }
0x70: {  	[dreg:$0x11] =	wrdreg s22  }
0x71: {  	[dreg:$0x10] =	wrdreg s21  }
0x72: {  	[dreg:$0xf] =	wrdreg s20  }
0x73: {  	[dreg:$0xe] =	wrdreg s19  }
0x74: {  	[dreg:$0xd] =	wrdreg s18  }
0x75: {  	[dreg:$0xc] =	wrdreg s17  }
0x76: {  	[dreg:$0xa] =	wrdreg s15;
	p0 =	sgt.s32 s16, $0x3;
	s0 =	smov.u32 s16  }
0x77: {  	s1 =	sshra.s32 s16, $0x1F;
	s2 =	sshra.s32 s14, $0x1F;
	s19 =	ssub.s32 $0x0, s12  }
0x78: {  	s20 =	sshra.s32 s12, $0x1F;
	p1 =	sgt.s32 s12, $0x60;
	s4 =	smov.u32 s12  }
0x79: {  	s23 =	ssub.s32 $0x0, s11;
	s24 =	sshra.s32 s11, $0x1F;
	s0 =	simm.s32 @!p0 $0x3  }
0x7a: {  	s1 =	sand.u32 s1, s16;
	p0 =	sgt.s32 s14, $0xDF;
	s2 =	sand.u32 s2, s14  }
0x7b: {  	s4 =	simm.s32 @!p1 $0x60;
	s0 =	ssub.s32 s0, s1;
	s1 =	smov.u32 s14  }
0x7c: {  	s3 =	sadd.s32 $0xFFFFFFFD, s0;
	s1 =	simm.s32 @!p0 $0xDF;
	s0 =	ssub.s32 $0x4, s0  }
0x7d: {  	p0 =	sgt.s32 s3, $0x0;
	s1 =	ssub.s32 s1, s2;
	s2 =	sand.u32 s19, s20  }
0x7e: {  	s3 =	smov.u32 s11;
	s5 =	sadd.s32 $0xFFFFFF21, s1;
	s1 =	ssub.s32 $0xE0, s1  }
0x7f: {  	[dreg:$0x14] =	wrdreg s2;
	s2 =	sadd.s32 s2, s4;
	s0 =	simm.s32 @p0 $0x0  }
0x80: {  	p1 =	sgt.s32 s5, $0x0;
	s21 =	sadd.s32 $0xFFFFFFA0, s2;
	s2 =	ssub.s32 $0xE0, s2  }
0x81: {  	s1 =	simm.s32 @p1 $0x0;
	p0 =	sgt.s32 s21, $0x7F;
	p1 =	sgt.s32 s11, $0x80  }
0x82: {  	s22 =	smul.u32 s0, s1;
	s0 =	sand.u32 s23, s24;
	s3 =	simm.s32 @!p1 $0x80  }
0x83: {  	s2 =	simm.s32 @p0 $0x0;
	[dreg:$0x15] =	wrdreg s0;
	s0 =	sadd.s32 s0, s3  }
0x84: {  	[dreg:$0x6] =	wrdreg s11;
	s25 =	smul.u32 s2, s22;
	s26 =	sadd.s32 $0xFFFFFF80, s0  }
0x85: {  	s0 =	ssub.s32 $0x100, s0;
	s2 =	sadd.s32 $0x1, s16;
	p0 =	sgt.s32 s26, $0x7F  }
0x86: {  	s3 =	sadd.s32 $0x1, s14;
	s0 =	simm.s32 @p0 $0x0;
	p0 =	slt.s32 s2, $0x4  }
0x87: {  	[dreg:$0xb] =	wrdreg s16;
	s2 =	simm.s32 @!p0 $0x4;
	p0 =	slt.s32 s3, $0xE0  }
0x88: {  	s1 =	sadd.s32 $0x80, s12;
	s2 =	ssub.s32 s2, s16;
	s3 =	simm.s32 @!p0 $0xE0  }
0x89: {  	p1 =	slt.s32 s1, $0xE0;
	s3 =	ssub.s32 s3, s14;
	p0 =	slt.s32 s2, $0x1  }
0x8a: {  	[dreg:$0x9] =	wrdreg s14;
	s1 =	simm.s32 @!p1 $0xE0;
	p1 =	slt.s32 @!p0 s3, $0x1  }
0x8b: {  	[dreg:$0x7] =	wrdreg s12;
	s27 =	ssub.s32 s1, s12;
	p1 =	por p0, p1  }
0x8c: {  	[dreg:$0x8] =	wrdreg s13;
	p2 =	slt.s32 @!p1 s27, $0x1  }
0x8d: {  	[dreg:$0x13] =	wrdreg s22;
	s0 =	smul.u32 s0, s25;
	p1 =	por p1, p2  }
.Ltmp4:
0x8e: {  	s29 =	simm.s32 $0x1;
	[dreg:$0x17] =	wrdreg s2;
	(pc) =	sbr.rel @p1 .LBB1_18-.Ltmp4, $4  }
0x8f: {  	s28 =	sand.u32 $0x3FFFFFFF, s0;
	s0 =	sand.u32 $0x1, s13;
	[dreg:$0x18] =	wrdreg s3  }
0x90: {  	s31 =	smul.u32 $0x4080, s0;
	_ =	swait.ge [sflag:s29], s28  }
0x91: {  	s30 =	ssub.s32 $0x0, s28;
	[sflag:s29] =	ssyncset.done $0x0  }
0x92: {  	[dreg:$0x16] =	wrdreg s31;
	[sflag:s29] =	ssyncadd.s32 s30  }
0x93: {  	s2 =	rddreg [dreg:$0x6]  }
0x94: {  	s1 =	sadd.s32 $0x80, s2  }
0x95: {  	p1 =	slt.s32 s1, $0xC0  }
0x96: {  	s1 =	simm.s32 @!p1 $0xC0  }
.Ltmp5:
0x97: {  	s1 =	ssub.s32 s1, s2;
	(pc) =	sbr.rel .LBB1_6-.Ltmp5, $4  }
0x98: {  	s30 =	sshll.u32 @!p0 s0, $0xE;
	s0 =	rddreg [dreg:$0x16];
	s2 =	sadd.s32 $0xF, s1  }
0x99: {  	s31 =	sor.u32 @!p0 $0x8000, s0;
	s28 =	sand.u32 $0xFFFFFFF0, s2  }
0x9a: {  	s29 =	sand.u32 @!p0 $0xFFFFFF00, s2;
	s1 =	sshll.u32 s2, $0x3;
	p0 =	slt.s32 s2, $0x100  }
0x9b: {  	s0 =	sand.u32 $0xFFFFF800, s1;
	s1 =	simm.s32 $0x0;
	p1 =	sge.s32 s29, s28  }
.LBB1_17:
0x9c: {  	s1 =	sadd.s32 $0x1, s1;
	s2 =	rddreg [dreg:$0x17]  }
0x9d: {  	p2 =	sne.s32 s1, s2  }
.Ltmp6:
0x9e: {  	_ = 	snop;
	(pc) =	sbr.rel @!p2 .LBB1_18-.Ltmp6, $1  }
0x9f: {  	_ =	sdelay $0x3  }
.LBB1_6:
.Ltmp7:
0xa0: {  	(pc) =	sbr.rel .LBB1_7-.Ltmp7, $2  }
0xa1: {  	_ =	sdelay $0x2  }
0xa2: {  	s2 =	simm.s32 $0x0  }
.LBB1_16:
0xa3: {  	s2 =	sadd.s32 $0x1, s2;
	s3 =	rddreg [dreg:$0x18]  }
0xa4: {  	p2 =	sne.s32 s2, s3  }
.Ltmp8:
0xa5: {  	_ = 	snop;
	(pc) =	sbr.rel @!p2 .LBB1_17-.Ltmp8, $1  }
0xa6: {  	_ =	sdelay $0x3  }
.LBB1_7:
.Ltmp9:
0xa7: {  	s3 =	sadd.s32 s1, s2;
	(pc) =	sbr.rel .LBB1_8-.Ltmp9, $3  }
0xa8: {  	s4 =	sshll.u32 s3, $0x10;
	s3 =	smul.u32 $0x10200, s3;
	_ =	sdelay $0x1  }
0xa9: {  	s5 =	simm.s32 $0x400;
	s4 =	sshra.s32 s4, $0x2;
	s3 =	sshra.s32 s3, $0x2  }
0xaa: {  	s7 =	sadd.s32 s4, s30;
	s4 =	simm.s32 $0x0;
	s3 =	sadd.s32 s3, s31  }
.LBB1_15:
0xab: {  	s4 =	sadd.s32 $0x1, s4  }
0xac: {  	p2 =	sne.s32 s4, s27  }
.Ltmp10:
0xad: {  	_ = 	snop;
	(pc) =	sbr.rel @!p2 .LBB1_16-.Ltmp10, $2  }
0xae: {  	_ =	sdelay $0x2  }
0xaf: {  	s5 =	sadd.s32 $0x80, s5  }
.LBB1_8:
.Ltmp11:
0xb0: {  	(pc) =	sbr.rel @p0 .LBB1_12-.Ltmp11, $2  }
0xb1: {  	_ =	sdelay $0x2  }
0xb2: {  	s6 =	sshll.u32 s4, $0x7;
	s24 =	sand.u32 $0x7F, s4  }
0xb3: {  	s10 =	sshll.u32 s4, $0x3  }
0xb4: {  	s13 =	sand.u32 $0x380, s6;
	s8 =	sshrl.u32 s10, $0x7  }
0xb5: {  	s9 =	sadd.s32 $0x800, s10;
	s15 =	sadd.s32 $0x1000, s10;
	s18 =	sadd.s32 $0x1800, s10  }
0xb6: {  	s20 =	sadd.s32 $0x2800, s10;
	s26 =	sadd.s32 $0x3000, s10;
	s10 =	sadd.s32 $0x3800, s10  }
0xb7: {  	s11 =	sand.u32 $0x78, s8;
	s9 =	sshrl.u32 s9, $0x7;
	s17 =	sshrl.u32 s15, $0x7  }
0xb8: {  	s15 =	sshrl.u32 s18, $0x7;
	s25 =	sshrl.u32 s20, $0x7;
	s10 =	sshrl.u32 s10, $0x7  }
0xb9: {  	s16 =	sadd.s32 $0x10, s8;
	s12 =	smul.u32 $0x204, s11;
	s9 =	sand.u32 $0x78, s9  }
0xba: {  	s20 =	sadd.s32 $0x30, s8;
	s11 =	sxor.u32 $0x40, s11;
	s14 =	smul.u32 $0x204, s9  }
0xbb: {  	s19 =	sand.u32 $0x78, s15;
	s10 =	sand.u32 $0x78, s10;
	s11 =	smul.u32 $0x204, s11  }
0xbc: {  	s9 =	sadd.s32 s13, s7;
	s13 =	sand.u32 $0x78, s17;
	s10 =	smul.u32 $0x204, s10  }
0xbd: {  	s12 =	sshrl.u32 s12, $0x2;
	s13 =	smul.u32 $0x204, s13;
	v0 =	vmov s9;
	s9 =	sand.u32 $0x3C00, s5  }
0xbe: {  	s12 =	sadd.s32 s12, s3;
	s14 =	sshrl.u32 s14, $0x2;
	s11 =	sshrl.u32 s11, $0x2  }
0xbf: {  	s10 =	sshrl.u32 s10, $0x2;
	s14 =	sadd.s32 s14, s3;
	s21 =	sadd.s32 s24, s12  }
0xc0: {  	s13 =	sshrl.u32 s13, $0x2;
	s12 =	smul.u32 $0x204, s19;
	s11 =	sadd.s32 s11, s3  }
0xc1: {  	s19 =	sadd.s32 $0x20, s8;
	s10 =	sadd.s32 s10, s3;
	s13 =	sadd.s32 s13, s3  }
0xc2: {  	s23 =	sadd.s32 s24, s13;
	s12 =	sshrl.u32 s12, $0x2;
	s13 =	sand.u32 $0x78, s25  }
0xc3: {  	s22 =	sadd.s32 s24, s14;
	s12 =	sadd.s32 s12, s3;
	s13 =	smul.u32 $0x204, s13  }
0xc4: {  	s17 =	sadd.s32 s24, s11;
	s18 =	sadd.s32 s24, s12;
	s12 =	sshrl.u32 s26, $0x7  }
0xc5: {  	s25 =	sadd.s32 $0x50, s8;
	s14 =	sshrl.u32 s13, $0x2;
	s11 =	sand.u32 $0x78, s12  }
0xc6: {  	s12 =	sadd.s32 s14, s3;
	s15 =	smul.u32 $0x204, s11;
	s14 =	sand.u32 $0x78, s19  }
0xc7: {  	s19 =	sadd.s32 s24, s10;
	s11 =	sadd.s32 s24, s12;
	s12 =	sand.u32 $0x78, s16  }
0xc8: {  	s14 =	smul.u32 $0x204, s14;
	s16 =	sadd.s32 $0x60, s8;
	s8 =	sadd.s32 $0x70, s8  }
0xc9: {  	s13 =	sshrl.u32 s15, $0x2;
	s12 =	smul.u32 $0x204, s12;
	s15 =	sand.u32 $0x78, s25  }
0xca: {  	s26 =	sand.u32 $0x78, s16;
	s8 =	sand.u32 $0x78, s8;
	s25 =	smul.u32 $0x204, s15  }
0xcb: {  	s14 =	sshrl.u32 s14, $0x2;
	s16 =	smul.u32 $0x204, s26;
	s12 =	sshrl.u32 s12, $0x2  }
0xcc: {  	v1 =	vld.idx.msk [tilespmem:v0+s9+$0x0 ss:$0x1], $0xffff;
	s8 =	smul.u32 $0x204, s8;
	s14 =	sadd.s32 s14, s3;
	s10 =	sadd.s32 s12, s3  }
0xcd: {  	s12 =	sand.u32 $0x78, s20;
	s20 =	sadd.s32 s24, s14;
	s14 =	sshrl.u32 s25, $0x2  }
0xce: {  	s25 =	sshrl.u32 s16, $0x2;
	s8 =	sshrl.u32 s8, $0x2;
	s15 =	sadd.s32 s24, s10  }
0xcf: {  	s10 =	sadd.s32 s14, s3;
	s14 =	sadd.s32 s25, s3;
	s26 =	sadd.s32 s8, s3  }
0xd0: {  	s8 =	sadd.s32 s24, s14;
	s14 =	sadd.s32 s24, s26;
	s26 =	sadd.s32 $0xFFFFFC00, s5  }
0xd1: {  	[tilespmem:s21+$0x0 ss:$0x81] =	vst.msk $0xffff, v1;
	v1 =	vld.idx.msk [tilespmem:v0+s9+$0x20 ss:$0x1], $0xffff;
	s16 =	sadd.s32 s24, s10;
	s10 =	sand.u32 $0x3C00, s26  }
0xd2: {  	v2 =	vld.idx.msk [tilespmem:v0+s10+$0x70 ss:$0x1], $0xffff  }
0xd3: {  	v3 =	vld.idx.msk [tilespmem:v0+s10+$0x0 ss:$0x1], $0xffff  }
0xd4: {  	v4 =	vld.idx.msk [tilespmem:v0+s10+$0x10 ss:$0x1], $0xffff  }
0xd5: {  	v5 =	vld.idx.msk [tilespmem:v0+s10+$0x20 ss:$0x1], $0xffff  }
0xd6: {  	v6 =	vld.idx.msk [tilespmem:v0+s10+$0x30 ss:$0x1], $0xffff  }
0xd7: {  	v7 =	vld.idx.msk [tilespmem:v0+s10+$0x40 ss:$0x1], $0xffff;
	[tilespmem:s19+$0x0 ss:$0x81] =	vst.msk $0xffff, v2  }
0xd8: {  	v8 =	vld.idx.msk [tilespmem:v0+s10+$0x50 ss:$0x1], $0xffff;
	[tilespmem:s21+$0x0 ss:$0x81] =	vst.msk $0xffff, v3  }
0xd9: {  	p2 =	sgt.s32 s29, $0x100;
	s12 =	smul.u32 $0x204, s12;
	v9 =	vld.idx.msk [tilespmem:v0+s10+$0x60 ss:$0x1], $0xffff;
	[tilespmem:s22+$0x0 ss:$0x81] =	vst.msk $0xffff, v4  }
.Ltmp12:
0xda: {  	v4 =	vld.idx.msk [tilespmem:v0+s9+$0x10 ss:$0x1], $0xffff;
	[tilespmem:s23+$0x0 ss:$0x81] =	vst.msk $0xffff, v5;
	(pc) =	sbr.rel @!p2 .LBB1_11-.Ltmp12, $4  }
0xdb: {  	[tilespmem:s18+$0x0 ss:$0x81] =	vst.msk $0xffff, v6;
	v2 =	vld.idx.msk [tilespmem:v0+s9+$0x30 ss:$0x1], $0xffff  }
0xdc: {  	s13 =	sadd.s32 s13, s3;
	s12 =	sshrl.u32 s12, $0x2;
	[tilespmem:s17+$0x0 ss:$0x81] =	vst.msk $0xffff, v7;
	v3 =	vld.idx.msk [tilespmem:v0+s9+$0x40 ss:$0x1], $0xffff  }
0xdd: {  	s13 =	sadd.s32 s24, s13;
	s12 =	sadd.s32 s12, s3;
	[tilespmem:s11+$0x0 ss:$0x81] =	vst.msk $0xffff, v8;
	v5 =	vld.idx.msk [tilespmem:v0+s9+$0x50 ss:$0x1], $0xffff  }
0xde: {  	s25 =	sadd.s32 $0x800, s5;
	s10 =	simm.s32 $0x100;
	s12 =	sadd.s32 s24, s12;
	[tilespmem:s13+$0x0 ss:$0x81] =	vst.msk $0xffff, v9;
	v6 =	vld.idx.msk [tilespmem:v0+s9+$0x60 ss:$0x1], $0xffff  }
.LBB1_10:
0xdf: {  	s26 =	sadd.s32 $0xFFFFFC00, s25;
	s10 =	sadd.s32 $0x100, s10;
	[tilespmem:s15+$0x0 ss:$0x81] =	vst.msk $0xffff, v4;
	v4 =	vld.idx.msk [tilespmem:v0+s9+$0x70 ss:$0x1], $0xffff;
	s9 =	sand.u32 $0x3C00, s25  }
0xe0: {  	s26 =	sand.u32 $0x3C00, s26;
	v7 =	vld.idx.msk [tilespmem:v0+s9+$0x0 ss:$0x1], $0xffff;
	p2 =	slt.s32 s10, s29;
	[tilespmem:s20+$0x0 ss:$0x81] =	vst.msk $0xffff, v1  }
0xe1: {  	v1 =	vld.idx.msk [tilespmem:v0+s26+$0x70 ss:$0x1], $0xffff;
	[tilespmem:s12+$0x0 ss:$0x81] =	vst.msk $0xffff, v2  }
0xe2: {  	v2 =	vld.idx.msk [tilespmem:v0+s26+$0x0 ss:$0x1], $0xffff;
	[tilespmem:s17+$0x0 ss:$0x81] =	vst.msk $0xffff, v3  }
0xe3: {  	v3 =	vld.idx.msk [tilespmem:v0+s26+$0x10 ss:$0x1], $0xffff;
	[tilespmem:s16+$0x0 ss:$0x81] =	vst.msk $0xffff, v5  }
0xe4: {  	v5 =	vld.idx.msk [tilespmem:v0+s26+$0x20 ss:$0x1], $0xffff;
	[tilespmem:s8+$0x0 ss:$0x81] =	vst.msk $0xffff, v6  }
0xe5: {  	v6 =	vld.idx.msk [tilespmem:v0+s26+$0x30 ss:$0x1], $0xffff;
	[tilespmem:s14+$0x0 ss:$0x81] =	vst.msk $0xffff, v4  }
0xe6: {  	v8 =	vld.idx.msk [tilespmem:v0+s26+$0x40 ss:$0x1], $0xffff;
	[tilespmem:s21+$0x0 ss:$0x81] =	vst.msk $0xffff, v7  }
0xe7: {  	v7 =	vld.idx.msk [tilespmem:v0+s26+$0x50 ss:$0x1], $0xffff;
	[tilespmem:s19+$0x0 ss:$0x81] =	vst.msk $0xffff, v1  }
0xe8: {  	[tilespmem:s21+$0x0 ss:$0x81] =	vst.msk $0xffff, v2;
	v9 =	vld.idx.msk [tilespmem:v0+s26+$0x60 ss:$0x1], $0xffff  }
0xe9: {  	[tilespmem:s22+$0x0 ss:$0x81] =	vst.msk $0xffff, v3;
	v4 =	vld.idx.msk [tilespmem:v0+s9+$0x10 ss:$0x1], $0xffff  }
.Ltmp13:
0xea: {  	[tilespmem:s23+$0x0 ss:$0x81] =	vst.msk $0xffff, v5;
	v1 =	vld.idx.msk [tilespmem:v0+s9+$0x20 ss:$0x1], $0xffff;
	(pc) =	sbr.rel @p2 .LBB1_10-.Ltmp13, $4  }
0xeb: {  	[tilespmem:s18+$0x0 ss:$0x81] =	vst.msk $0xffff, v6;
	v2 =	vld.idx.msk [tilespmem:v0+s9+$0x30 ss:$0x1], $0xffff  }
0xec: {  	[tilespmem:s17+$0x0 ss:$0x81] =	vst.msk $0xffff, v8;
	v3 =	vld.idx.msk [tilespmem:v0+s9+$0x40 ss:$0x1], $0xffff  }
0xed: {  	[tilespmem:s11+$0x0 ss:$0x81] =	vst.msk $0xffff, v7;
	v5 =	vld.idx.msk [tilespmem:v0+s9+$0x50 ss:$0x1], $0xffff  }
0xee: {  	s25 =	sadd.s32 $0x800, s25;
	[tilespmem:s13+$0x0 ss:$0x81] =	vst.msk $0xffff, v9;
	v6 =	vld.idx.msk [tilespmem:v0+s9+$0x60 ss:$0x1], $0xffff  }
.LBB1_11:
0xef: {  	_ =	sdelay $0x2  }
0xf0: {  	[tilespmem:s15+$0x0 ss:$0x81] =	vst.msk $0xffff, v4  }
0xf1: {  	v0 =	vld.idx.msk [tilespmem:v0+s9+$0x70 ss:$0x1], $0xffff;
	[tilespmem:s20+$0x0 ss:$0x81] =	vst.msk $0xffff, v1  }
0xf2: {  	[tilespmem:s12+$0x0 ss:$0x81] =	vst.msk $0xffff, v2  }
0xf3: {  	[tilespmem:s17+$0x0 ss:$0x81] =	vst.msk $0xffff, v3  }
0xf4: {  	[tilespmem:s16+$0x0 ss:$0x81] =	vst.msk $0xffff, v5  }
0xf5: {  	[tilespmem:s8+$0x0 ss:$0x81] =	vst.msk $0xffff, v6  }
0xf6: {  	[tilespmem:s14+$0x0 ss:$0x81] =	vst.msk $0xffff, v0  }
.LBB1_12:
.Ltmp14:
0xf7: {  	(pc) =	sbr.rel @p1 .LBB1_15-.Ltmp14, $1  }
0xf8: {  	_ =	sdelay $0x3  }
0xf9: {  	s9 =	sand.u32 $0x380, s6;
	s8 =	sshrl.u32 s4, $0x4;
	s10 =	sadd.s32 s24, s3  }
0xfa: {  	s11 =	smov.u32 s0;
	s12 =	smov.u32 s29;
	s9 =	sadd.s32 s9, s7  }
.LBB1_14:
0xfb: {  	s13 =	sand.u32 $0x3C00, s11  }
0xfc: {  	s13 =	sadd.s32 s6, s13  }
0xfd: {  	s13 =	sand.u32 $0x3C00, s13  }
0xfe: {  	s14 =	sand.u32 $0x70, s12;
	s25 =	sadd.s32 s12, s8;
	s13 =	sadd.s32 s13, s9  }
0xff: {  	s12 =	sadd.s32 $0x10, s12;
	s26 =	sand.u32 $0x78, s25;
	s13 =	sadd.s32 s14, s13  }
0x100: {  	p2 =	slt.s32 s12, s28;
	v0 =	vld [tilespmem:s13+$0x0];
	s13 =	smul.u32 $0x204, s26  }
.Ltmp15:
0x101: {  	_ = 	snop;
	(pc) =	sbr.rel @p2 .LBB1_14-.Ltmp15, $4  }
0x102: {  	_ = 	snop  }
0x103: {  	s13 =	sshrl.u32 s13, $0x2  }
0x104: {  	s13 =	sadd.s32 s13, s10  }
0x105: {  	s11 =	sadd.s32 $0x80, s11;
	[tilespmem:s13+$0x0 ss:$0x81] =	vst.msk $0xffff, v0  }
.Ltmp16:
0x106: {  	_ = 	snop;
	(pc) =	sbr.rel .LBB1_15-.Ltmp16, $1  }
0x107: {  	_ =	sdelay $0x3  }
.LBB1_20:
0x108: {  	_ =	sfence.sel $0x180000  }
0x109: {  	s0 =	simm.s32 $0x1;
	[bflag:$0x0] =	sbarrier.arrive $0xFFFF  }
0x10a: {  	s30 =	simm.s32 $0x2;
	[sflag:s0] =	ssyncpa.u1 $0x1  }
0x10b: {  	[sflag:s30] =	ssyncpa.u1 $0x1  }
0x10c: {  	_ =	strace $0x9000004A  }
0x10d: {  	s31 =	stileid.u32;
	[bflag:$0x2] =	sbarrier.arrive $0xFFFF  }
0x10e: {  	p0 =	sne.s32 s31, $0x0;
	s0 =	rddreg [dreg:$0x2]  }
0x10f: {  	s0 =	sadd.s32 @!p0 $0x100000, s0  }
0x110: {  	[sflag:s0] =	ssyncadd.tile.s32 @!p0 $0x1;
	_ =	shalt  }
.Lfunc_end1:
_tile_overlayer_lowered:
.L_overlay_start_2:
0x111: {  	(tag) =	ssettag $0x2  }
0x112: {  	s0 =	rddreg [dreg:$0x0];
	s2 =	stileid.u32  }
0x113: {  	s1 =	rddreg [dreg:$0x1];
	p0 =	sne.s32 s2, $0x0  }
0x114: {  	s3 =	rddreg [dreg:$0x2];
	[bflag:$0x3] =	sbarrier.arrive $0xFFFF;
	s2 =	simm.s32 @!p0 $0x1C01  }
0x115: {  	[timem:s3], [sflag:s2] =	dma.local @!p0 [hbm:s0], s1  }
0x116: {  	s0 =	simm.s32 @!p0 $0x1  }
0x117: {  	_ =	swait.ge @!p0 [sflag:s0], s1  }
0x118: {  	s1 =	ssub.s32 @!p0 $0x0, s1;
	[sflag:s0] =	ssyncset.done @!p0 $0x0  }
0x119: {  	[sflag:s0] =	ssyncadd.s32 @!p0 s1  }
0x11a: {  	[bflag:$0x3] =	sbarrier.arrive $0xFFFF  }
0x11b: {  	_ =	shalt  }

</sc_bundles>
